<compile_context>
chip_gen: v7x
topology: tpu7x:2x2x1
jax: 0.10.2.dev20260603
libtpu: 0.0.44.dev20260713+nightly
codegen_flags: <defaults>
</compile_context>

<pallas_src>
import dataclasses
import functools

import jax
import jax.numpy as jnp
from jax import lax
from jax.experimental import pallas as pl
from jax.experimental.pallas import tpu as pltpu
from jax.experimental.pallas import tpu_sc as plsc

TOPK = 8
NEXP = 64
BLK = 1024
HBLK = BLK // 2

NTOK = 8192
NCHUNK = 4
CTOK = NTOK // NCHUNK
NBLK = CTOK // BLK
NC, NS, L = 2, 16, 16
NW = NC * NS
WPB = NW // NBLK
PPW = HBLK // WPB


def _scores_block(x_ref, wt_ref, e_ref):
    x = x_ref[...]
    wt = wt_ref[...]
    logits = jax.lax.dot_general(
        x, wt, (((1,), (0,)), ((), ())),
        preferred_element_type=jnp.float32,
        precision=jax.lax.Precision.DEFAULT,
    )
    m = jnp.max(logits, axis=1, keepdims=True)
    e = jnp.exp(logits - m)
    e_ref[...] = jnp.concatenate(
        [lax.slice(e, (0, 0), (HBLK, NEXP)),
         lax.slice(e, (HBLK, 0), (BLK, NEXP))], axis=1)


def _tc_scores(x, wt, chunk):
    nb = NBLK
    return pl.pallas_call(
        _scores_block,
        grid=(nb,),
        in_specs=[
            pl.BlockSpec((BLK, x.shape[1]),
                         lambda i, c=chunk: (c * NBLK + i, 0)),
            pl.BlockSpec((x.shape[1], NEXP), lambda i: (0, 0)),
        ],
        out_specs=pl.BlockSpec((HBLK, 2 * NEXP), lambda i: (i, 0)),
        out_shape=jax.ShapeDtypeStruct((nb * HBLK, 2 * NEXP), jnp.float32),
        compiler_params=pltpu.CompilerParams(
            dimension_semantics=("parallel",),
        ),
    )(x, wt)


def _token_topk(sc_v, off, lane, mask8):
    ks = []
    vs = []
    for j in range(NEXP // L):
        kj = sc_v[pl.ds(off + j * L, L)]
        skj, svj = plsc.sort_key_val(
            kj, lane + j * L, descending=(j % 2 == 0))
        ks.append(skj)
        vs.append(svj)
    k01, v01 = plsc.sort_key_val(
        jnp.where(mask8, ks[0], ks[1]),
        jnp.where(mask8, vs[0], vs[1]), descending=True)
    k23, v23 = plsc.sort_key_val(
        jnp.where(mask8, ks[2], ks[3]),
        jnp.where(mask8, vs[2], vs[3]), descending=False)
    kf, vf = plsc.sort_key_val(
        jnp.where(mask8, k01, k23),
        jnp.where(mask8, v01, v23), descending=True)
    km = jnp.where(mask8, kf, 0.0)
    return km / jnp.sum(km), vf


def _sc_topk_body(scores_hbm, w_hbm, i_hbm, sc_v, wv, iv, sem):
    wid = lax.axis_index("s") * NC + lax.axis_index("c")
    blk = wid // WPB
    r0 = (wid % WPB) * PPW
    row0 = blk * HBLK + r0
    pltpu.async_copy(
        scores_hbm.at[pl.ds(row0 * 2 * NEXP, PPW * 2 * NEXP)], sc_v, sem
    ).wait()

    lane = lax.iota(jnp.int32, L)
    mask8 = lane < TOPK

    @pl.loop(0, PPW)
    def _(p):
        wa, ia = _token_topk(sc_v, p * 2 * NEXP, lane, mask8)
        wb, ib = _token_topk(sc_v, p * 2 * NEXP + NEXP, lane, mask8)
        plsc.store_compressed(wv.at[pl.ds(p * TOPK, L)], wa, mask=mask8)
        plsc.store_compressed(iv.at[pl.ds(p * TOPK, L)], ia, mask=mask8)
        plsc.store_compressed(
            wv.at[pl.ds((PPW + p) * TOPK, L)], wb, mask=mask8)
        plsc.store_compressed(
            iv.at[pl.ds((PPW + p) * TOPK, L)], ib, mask=mask8)

    tok_a = blk * BLK + r0
    for half, tok in ((0, tok_a), (1, tok_a + HBLK)):
        pltpu.async_copy(
            wv.at[pl.ds(half * PPW * TOPK, PPW * TOPK)],
            w_hbm.at[pl.ds(tok * TOPK, PPW * TOPK)], sem
        ).wait()
        pltpu.async_copy(
            iv.at[pl.ds(half * PPW * TOPK, PPW * TOPK)],
            i_hbm.at[pl.ds(tok * TOPK, PPW * TOPK)], sem
        ).wait()


_sc_compiler_params = pltpu.CompilerParams()
if "needs_layout_passes" in pltpu.CompilerParams.__dataclass_fields__:
    _sc_compiler_params = dataclasses.replace(
        _sc_compiler_params, needs_layout_passes=False)

_sc_topk = functools.partial(
    pl.kernel,
    mesh=plsc.VectorSubcoreMesh(core_axis_name="c", subcore_axis_name="s"),
    compiler_params=_sc_compiler_params,
    out_type=(
        jax.ShapeDtypeStruct((CTOK * TOPK,), jnp.float32),
        jax.ShapeDtypeStruct((CTOK * TOPK,), jnp.int32),
    ),
    scratch_types=[
        pltpu.VMEM((PPW * 2 * NEXP,), jnp.float32),
        pltpu.VMEM((2 * PPW * TOPK + L,), jnp.float32),
        pltpu.VMEM((2 * PPW * TOPK + L,), jnp.int32),
        pltpu.SemaphoreType.DMA,
    ],
)(_sc_topk_body)


@jax.jit
def kernel(hidden_states, W):
    b, s, h = hidden_states.shape
    n = b * s
    x = hidden_states.reshape(n, h)
    wt = W.astype(jnp.float32).T
    es = [_tc_scores(x, wt, c) for c in range(NCHUNK)]
    ws = []
    idxs = []
    for e in es:
        wc, ic = _sc_topk(e.reshape(-1))
        ws.append(wc.reshape(CTOK, TOPK))
        idxs.append(ic.reshape(CTOK, TOPK))
    return jnp.concatenate(ws, axis=0), jnp.concatenate(idxs, axis=0)

# --- scband reference (transcript-rebuilt; emitter-appended) ---
"""Pipeline reference for scband-mo-egate-2877628088861 (READ-ONLY COPY).

The authoritative reference and input builder live on the scoring server;
editing this copy changes nothing except your own understanding.
"""

import jax, jax.numpy as jnp
import numpy as np

TOP_K = 8
N_EXPERTS = 64

def setup_inputs(seed: int = 0) -> dict:
    key = jax.random.key(seed)
    k1, k2 = jax.random.split(key)
    hidden_states = jax.random.normal(k1, (2, 4096, 2048), dtype=jnp.float32)
    # Gate weight parameter: (n_routed_experts, gating_dim)
    W = jax.random.normal(k2, (N_EXPERTS, 2048), dtype=jnp.float32) * 0.02
    return {"hidden_states": hidden_states, "W": W}

def reference(hidden_states, W):
    # Flatten token dims: (B, S, H) -> (B*S, H)
    b, s, h = hidden_states.shape
    x = hidden_states.reshape(-1, h).astype(jnp.float32)
    # F.linear(hidden_states, weight, None) -> x @ W.T
    logits = x @ W.astype(jnp.float32).T  # (B*S, E)
    # Greedy router: softmax scores, top-k selection, normalized top-k weights
    scores = jax.nn.softmax(logits, axis=-1)
    topk_weight, topk_idx = jax.lax.top_k(scores, TOP_K)
    denom = jnp.sum(topk_weight, axis=-1, keepdims=True) + 1e-20
    topk_weight = topk_weight / denom
    return topk_weight, topk_idx

if __name__ == "__main__":
    import jax
    _d = setup_inputs()
    print(jax.jit(kernel)(*tuple(_d.values())))

</pallas_src>

<mosaic_0001>
#map = affine_map<(d0, d1) -> (0)>
module attributes {stable_mosaic.version = 14 : i64} {
  func.func @_sc_topk_body(%arg0: i32, %arg1: i32, %arg2: memref<131072xf32, #tpu.memory_space<hbm>>, %arg3: memref<16384xf32, #tpu.memory_space<hbm>>, %arg4: memref<16384xi32, #tpu.memory_space<hbm>>, %arg5: memref<4096xf32, #tpu.memory_space<vmem>>, %arg6: memref<528xf32, #tpu.memory_space<vmem>>, %arg7: memref<528xi32, #tpu.memory_space<vmem>>, %arg8: memref<!tpu.dma_semaphore, #tpu.memory_space<semaphore_mem>>) attributes {dimension_semantics = [#tpu.dimension_semantics<core_parallel>, #tpu.dimension_semantics<subcore_parallel>], iteration_bounds = array<i64: 2, 16>, scalar_prefetch = 0 : i64, scratch_operands = 4 : i64, tpu.core_type = #tpu.core_type<sc_vector_subcore>, window_params = [{transform_indices = #map}, {transform_indices = #map}, {transform_indices = #map}]} {
    %mul3A = arith.constant 2 : i32
    %mul3A_0 = arith.muli %arg1, %mul3A : i32
    %add3A = arith.addi %mul3A_0, %arg0 : i32
    %jit3A = arith.constant 16 : i32
    %div3A = arith.divsi %add3A, %jit3A : i32
    %sign3A = arith.constant 0 : i32
    %sign3A_1 = arith.cmpi sgt, %add3A, %sign3A : i32
    %sign3A_2 = arith.extui %sign3A_1 : i1 to i32
    %sign3A_3 = arith.constant 0 : i32
    %sign3A_4 = arith.cmpi slt, %add3A, %sign3A_3 : i32
    %sign3A_5 = arith.extui %sign3A_4 : i1 to i32
    %sign3A_6 = arith.subi %sign3A_2, %sign3A_5 : i32
    %sign3A_7 = arith.constant 0 : i32
    %sign3A_8 = arith.cmpi sgt, %jit3A, %sign3A_7 : i32
    %sign3A_9 = arith.extui %sign3A_8 : i1 to i32
    %sign3A_10 = arith.constant 0 : i32
    %sign3A_11 = arith.cmpi slt, %jit3A, %sign3A_10 : i32
    %sign3A_12 = arith.extui %sign3A_11 : i1 to i32
    %sign3A_13 = arith.subi %sign3A_9, %sign3A_12 : i32
    %ne3A = arith.cmpi ne, %sign3A_6, %sign3A_13 : i32
    %rem3A = arith.remsi %add3A, %jit3A : i32
    %ne3A_14 = arith.constant 0 : i32
    %ne3A_15 = arith.cmpi ne, %rem3A, %ne3A_14 : i32
    %and3A = arith.andi %ne3A, %ne3A_15 : i1
    %sub3A = arith.constant 1 : i32
    %sub3A_16 = arith.subi %div3A, %sub3A : i32
    %select_n3A = arith.select %and3A, %sub3A_16, %div3A : i32
    %jit3A_17 = arith.constant 16 : i32
    %eq3A = arith.constant 0 : i32
    %eq3A_18 = arith.cmpi eq, %jit3A_17, %eq3A : i32
    %jit3A_19 = arith.constant 1 : i32
    %select_n3A_20 = arith.select %eq3A_18, %jit3A_19, %jit3A_17 : i32
    %rem3A_21 = arith.remsi %add3A, %select_n3A_20 : i32
    %ne3A_22 = arith.constant 0 : i32
    %ne3A_23 = arith.cmpi ne, %rem3A_21, %ne3A_22 : i32
    %lt3A = arith.constant 0 : i32
    %lt3A_24 = arith.cmpi slt, %rem3A_21, %lt3A : i32
    %lt3A_25 = arith.constant 0 : i32
    %lt3A_26 = arith.cmpi slt, %select_n3A_20, %lt3A_25 : i32
    %ne3A_27 = arith.xori %lt3A_24, %lt3A_26 : i1
    %and3A_28 = arith.andi %ne3A_27, %ne3A_23 : i1
    %add3A_29 = arith.addi %rem3A_21, %select_n3A_20 : i32
    %select_n3A_30 = arith.select %and3A_28, %add3A_29, %rem3A_21 : i32
    %mul3A_31 = arith.constant 32 : i32
    %mul3A_32 = arith.muli %select_n3A_30, %mul3A_31 : i32
    %mul3A_33 = arith.constant 512 : i32
    %mul3A_34 = arith.muli %select_n3A, %mul3A_33 : i32
    %add3A_35 = arith.addi %mul3A_34, %mul3A_32 : i32
    %mul3A_36 = arith.constant 2 : i32
    %mul3A_37 = arith.muli %add3A_35, %mul3A_36 : i32
    %mul3A_38 = arith.constant 64 : i32
    %mul3A_39 = arith.muli %mul3A_37, %mul3A_38 : i32
    %dma_start3A = tpu.memref_slice %arg2[%mul3A_39] : memref<131072xf32, #tpu.memory_space<hbm>> -> memref<4096xf32, #tpu.memory_space<hbm>>
    %dma_start3A_40 = tpu.memref_slice %arg2[%mul3A_39] : memref<131072xf32, #tpu.memory_space<hbm>> -> memref<4096xf32, #tpu.memory_space<hbm>>
    tpu.enqueue_dma source(%dma_start3A_40 : memref<4096xf32, #tpu.memory_space<hbm>>) target(%arg5 : memref<4096xf32, #tpu.memory_space<vmem>>) target_semaphore(%arg8 : memref<!tpu.dma_semaphore, #tpu.memory_space<semaphore_mem>>)
    %dma_wait3A = tpu.memref_slice %arg2[%mul3A_39] : memref<131072xf32, #tpu.memory_space<hbm>> -> memref<4096xf32, #tpu.memory_space<hbm>>
    %dma_wait3A_41 = tpu.memref_slice %arg2[%mul3A_39] : memref<131072xf32, #tpu.memory_space<hbm>> -> memref<4096xf32, #tpu.memory_space<hbm>>
    tpu.wait_dma2 semaphore(%arg8 : memref<!tpu.dma_semaphore, #tpu.memory_space<semaphore_mem>>) src(%dma_wait3A_41 : memref<4096xf32, #tpu.memory_space<hbm>>) dst(%arg5 : memref<4096xf32, #tpu.memory_space<vmem>>)
    %iota3A = tpu.iota {dimensions = array<i32: 0>} : vector<16xi32>
    %lt3A_42 = arith.constant 8 : i32
    %lt3A_43 = vector.broadcast %lt3A_42 : i32 to vector<16xi32>
    %lt3A_44 = arith.cmpi slt, %iota3A, %lt3A_43 : vector<16xi32>
    %scan3A = arith.constant 0 : i32
    %scan3A_45 = arith.constant 32 : i32
    %scan3A_46 = arith.addi %scan3A, %scan3A_45 : i32
    %scan3A_47 = arith.constant 1 : i32
    scf.for %scan3A_110 = %scan3A to %scan3A_46 step %scan3A_47  : i32 {
      %mul3A_111 = arith.constant 1 : i32
      %mul3A_112 = arith.muli %scan3A_110, %mul3A_111 : i32
      %add3A_113 = arith.constant 0 : i32
      %add3A_114 = arith.addi %add3A_113, %mul3A_112 : i32
      %mul3A_115 = arith.constant 2 : i32
      %mul3A_116 = arith.muli %add3A_114, %mul3A_115 : i32
      %mul3A_117 = arith.constant 64 : i32
      %mul3A_118 = arith.muli %mul3A_116, %mul3A_117 : i32
      %add3A_119 = arith.constant 0 : i32
      %add3A_120 = arith.addi %mul3A_118, %add3A_119 : i32
      %get3A = arith.index_cast %add3A_120 : i32 to index
      %get3A_121 = tpu.vector_load %arg5[%get3A] {strides = array<i32>} : memref<4096xf32, #tpu.memory_space<vmem>>, vector<16xf32>,
      %add3A_122 = arith.constant 0 : i32
      %add3A_123 = vector.broadcast %add3A_122 : i32 to vector<16xi32>
      %add3A_124 = arith.addi %iota3A, %add3A_123 : vector<16xi32>
      %masked_sort3A = arith.constant dense<true> : vector<16xi1>
      %masked_sort3A_125, %masked_sort3A_126, %masked_sort3A_127 = tpu.sort %get3A_121, %add3A_124 masked %masked_sort3A {descending = true} : (vector<16xf32>, vector<16xi32>, vector<16xi1>) -> (vector<16xi1>, vector<16xf32>, vector<16xi32>)
      %add3A_128 = arith.constant 16 : i32
      %add3A_129 = arith.addi %mul3A_118, %add3A_128 : i32
      %get3A_130 = arith.index_cast %add3A_129 : i32 to index
      %get3A_131 = tpu.vector_load %arg5[%get3A_130] {strides = array<i32>} : memref<4096xf32, #tpu.memory_space<vmem>>, vector<16xf32>,
      %add3A_132 = arith.constant 16 : i32
      %add3A_133 = vector.broadcast %add3A_132 : i32 to vector<16xi32>
      %add3A_134 = arith.addi %iota3A, %add3A_133 : vector<16xi32>
      %masked_sort3A_135 = arith.constant dense<true> : vector<16xi1>
      %masked_sort3A_136, %masked_sort3A_137, %masked_sort3A_138 = tpu.sort %get3A_131, %add3A_134 masked %masked_sort3A_135 : (vector<16xf32>, vector<16xi32>, vector<16xi1>) -> (vector<16xi1>, vector<16xf32>, vector<16xi32>)
      %add3A_139 = arith.constant 32 : i32
      %add3A_140 = arith.addi %mul3A_118, %add3A_139 : i32
      %get3A_141 = arith.index_cast %add3A_140 : i32 to index
      %get3A_142 = tpu.vector_load %arg5[%get3A_141] {strides = array<i32>} : memref<4096xf32, #tpu.memory_space<vmem>>, vector<16xf32>,
      %add3A_143 = arith.constant 32 : i32
      %add3A_144 = vector.broadcast %add3A_143 : i32 to vector<16xi32>
      %add3A_145 = arith.addi %iota3A, %add3A_144 : vector<16xi32>
      %masked_sort3A_146 = arith.constant dense<true> : vector<16xi1>
      %masked_sort3A_147, %masked_sort3A_148, %masked_sort3A_149 = tpu.sort %get3A_142, %add3A_145 masked %masked_sort3A_146 {descending = true} : (vector<16xf32>, vector<16xi32>, vector<16xi1>) -> (vector<16xi1>, vector<16xf32>, vector<16xi32>)
      %add3A_150 = arith.constant 48 : i32
      %add3A_151 = arith.addi %mul3A_118, %add3A_150 : i32
      %get3A_152 = arith.index_cast %add3A_151 : i32 to index
      %get3A_153 = tpu.vector_load %arg5[%get3A_152] {strides = array<i32>} : memref<4096xf32, #tpu.memory_space<vmem>>, vector<16xf32>,
      %add3A_154 = arith.constant 48 : i32
      %add3A_155 = vector.broadcast %add3A_154 : i32 to vector<16xi32>
      %add3A_156 = arith.addi %iota3A, %add3A_155 : vector<16xi32>
      %masked_sort3A_157 = arith.constant dense<true> : vector<16xi1>
      %masked_sort3A_158, %masked_sort3A_159, %masked_sort3A_160 = tpu.sort %get3A_153, %add3A_156 masked %masked_sort3A_157 : (vector<16xf32>, vector<16xi32>, vector<16xi1>) -> (vector<16xi1>, vector<16xf32>, vector<16xi32>)
      %select_n3A_161 = arith.select %lt3A_44, %masked_sort3A_126, %masked_sort3A_137 : vector<16xi1>, vector<16xf32>
      %select_n3A_162 = arith.select %lt3A_44, %masked_sort3A_127, %masked_sort3A_138 : vector<16xi1>, vector<16xi32>
      %masked_sort3A_163 = arith.constant dense<true> : vector<16xi1>
      %masked_sort3A_164, %masked_sort3A_165, %masked_sort3A_166 = tpu.sort %select_n3A_161, %select_n3A_162 masked %masked_sort3A_163 {descending = true} : (vector<16xf32>, vector<16xi32>, vector<16xi1>) -> (vector<16xi1>, vector<16xf32>, vector<16xi32>)
      %select_n3A_167 = arith.select %lt3A_44, %masked_sort3A_148, %masked_sort3A_159 : vector<16xi1>, vector<16xf32>
      %select_n3A_168 = arith.select %lt3A_44, %masked_sort3A_149, %masked_sort3A_160 : vector<16xi1>, vector<16xi32>
      %masked_sort3A_169 = arith.constant dense<true> : vector<16xi1>
      %masked_sort3A_170, %masked_sort3A_171, %masked_sort3A_172 = tpu.sort %select_n3A_167, %select_n3A_168 masked %masked_sort3A_169 : (vector<16xf32>, vector<16xi32>, vector<16xi1>) -> (vector<16xi1>, vector<16xf32>, vector<16xi32>)
      %select_n3A_173 = arith.select %lt3A_44, %masked_sort3A_165, %masked_sort3A_171 : vector<16xi1>, vector<16xf32>
      %select_n3A_174 = arith.select %lt3A_44, %masked_sort3A_166, %masked_sort3A_172 : vector<16xi1>, vector<16xi32>
      %masked_sort3A_175 = arith.constant dense<true> : vector<16xi1>
      %masked_sort3A_176, %masked_sort3A_177, %masked_sort3A_178 = tpu.sort %select_n3A_173, %select_n3A_174 masked %masked_sort3A_175 {descending = true} : (vector<16xf32>, vector<16xi32>, vector<16xi1>) -> (vector<16xi1>, vector<16xf32>, vector<16xi32>)
      %jit3A_179 = arith.constant 0.000000e+00 : f32
      %broadcast_in_dim3A = vector.broadcast %jit3A_179 : f32 to vector<16xf32>
      %select_n3A_180 = arith.select %lt3A_44, %masked_sort3A_177, %broadcast_in_dim3A : vector<16xi1>, vector<16xf32>
      %reduce_sum3A = arith.constant true
      %reduce_sum3A_181 = vector.broadcast %reduce_sum3A : i1 to vector<16xi1>
      %reduce_sum3A_182 = tpu.scan <sum>, %select_n3A_180 masked %reduce_sum3A_181 : vector<16xf32>, vector<16xi1> -> vector<16xf32>
      %reduce_sum3A_183 = vector.extract %reduce_sum3A_182[15] : f32 from vector<16xf32>
      %div3A_184 = vector.broadcast %reduce_sum3A_183 : f32 to vector<16xf32>
      %div3A_185 = arith.divf %select_n3A_180, %div3A_184 : vector<16xf32>
      %mul3A_186 = arith.constant 2 : i32
      %mul3A_187 = arith.muli %add3A_114, %mul3A_186 : i32
      %mul3A_188 = arith.constant 64 : i32
      %mul3A_189 = arith.muli %mul3A_187, %mul3A_188 : i32
      %add3A_190 = arith.constant 64 : i32
      %add3A_191 = arith.addi %mul3A_189, %add3A_190 : i32
      %add3A_192 = arith.constant 0 : i32
      %add3A_193 = arith.addi %add3A_191, %add3A_192 : i32
      %get3A_194 = arith.index_cast %add3A_193 : i32 to index
      %get3A_195 = tpu.vector_load %arg5[%get3A_194] {strides = array<i32>} : memref<4096xf32, #tpu.memory_space<vmem>>, vector<16xf32>,
      %add3A_196 = arith.constant 0 : i32
      %add3A_197 = vector.broadcast %add3A_196 : i32 to vector<16xi32>
      %add3A_198 = arith.addi %iota3A, %add3A_197 : vector<16xi32>
      %masked_sort3A_199 = arith.constant dense<true> : vector<16xi1>
      %masked_sort3A_200, %masked_sort3A_201, %masked_sort3A_202 = tpu.sort %get3A_195, %add3A_198 masked %masked_sort3A_199 {descending = true} : (vector<16xf32>, vector<16xi32>, vector<16xi1>) -> (vector<16xi1>, vector<16xf32>, vector<16xi32>)
      %add3A_203 = arith.constant 16 : i32
      %add3A_204 = arith.addi %add3A_191, %add3A_203 : i32
      %get3A_205 = arith.index_cast %add3A_204 : i32 to index
      %get3A_206 = tpu.vector_load %arg5[%get3A_205] {strides = array<i32>} : memref<4096xf32, #tpu.memory_space<vmem>>, vector<16xf32>,
      %add3A_207 = arith.constant 16 : i32
      %add3A_208 = vector.broadcast %add3A_207 : i32 to vector<16xi32>
      %add3A_209 = arith.addi %iota3A, %add3A_208 : vector<16xi32>
      %masked_sort3A_210 = arith.constant dense<true> : vector<16xi1>
      %masked_sort3A_211, %masked_sort3A_212, %masked_sort3A_213 = tpu.sort %get3A_206, %add3A_209 masked %masked_sort3A_210 : (vector<16xf32>, vector<16xi32>, vector<16xi1>) -> (vector<16xi1>, vector<16xf32>, vector<16xi32>)
      %add3A_214 = arith.constant 32 : i32
      %add3A_215 = arith.addi %add3A_191, %add3A_214 : i32
      %get3A_216 = arith.index_cast %add3A_215 : i32 to index
      %get3A_217 = tpu.vector_load %arg5[%get3A_216] {strides = array<i32>} : memref<4096xf32, #tpu.memory_space<vmem>>, vector<16xf32>,
      %add3A_218 = arith.constant 32 : i32
      %add3A_219 = vector.broadcast %add3A_218 : i32 to vector<16xi32>
      %add3A_220 = arith.addi %iota3A, %add3A_219 : vector<16xi32>
      %masked_sort3A_221 = arith.constant dense<true> : vector<16xi1>
      %masked_sort3A_222, %masked_sort3A_223, %masked_sort3A_224 = tpu.sort %get3A_217, %add3A_220 masked %masked_sort3A_221 {descending = true} : (vector<16xf32>, vector<16xi32>, vector<16xi1>) -> (vector<16xi1>, vector<16xf32>, vector<16xi32>)
      %add3A_225 = arith.constant 48 : i32
      %add3A_226 = arith.addi %add3A_191, %add3A_225 : i32
      %get3A_227 = arith.index_cast %add3A_226 : i32 to index
      %get3A_228 = tpu.vector_load %arg5[%get3A_227] {strides = array<i32>} : memref<4096xf32, #tpu.memory_space<vmem>>, vector<16xf32>,
      %add3A_229 = arith.constant 48 : i32
      %add3A_230 = vector.broadcast %add3A_229 : i32 to vector<16xi32>
      %add3A_231 = arith.addi %iota3A, %add3A_230 : vector<16xi32>
      %masked_sort3A_232 = arith.constant dense<true> : vector<16xi1>
      %masked_sort3A_233, %masked_sort3A_234, %masked_sort3A_235 = tpu.sort %get3A_228, %add3A_231 masked %masked_sort3A_232 : (vector<16xf32>, vector<16xi32>, vector<16xi1>) -> (vector<16xi1>, vector<16xf32>, vector<16xi32>)
      %select_n3A_236 = arith.select %lt3A_44, %masked_sort3A_201, %masked_sort3A_212 : vector<16xi1>, vector<16xf32>
      %select_n3A_237 = arith.select %lt3A_44, %masked_sort3A_202, %masked_sort3A_213 : vector<16xi1>, vector<16xi32>
      %masked_sort3A_238 = arith.constant dense<true> : vector<16xi1>
      %masked_sort3A_239, %masked_sort3A_240, %masked_sort3A_241 = tpu.sort %select_n3A_236, %select_n3A_237 masked %masked_sort3A_238 {descending = true} : (vector<16xf32>, vector<16xi32>, vector<16xi1>) -> (vector<16xi1>, vector<16xf32>, vector<16xi32>)
      %select_n3A_242 = arith.select %lt3A_44, %masked_sort3A_223, %masked_sort3A_234 : vector<16xi1>, vector<16xf32>
      %select_n3A_243 = arith.select %lt3A_44, %masked_sort3A_224, %masked_sort3A_235 : vector<16xi1>, vector<16xi32>
      %masked_sort3A_244 = arith.constant dense<true> : vector<16xi1>
      %masked_sort3A_245, %masked_sort3A_246, %masked_sort3A_247 = tpu.sort %select_n3A_242, %select_n3A_243 masked %masked_sort3A_244 : (vector<16xf32>, vector<16xi32>, vector<16xi1>) -> (vector<16xi1>, vector<16xf32>, vector<16xi32>)
      %select_n3A_248 = arith.select %lt3A_44, %masked_sort3A_240, %masked_sort3A_246 : vector<16xi1>, vector<16xf32>
      %select_n3A_249 = arith.select %lt3A_44, %masked_sort3A_241, %masked_sort3A_247 : vector<16xi1>, vector<16xi32>
      %masked_sort3A_250 = arith.constant dense<true> : vector<16xi1>
      %masked_sort3A_251, %masked_sort3A_252, %masked_sort3A_253 = tpu.sort %select_n3A_248, %select_n3A_249 masked %masked_sort3A_250 {descending = true} : (vector<16xf32>, vector<16xi32>, vector<16xi1>) -> (vector<16xi1>, vector<16xf32>, vector<16xi32>)
      %jit3A_254 = arith.constant 0.000000e+00 : f32
      %broadcast_in_dim3A_255 = vector.broadcast %jit3A_254 : f32 to vector<16xf32>
      %select_n3A_256 = arith.select %lt3A_44, %masked_sort3A_252, %broadcast_in_dim3A_255 : vector<16xi1>, vector<16xf32>
      %reduce_sum3A_257 = arith.constant true
      %reduce_sum3A_258 = vector.broadcast %reduce_sum3A_257 : i1 to vector<16xi1>
      %reduce_sum3A_259 = tpu.scan <sum>, %select_n3A_256 masked %reduce_sum3A_258 : vector<16xf32>, vector<16xi1> -> vector<16xf32>
      %reduce_sum3A_260 = vector.extract %reduce_sum3A_259[15] : f32 from vector<16xf32>
      %div3A_261 = vector.broadcast %reduce_sum3A_260 : f32 to vector<16xf32>
      %div3A_262 = arith.divf %select_n3A_256, %div3A_261 : vector<16xf32>
      %mul3A_263 = arith.constant 8 : i32
      %mul3A_264 = arith.muli %add3A_114, %mul3A_263 : i32
      %swap3A = arith.index_cast %mul3A_264 : i32 to index
      %swap3A_265 = tpu.vector_load %arg6[%swap3A] masked %lt3A_44 {strides = array<i32>} : memref<528xf32, #tpu.memory_space<vmem>>, vector<16xf32>, vector<16xi1>
      tpu.vector_store %arg6[%swap3A], %div3A_185 masked %lt3A_44 {strides = array<i32>} : memref<528xf32, #tpu.memory_space<vmem>>, vector<16xf32>, vector<16xi1>
      %mul3A_266 = arith.constant 8 : i32
      %mul3A_267 = arith.muli %add3A_114, %mul3A_266 : i32
      %swap3A_268 = arith.index_cast %mul3A_267 : i32 to index
      %swap3A_269 = tpu.vector_load %arg7[%swap3A_268] masked %lt3A_44 {strides = array<i32>} : memref<528xi32, #tpu.memory_space<vmem>>, vector<16xi32>, vector<16xi1>
      tpu.vector_store %arg7[%swap3A_268], %masked_sort3A_178 masked %lt3A_44 {strides = array<i32>} : memref<528xi32, #tpu.memory_space<vmem>>, vector<16xi32>, vector<16xi1>
      %add3A_270 = arith.constant 32 : i32
      %add3A_271 = arith.addi %add3A_270, %add3A_114 : i32
      %mul3A_272 = arith.constant 8 : i32
      %mul3A_273 = arith.muli %add3A_271, %mul3A_272 : i32
      %swap3A_274 = arith.index_cast %mul3A_273 : i32 to index
      %swap3A_275 = tpu.vector_load %arg6[%swap3A_274] masked %lt3A_44 {strides = array<i32>} : memref<528xf32, #tpu.memory_space<vmem>>, vector<16xf32>, vector<16xi1>
      tpu.vector_store %arg6[%swap3A_274], %div3A_262 masked %lt3A_44 {strides = array<i32>} : memref<528xf32, #tpu.memory_space<vmem>>, vector<16xf32>, vector<16xi1>
      %add3A_276 = arith.constant 32 : i32
      %add3A_277 = arith.addi %add3A_276, %add3A_114 : i32
      %mul3A_278 = arith.constant 8 : i32
      %mul3A_279 = arith.muli %add3A_277, %mul3A_278 : i32
      %swap3A_280 = arith.index_cast %mul3A_279 : i32 to index
      %swap3A_281 = tpu.vector_load %arg7[%swap3A_280] masked %lt3A_44 {strides = array<i32>} : memref<528xi32, #tpu.memory_space<vmem>>, vector<16xi32>, vector<16xi1>
      tpu.vector_store %arg7[%swap3A_280], %masked_sort3A_253 masked %lt3A_44 {strides = array<i32>} : memref<528xi32, #tpu.memory_space<vmem>>, vector<16xi32>, vector<16xi1>
    }
    %scan3A_48 = arith.constant 32 : i32
    %mul3A_49 = arith.constant 1024 : i32
    %mul3A_50 = arith.muli %select_n3A, %mul3A_49 : i32
    %add3A_51 = arith.addi %mul3A_50, %mul3A_32 : i32
    %add3A_52 = arith.constant 512 : i32
    %add3A_53 = arith.addi %add3A_51, %add3A_52 : i32
    %mul3A_54 = arith.constant 8 : i32
    %mul3A_55 = arith.muli %add3A_51, %mul3A_54 : i32
    %dma_start3A_56 = arith.constant 0 : i32
    %dma_start3A_57 = tpu.memref_slice %arg6[%dma_start3A_56] : memref<528xf32, #tpu.memory_space<vmem>> -> memref<256xf32, #tpu.memory_space<vmem>>
    %dma_start3A_58 = tpu.memref_slice %arg3[%mul3A_55] : memref<16384xf32, #tpu.memory_space<hbm>> -> memref<256xf32, #tpu.memory_space<hbm>>
    %dma_start3A_59 = tpu.memref_slice %arg3[%mul3A_55] : memref<16384xf32, #tpu.memory_space<hbm>> -> memref<256xf32, #tpu.memory_space<hbm>>
    %dma_start3A_60 = arith.constant 0 : i32
    %dma_start3A_61 = tpu.memref_slice %arg6[%dma_start3A_60] : memref<528xf32, #tpu.memory_space<vmem>> -> memref<256xf32, #tpu.memory_space<vmem>>
    tpu.enqueue_dma source(%dma_start3A_61 : memref<256xf32, #tpu.memory_space<vmem>>) target(%dma_start3A_59 : memref<256xf32, #tpu.memory_space<hbm>>) target_semaphore(%arg8 : memref<!tpu.dma_semaphore, #tpu.memory_space<semaphore_mem>>)
    %dma_wait3A_62 = arith.constant 0 : i32
    %dma_wait3A_63 = tpu.memref_slice %arg6[%dma_wait3A_62] : memref<528xf32, #tpu.memory_space<vmem>> -> memref<256xf32, #tpu.memory_space<vmem>>
    %dma_wait3A_64 = tpu.memref_slice %arg3[%mul3A_55] : memref<16384xf32, #tpu.memory_space<hbm>> -> memref<256xf32, #tpu.memory_space<hbm>>
    %dma_wait3A_65 = tpu.memref_slice %arg3[%mul3A_55] : memref<16384xf32, #tpu.memory_space<hbm>> -> memref<256xf32, #tpu.memory_space<hbm>>
    %dma_wait3A_66 = arith.constant 0 : i32
    %dma_wait3A_67 = tpu.memref_slice %arg6[%dma_wait3A_66] : memref<528xf32, #tpu.memory_space<vmem>> -> memref<256xf32, #tpu.memory_space<vmem>>
    tpu.wait_dma2 semaphore(%arg8 : memref<!tpu.dma_semaphore, #tpu.memory_space<semaphore_mem>>) src(%dma_wait3A_67 : memref<256xf32, #tpu.memory_space<vmem>>) dst(%dma_wait3A_65 : memref<256xf32, #tpu.memory_space<hbm>>)
    %mul3A_68 = arith.constant 8 : i32
    %mul3A_69 = arith.muli %add3A_51, %mul3A_68 : i32
    %dma_start3A_70 = arith.constant 0 : i32
    %dma_start3A_71 = tpu.memref_slice %arg7[%dma_start3A_70] : memref<528xi32, #tpu.memory_space<vmem>> -> memref<256xi32, #tpu.memory_space<vmem>>
    %dma_start3A_72 = tpu.memref_slice %arg4[%mul3A_69] : memref<16384xi32, #tpu.memory_space<hbm>> -> memref<256xi32, #tpu.memory_space<hbm>>
    %dma_start3A_73 = tpu.memref_slice %arg4[%mul3A_69] : memref<16384xi32, #tpu.memory_space<hbm>> -> memref<256xi32, #tpu.memory_space<hbm>>
    %dma_start3A_74 = arith.constant 0 : i32
    %dma_start3A_75 = tpu.memref_slice %arg7[%dma_start3A_74] : memref<528xi32, #tpu.memory_space<vmem>> -> memref<256xi32, #tpu.memory_space<vmem>>
    tpu.enqueue_dma source(%dma_start3A_75 : memref<256xi32, #tpu.memory_space<vmem>>) target(%dma_start3A_73 : memref<256xi32, #tpu.memory_space<hbm>>) target_semaphore(%arg8 : memref<!tpu.dma_semaphore, #tpu.memory_space<semaphore_mem>>)
    %dma_wait3A_76 = arith.constant 0 : i32
    %dma_wait3A_77 = tpu.memref_slice %arg7[%dma_wait3A_76] : memref<528xi32, #tpu.memory_space<vmem>> -> memref<256xi32, #tpu.memory_space<vmem>>
    %dma_wait3A_78 = tpu.memref_slice %arg4[%mul3A_69] : memref<16384xi32, #tpu.memory_space<hbm>> -> memref<256xi32, #tpu.memory_space<hbm>>
    %dma_wait3A_79 = tpu.memref_slice %arg4[%mul3A_69] : memref<16384xi32, #tpu.memory_space<hbm>> -> memref<256xi32, #tpu.memory_space<hbm>>
    %dma_wait3A_80 = arith.constant 0 : i32
    %dma_wait3A_81 = tpu.memref_slice %arg7[%dma_wait3A_80] : memref<528xi32, #tpu.memory_space<vmem>> -> memref<256xi32, #tpu.memory_space<vmem>>
    tpu.wait_dma2 semaphore(%arg8 : memref<!tpu.dma_semaphore, #tpu.memory_space<semaphore_mem>>) src(%dma_wait3A_81 : memref<256xi32, #tpu.memory_space<vmem>>) dst(%dma_wait3A_79 : memref<256xi32, #tpu.memory_space<hbm>>)
    %mul3A_82 = arith.constant 8 : i32
    %mul3A_83 = arith.muli %add3A_53, %mul3A_82 : i32
    %dma_start3A_84 = arith.constant 256 : i32
    %dma_start3A_85 = tpu.memref_slice %arg6[%dma_start3A_84] : memref<528xf32, #tpu.memory_space<vmem>> -> memref<256xf32, #tpu.memory_space<vmem>>
    %dma_start3A_86 = tpu.memref_slice %arg3[%mul3A_83] : memref<16384xf32, #tpu.memory_space<hbm>> -> memref<256xf32, #tpu.memory_space<hbm>>
    %dma_start3A_87 = tpu.memref_slice %arg3[%mul3A_83] : memref<16384xf32, #tpu.memory_space<hbm>> -> memref<256xf32, #tpu.memory_space<hbm>>
    %dma_start3A_88 = arith.constant 256 : i32
    %dma_start3A_89 = tpu.memref_slice %arg6[%dma_start3A_88] : memref<528xf32, #tpu.memory_space<vmem>> -> memref<256xf32, #tpu.memory_space<vmem>>
    tpu.enqueue_dma source(%dma_start3A_89 : memref<256xf32, #tpu.memory_space<vmem>>) target(%dma_start3A_87 : memref<256xf32, #tpu.memory_space<hbm>>) target_semaphore(%arg8 : memref<!tpu.dma_semaphore, #tpu.memory_space<semaphore_mem>>)
    %dma_wait3A_90 = arith.constant 256 : i32
    %dma_wait3A_91 = tpu.memref_slice %arg6[%dma_wait3A_90] : memref<528xf32, #tpu.memory_space<vmem>> -> memref<256xf32, #tpu.memory_space<vmem>>
    %dma_wait3A_92 = tpu.memref_slice %arg3[%mul3A_83] : memref<16384xf32, #tpu.memory_space<hbm>> -> memref<256xf32, #tpu.memory_space<hbm>>
    %dma_wait3A_93 = tpu.memref_slice %arg3[%mul3A_83] : memref<16384xf32, #tpu.memory_space<hbm>> -> memref<256xf32, #tpu.memory_space<hbm>>
    %dma_wait3A_94 = arith.constant 256 : i32
    %dma_wait3A_95 = tpu.memref_slice %arg6[%dma_wait3A_94] : memref<528xf32, #tpu.memory_space<vmem>> -> memref<256xf32, #tpu.memory_space<vmem>>
    tpu.wait_dma2 semaphore(%arg8 : memref<!tpu.dma_semaphore, #tpu.memory_space<semaphore_mem>>) src(%dma_wait3A_95 : memref<256xf32, #tpu.memory_space<vmem>>) dst(%dma_wait3A_93 : memref<256xf32, #tpu.memory_space<hbm>>)
    %mul3A_96 = arith.constant 8 : i32
    %mul3A_97 = arith.muli %add3A_53, %mul3A_96 : i32
    %dma_start3A_98 = arith.constant 256 : i32
    %dma_start3A_99 = tpu.memref_slice %arg7[%dma_start3A_98] : memref<528xi32, #tpu.memory_space<vmem>> -> memref<256xi32, #tpu.memory_space<vmem>>
    %dma_start3A_100 = tpu.memref_slice %arg4[%mul3A_97] : memref<16384xi32, #tpu.memory_space<hbm>> -> memref<256xi32, #tpu.memory_space<hbm>>
    %dma_start3A_101 = tpu.memref_slice %arg4[%mul3A_97] : memref<16384xi32, #tpu.memory_space<hbm>> -> memref<256xi32, #tpu.memory_space<hbm>>
    %dma_start3A_102 = arith.constant 256 : i32
    %dma_start3A_103 = tpu.memref_slice %arg7[%dma_start3A_102] : memref<528xi32, #tpu.memory_space<vmem>> -> memref<256xi32, #tpu.memory_space<vmem>>
    tpu.enqueue_dma source(%dma_start3A_103 : memref<256xi32, #tpu.memory_space<vmem>>) target(%dma_start3A_101 : memref<256xi32, #tpu.memory_space<hbm>>) target_semaphore(%arg8 : memref<!tpu.dma_semaphore, #tpu.memory_space<semaphore_mem>>)
    %dma_wait3A_104 = arith.constant 256 : i32
    %dma_wait3A_105 = tpu.memref_slice %arg7[%dma_wait3A_104] : memref<528xi32, #tpu.memory_space<vmem>> -> memref<256xi32, #tpu.memory_space<vmem>>
    %dma_wait3A_106 = tpu.memref_slice %arg4[%mul3A_97] : memref<16384xi32, #tpu.memory_space<hbm>> -> memref<256xi32, #tpu.memory_space<hbm>>
    %dma_wait3A_107 = tpu.memref_slice %arg4[%mul3A_97] : memref<16384xi32, #tpu.memory_space<hbm>> -> memref<256xi32, #tpu.memory_space<hbm>>
    %dma_wait3A_108 = arith.constant 256 : i32
    %dma_wait3A_109 = tpu.memref_slice %arg7[%dma_wait3A_108] : memref<528xi32, #tpu.memory_space<vmem>> -> memref<256xi32, #tpu.memory_space<vmem>>
    tpu.wait_dma2 semaphore(%arg8 : memref<!tpu.dma_semaphore, #tpu.memory_space<semaphore_mem>>) src(%dma_wait3A_109 : memref<256xi32, #tpu.memory_space<vmem>>) dst(%dma_wait3A_107 : memref<256xi32, #tpu.memory_space<hbm>>)
    return
  }
}

#map = affine_map<(d0, d1) -> (0)>
module attributes {stable_mosaic.version = 14 : i64} {
  func.func @_sc_topk_body(%arg0: i32, %arg1: i32, %arg2: memref<131072xf32, #tpu.memory_space<hbm>>, %arg3: memref<16384xf32, #tpu.memory_space<hbm>>, %arg4: memref<16384xi32, #tpu.memory_space<hbm>>, %arg5: memref<4096xf32, #tpu.memory_space<vmem>>, %arg6: memref<528xf32, #tpu.memory_space<vmem>>, %arg7: memref<528xi32, #tpu.memory_space<vmem>>, %arg8: memref<!tpu.dma_semaphore, #tpu.memory_space<semaphore_mem>>) attributes {dimension_semantics = [#tpu.dimension_semantics<core_parallel>, #tpu.dimension_semantics<subcore_parallel>], iteration_bounds = array<i64: 2, 16>, scalar_prefetch = 0 : i64, scratch_operands = 4 : i64, tpu.core_type = #tpu.core_type<sc_vector_subcore>, window_params = [{transform_indices = #map}, {transform_indices = #map}, {transform_indices = #map}]} {
    %mul3A = arith.constant 2 : i32
    %mul3A_0 = arith.muli %arg1, %mul3A : i32
    %add3A = arith.addi %mul3A_0, %arg0 : i32
    %jit3A = arith.constant 16 : i32
    %div3A = arith.divsi %add3A, %jit3A : i32
    %sign3A = arith.constant 0 : i32
    %sign3A_1 = arith.cmpi sgt, %add3A, %sign3A : i32
    %sign3A_2 = arith.extui %sign3A_1 : i1 to i32
    %sign3A_3 = arith.constant 0 : i32
    %sign3A_4 = arith.cmpi slt, %add3A, %sign3A_3 : i32
    %sign3A_5 = arith.extui %sign3A_4 : i1 to i32
    %sign3A_6 = arith.subi %sign3A_2, %sign3A_5 : i32
    %sign3A_7 = arith.constant 0 : i32
    %sign3A_8 = arith.cmpi sgt, %jit3A, %sign3A_7 : i32
    %sign3A_9 = arith.extui %sign3A_8 : i1 to i32
    %sign3A_10 = arith.constant 0 : i32
    %sign3A_11 = arith.cmpi slt, %jit3A, %sign3A_10 : i32
    %sign3A_12 = arith.extui %sign3A_11 : i1 to i32
    %sign3A_13 = arith.subi %sign3A_9, %sign3A_12 : i32
    %ne3A = arith.cmpi ne, %sign3A_6, %sign3A_13 : i32
    %rem3A = arith.remsi %add3A, %jit3A : i32
    %ne3A_14 = arith.constant 0 : i32
    %ne3A_15 = arith.cmpi ne, %rem3A, %ne3A_14 : i32
    %and3A = arith.andi %ne3A, %ne3A_15 : i1
    %sub3A = arith.constant 1 : i32
    %sub3A_16 = arith.subi %div3A, %sub3A : i32
    %select_n3A = arith.select %and3A, %sub3A_16, %div3A : i32
    %jit3A_17 = arith.constant 16 : i32
    %eq3A = arith.constant 0 : i32
    %eq3A_18 = arith.cmpi eq, %jit3A_17, %eq3A : i32
    %jit3A_19 = arith.constant 1 : i32
    %select_n3A_20 = arith.select %eq3A_18, %jit3A_19, %jit3A_17 : i32
    %rem3A_21 = arith.remsi %add3A, %select_n3A_20 : i32
    %ne3A_22 = arith.constant 0 : i32
    %ne3A_23 = arith.cmpi ne, %rem3A_21, %ne3A_22 : i32
    %lt3A = arith.constant 0 : i32
    %lt3A_24 = arith.cmpi slt, %rem3A_21, %lt3A : i32
    %lt3A_25 = arith.constant 0 : i32
    %lt3A_26 = arith.cmpi slt, %select_n3A_20, %lt3A_25 : i32
    %ne3A_27 = arith.xori %lt3A_24, %lt3A_26 : i1
    %and3A_28 = arith.andi %ne3A_27, %ne3A_23 : i1
    %add3A_29 = arith.addi %rem3A_21, %select_n3A_20 : i32
    %select_n3A_30 = arith.select %and3A_28, %add3A_29, %rem3A_21 : i32
    %mul3A_31 = arith.constant 32 : i32
    %mul3A_32 = arith.muli %select_n3A_30, %mul3A_31 : i32
    %mul3A_33 = arith.constant 512 : i32
    %mul3A_34 = arith.muli %select_n3A, %mul3A_33 : i32
    %add3A_35 = arith.addi %mul3A_34, %mul3A_32 : i32
    %mul3A_36 = arith.constant 2 : i32
    %mul3A_37 = arith.muli %add3A_35, %mul3A_36 : i32
    %mul3A_38 = arith.constant 64 : i32
    %mul3A_39 = arith.muli %mul3A_37, %mul3A_38 : i32
    %dma_start3A = tpu.memref_slice %arg2[%mul3A_39] : memref<131072xf32, #tpu.memory_space<hbm>> -> memref<4096xf32, #tpu.memory_space<hbm>>
    %dma_start3A_40 = tpu.memref_slice %arg2[%mul3A_39] : memref<131072xf32, #tpu.memory_space<hbm>> -> memref<4096xf32, #tpu.memory_space<hbm>>
    tpu.enqueue_dma source(%dma_start3A_40 : memref<4096xf32, #tpu.memory_space<hbm>>) target(%arg5 : memref<4096xf32, #tpu.memory_space<vmem>>) target_semaphore(%arg8 : memref<!tpu.dma_semaphore, #tpu.memory_space<semaphore_mem>>)
    %dma_wait3A = tpu.memref_slice %arg2[%mul3A_39] : memref<131072xf32, #tpu.memory_space<hbm>> -> memref<4096xf32, #tpu.memory_space<hbm>>
    %dma_wait3A_41 = tpu.memref_slice %arg2[%mul3A_39] : memref<131072xf32, #tpu.memory_space<hbm>> -> memref<4096xf32, #tpu.memory_space<hbm>>
    tpu.wait_dma2 semaphore(%arg8 : memref<!tpu.dma_semaphore, #tpu.memory_space<semaphore_mem>>) src(%dma_wait3A_41 : memref<4096xf32, #tpu.memory_space<hbm>>) dst(%arg5 : memref<4096xf32, #tpu.memory_space<vmem>>)
    %iota3A = tpu.iota {dimensions = array<i32: 0>} : vector<16xi32>
    %lt3A_42 = arith.constant 8 : i32
    %lt3A_43 = vector.broadcast %lt3A_42 : i32 to vector<16xi32>
    %lt3A_44 = arith.cmpi slt, %iota3A, %lt3A_43 : vector<16xi32>
    %scan3A = arith.constant 0 : i32
    %scan3A_45 = arith.constant 32 : i32
    %scan3A_46 = arith.addi %scan3A, %scan3A_45 : i32
    %scan3A_47 = arith.constant 1 : i32
    scf.for %scan3A_110 = %scan3A to %scan3A_46 step %scan3A_47  : i32 {
      %mul3A_111 = arith.constant 1 : i32
      %mul3A_112 = arith.muli %scan3A_110, %mul3A_111 : i32
      %add3A_113 = arith.constant 0 : i32
      %add3A_114 = arith.addi %add3A_113, %mul3A_112 : i32
      %mul3A_115 = arith.constant 2 : i32
      %mul3A_116 = arith.muli %add3A_114, %mul3A_115 : i32
      %mul3A_117 = arith.constant 64 : i32
      %mul3A_118 = arith.muli %mul3A_116, %mul3A_117 : i32
      %add3A_119 = arith.constant 0 : i32
      %add3A_120 = arith.addi %mul3A_118, %add3A_119 : i32
      %get3A = arith.index_cast %add3A_120 : i32 to index
      %get3A_121 = tpu.vector_load %arg5[%get3A] {strides = array<i32>} : memref<4096xf32, #tpu.memory_space<vmem>>, vector<16xf32>,
      %add3A_122 = arith.constant 0 : i32
      %add3A_123 = vector.broadcast %add3A_122 : i32 to vector<16xi32>
      %add3A_124 = arith.addi %iota3A, %add3A_123 : vector<16xi32>
      %masked_sort3A = arith.constant dense<true> : vector<16xi1>
      %masked_sort3A_125, %masked_sort3A_126, %masked_sort3A_127 = tpu.sort %get3A_121, %add3A_124 masked %masked_sort3A {descending = true} : (vector<16xf32>, vector<16xi32>, vector<16xi1>) -> (vector<16xi1>, vector<16xf32>, vector<16xi32>)
      %add3A_128 = arith.constant 16 : i32
      %add3A_129 = arith.addi %mul3A_118, %add3A_128 : i32
      %get3A_130 = arith.index_cast %add3A_129 : i32 to index
      %get3A_131 = tpu.vector_load %arg5[%get3A_130] {strides = array<i32>} : memref<4096xf32, #tpu.memory_space<vmem>>, vector<16xf32>,
      %add3A_132 = arith.constant 16 : i32
      %add3A_133 = vector.broadcast %add3A_132 : i32 to vector<16xi32>
      %add3A_134 = arith.addi %iota3A, %add3A_133 : vector<16xi32>
      %masked_sort3A_135 = arith.constant dense<true> : vector<16xi1>
      %masked_sort3A_136, %masked_sort3A_137, %masked_sort3A_138 = tpu.sort %get3A_131, %add3A_134 masked %masked_sort3A_135 : (vector<16xf32>, vector<16xi32>, vector<16xi1>) -> (vector<16xi1>, vector<16xf32>, vector<16xi32>)
      %add3A_139 = arith.constant 32 : i32
      %add3A_140 = arith.addi %mul3A_118, %add3A_139 : i32
      %get3A_141 = arith.index_cast %add3A_140 : i32 to index
      %get3A_142 = tpu.vector_load %arg5[%get3A_141] {strides = array<i32>} : memref<4096xf32, #tpu.memory_space<vmem>>, vector<16xf32>,
      %add3A_143 = arith.constant 32 : i32
      %add3A_144 = vector.broadcast %add3A_143 : i32 to vector<16xi32>
      %add3A_145 = arith.addi %iota3A, %add3A_144 : vector<16xi32>
      %masked_sort3A_146 = arith.constant dense<true> : vector<16xi1>
      %masked_sort3A_147, %masked_sort3A_148, %masked_sort3A_149 = tpu.sort %get3A_142, %add3A_145 masked %masked_sort3A_146 {descending = true} : (vector<16xf32>, vector<16xi32>, vector<16xi1>) -> (vector<16xi1>, vector<16xf32>, vector<16xi32>)
      %add3A_150 = arith.constant 48 : i32
      %add3A_151 = arith.addi %mul3A_118, %add3A_150 : i32
      %get3A_152 = arith.index_cast %add3A_151 : i32 to index
      %get3A_153 = tpu.vector_load %arg5[%get3A_152] {strides = array<i32>} : memref<4096xf32, #tpu.memory_space<vmem>>, vector<16xf32>,
      %add3A_154 = arith.constant 48 : i32
      %add3A_155 = vector.broadcast %add3A_154 : i32 to vector<16xi32>
      %add3A_156 = arith.addi %iota3A, %add3A_155 : vector<16xi32>
      %masked_sort3A_157 = arith.constant dense<true> : vector<16xi1>
      %masked_sort3A_158, %masked_sort3A_159, %masked_sort3A_160 = tpu.sort %get3A_153, %add3A_156 masked %masked_sort3A_157 : (vector<16xf32>, vector<16xi32>, vector<16xi1>) -> (vector<16xi1>, vector<16xf32>, vector<16xi32>)
      %select_n3A_161 = arith.select %lt3A_44, %masked_sort3A_126, %masked_sort3A_137 : vector<16xi1>, vector<16xf32>
      %select_n3A_162 = arith.select %lt3A_44, %masked_sort3A_127, %masked_sort3A_138 : vector<16xi1>, vector<16xi32>
      %masked_sort3A_163 = arith.constant dense<true> : vector<16xi1>
      %masked_sort3A_164, %masked_sort3A_165, %masked_sort3A_166 = tpu.sort %select_n3A_161, %select_n3A_162 masked %masked_sort3A_163 {descending = true} : (vector<16xf32>, vector<16xi32>, vector<16xi1>) -> (vector<16xi1>, vector<16xf32>, vector<16xi32>)
      %select_n3A_167 = arith.select %lt3A_44, %masked_sort3A_148, %masked_sort3A_159 : vector<16xi1>, vector<16xf32>
      %select_n3A_168 = arith.select %lt3A_44, %masked_sort3A_149, %masked_sort3A_160 : vector<16xi1>, vector<16xi32>
      %masked_sort3A_169 = arith.constant dense<true> : vector<16xi1>
      %masked_sort3A_170, %masked_sort3A_171, %masked_sort3A_172 = tpu.sort %select_n3A_167, %select_n3A_168 masked %masked_sort3A_169 : (vector<16xf32>, vector<16xi32>, vector<16xi1>) -> (vector<16xi1>, vector<16xf32>, vector<16xi32>)
      %select_n3A_173 = arith.select %lt3A_44, %masked_sort3A_165, %masked_sort3A_171 : vector<16xi1>, vector<16xf32>
      %select_n3A_174 = arith.select %lt3A_44, %masked_sort3A_166, %masked_sort3A_172 : vector<16xi1>, vector<16xi32>
      %masked_sort3A_175 = arith.constant dense<true> : vector<16xi1>
      %masked_sort3A_176, %masked_sort3A_177, %masked_sort3A_178 = tpu.sort %select_n3A_173, %select_n3A_174 masked %masked_sort3A_175 {descending = true} : (vector<16xf32>, vector<16xi32>, vector<16xi1>) -> (vector<16xi1>, vector<16xf32>, vector<16xi32>)
      %jit3A_179 = arith.constant 0.000000e+00 : f32
      %broadcast_in_dim3A = vector.broadcast %jit3A_179 : f32 to vector<16xf32>
      %select_n3A_180 = arith.select %lt3A_44, %masked_sort3A_177, %broadcast_in_dim3A : vector<16xi1>, vector<16xf32>
      %reduce_sum3A = arith.constant true
      %reduce_sum3A_181 = vector.broadcast %reduce_sum3A : i1 to vector<16xi1>
      %reduce_sum3A_182 = tpu.scan <sum>, %select_n3A_180 masked %reduce_sum3A_181 : vector<16xf32>, vector<16xi1> -> vector<16xf32>
      %reduce_sum3A_183 = vector.extract %reduce_sum3A_182[15] : f32 from vector<16xf32>
      %div3A_184 = vector.broadcast %reduce_sum3A_183 : f32 to vector<16xf32>
      %div3A_185 = arith.divf %select_n3A_180, %div3A_184 : vector<16xf32>
      %mul3A_186 = arith.constant 2 : i32
      %mul3A_187 = arith.muli %add3A_114, %mul3A_186 : i32
      %mul3A_188 = arith.constant 64 : i32
      %mul3A_189 = arith.muli %mul3A_187, %mul3A_188 : i32
      %add3A_190 = arith.constant 64 : i32
      %add3A_191 = arith.addi %mul3A_189, %add3A_190 : i32
      %add3A_192 = arith.constant 0 : i32
      %add3A_193 = arith.addi %add3A_191, %add3A_192 : i32
      %get3A_194 = arith.index_cast %add3A_193 : i32 to index
      %get3A_195 = tpu.vector_load %arg5[%get3A_194] {strides = array<i32>} : memref<4096xf32, #tpu.memory_space<vmem>>, vector<16xf32>,
      %add3A_196 = arith.constant 0 : i32
      %add3A_197 = vector.broadcast %add3A_196 : i32 to vector<16xi32>
      %add3A_198 = arith.addi %iota3A, %add3A_197 : vector<16xi32>
      %masked_sort3A_199 = arith.constant dense<true> : vector<16xi1>
      %masked_sort3A_200, %masked_sort3A_201, %masked_sort3A_202 = tpu.sort %get3A_195, %add3A_198 masked %masked_sort3A_199 {descending = true} : (vector<16xf32>, vector<16xi32>, vector<16xi1>) -> (vector<16xi1>, vector<16xf32>, vector<16xi32>)
      %add3A_203 = arith.constant 16 : i32
      %add3A_204 = arith.addi %add3A_191, %add3A_203 : i32
      %get3A_205 = arith.index_cast %add3A_204 : i32 to index
      %get3A_206 = tpu.vector_load %arg5[%get3A_205] {strides = array<i32>} : memref<4096xf32, #tpu.memory_space<vmem>>, vector<16xf32>,
      %add3A_207 = arith.constant 16 : i32
      %add3A_208 = vector.broadcast %add3A_207 : i32 to vector<16xi32>
      %add3A_209 = arith.addi %iota3A, %add3A_208 : vector<16xi32>
      %masked_sort3A_210 = arith.constant dense<true> : vector<16xi1>
      %masked_sort3A_211, %masked_sort3A_212, %masked_sort3A_213 = tpu.sort %get3A_206, %add3A_209 masked %masked_sort3A_210 : (vector<16xf32>, vector<16xi32>, vector<16xi1>) -> (vector<16xi1>, vector<16xf32>, vector<16xi32>)
      %add3A_214 = arith.constant 32 : i32
      %add3A_215 = arith.addi %add3A_191, %add3A_214 : i32
      %get3A_216 = arith.index_cast %add3A_215 : i32 to index
      %get3A_217 = tpu.vector_load %arg5[%get3A_216] {strides = array<i32>} : memref<4096xf32, #tpu.memory_space<vmem>>, vector<16xf32>,
      %add3A_218 = arith.constant 32 : i32
      %add3A_219 = vector.broadcast %add3A_218 : i32 to vector<16xi32>
      %add3A_220 = arith.addi %iota3A, %add3A_219 : vector<16xi32>
      %masked_sort3A_221 = arith.constant dense<true> : vector<16xi1>
      %masked_sort3A_222, %masked_sort3A_223, %masked_sort3A_224 = tpu.sort %get3A_217, %add3A_220 masked %masked_sort3A_221 {descending = true} : (vector<16xf32>, vector<16xi32>, vector<16xi1>) -> (vector<16xi1>, vector<16xf32>, vector<16xi32>)
      %add3A_225 = arith.constant 48 : i32
      %add3A_226 = arith.addi %add3A_191, %add3A_225 : i32
      %get3A_227 = arith.index_cast %add3A_226 : i32 to index
      %get3A_228 = tpu.vector_load %arg5[%get3A_227] {strides = array<i32>} : memref<4096xf32, #tpu.memory_space<vmem>>, vector<16xf32>,
      %add3A_229 = arith.constant 48 : i32
      %add3A_230 = vector.broadcast %add3A_229 : i32 to vector<16xi32>
      %add3A_231 = arith.addi %iota3A, %add3A_230 : vector<16xi32>
      %masked_sort3A_232 = arith.constant dense<true> : vector<16xi1>
      %masked_sort3A_233, %masked_sort3A_234, %masked_sort3A_235 = tpu.sort %get3A_228, %add3A_231 masked %masked_sort3A_232 : (vector<16xf32>, vector<16xi32>, vector<16xi1>) -> (vector<16xi1>, vector<16xf32>, vector<16xi32>)
      %select_n3A_236 = arith.select %lt3A_44, %masked_sort3A_201, %masked_sort3A_212 : vector<16xi1>, vector<16xf32>
      %select_n3A_237 = arith.select %lt3A_44, %masked_sort3A_202, %masked_sort3A_213 : vector<16xi1>, vector<16xi32>
      %masked_sort3A_238 = arith.constant dense<true> : vector<16xi1>
      %masked_sort3A_239, %masked_sort3A_240, %masked_sort3A_241 = tpu.sort %select_n3A_236, %select_n3A_237 masked %masked_sort3A_238 {descending = true} : (vector<16xf32>, vector<16xi32>, vector<16xi1>) -> (vector<16xi1>, vector<16xf32>, vector<16xi32>)
      %select_n3A_242 = arith.select %lt3A_44, %masked_sort3A_223, %masked_sort3A_234 : vector<16xi1>, vector<16xf32>
      %select_n3A_243 = arith.select %lt3A_44, %masked_sort3A_224, %masked_sort3A_235 : vector<16xi1>, vector<16xi32>
      %masked_sort3A_244 = arith.constant dense<true> : vector<16xi1>
      %masked_sort3A_245, %masked_sort3A_246, %masked_sort3A_247 = tpu.sort %select_n3A_242, %select_n3A_243 masked %masked_sort3A_244 : (vector<16xf32>, vector<16xi32>, vector<16xi1>) -> (vector<16xi1>, vector<16xf32>, vector<16xi32>)
      %select_n3A_248 = arith.select %lt3A_44, %masked_sort3A_240, %masked_sort3A_246 : vector<16xi1>, vector<16xf32>
      %select_n3A_249 = arith.select %lt3A_44, %masked_sort3A_241, %masked_sort3A_247 : vector<16xi1>, vector<16xi32>
      %masked_sort3A_250 = arith.constant dense<true> : vector<16xi1>
      %masked_sort3A_251, %masked_sort3A_252, %masked_sort3A_253 = tpu.sort %select_n3A_248, %select_n3A_249 masked %masked_sort3A_250 {descending = true} : (vector<16xf32>, vector<16xi32>, vector<16xi1>) -> (vector<16xi1>, vector<16xf32>, vector<16xi32>)
      %jit3A_254 = arith.constant 0.000000e+00 : f32
      %broadcast_in_dim3A_255 = vector.broadcast %jit3A_254 : f32 to vector<16xf32>
      %select_n3A_256 = arith.select %lt3A_44, %masked_sort3A_252, %broadcast_in_dim3A_255 : vector<16xi1>, vector<16xf32>
      %reduce_sum3A_257 = arith.constant true
      %reduce_sum3A_258 = vector.broadcast %reduce_sum3A_257 : i1 to vector<16xi1>
      %reduce_sum3A_259 = tpu.scan <sum>, %select_n3A_256 masked %reduce_sum3A_258 : vector<16xf32>, vector<16xi1> -> vector<16xf32>
      %reduce_sum3A_260 = vector.extract %reduce_sum3A_259[15] : f32 from vector<16xf32>
      %div3A_261 = vector.broadcast %reduce_sum3A_260 : f32 to vector<16xf32>
      %div3A_262 = arith.divf %select_n3A_256, %div3A_261 : vector<16xf32>
      %mul3A_263 = arith.constant 8 : i32
      %mul3A_264 = arith.muli %add3A_114, %mul3A_263 : i32
      %swap3A = arith.index_cast %mul3A_264 : i32 to index
      %swap3A_265 = tpu.vector_load %arg6[%swap3A] masked %lt3A_44 {strides = array<i32>} : memref<528xf32, #tpu.memory_space<vmem>>, vector<16xf32>, vector<16xi1>
      tpu.vector_store %arg6[%swap3A], %div3A_185 masked %lt3A_44 {strides = array<i32>} : memref<528xf32, #tpu.memory_space<vmem>>, vector<16xf32>, vector<16xi1>
      %mul3A_266 = arith.constant 8 : i32
      %mul3A_267 = arith.muli %add3A_114, %mul3A_266 : i32
      %swap3A_268 = arith.index_cast %mul3A_267 : i32 to index
      %swap3A_269 = tpu.vector_load %arg7[%swap3A_268] masked %lt3A_44 {strides = array<i32>} : memref<528xi32, #tpu.memory_space<vmem>>, vector<16xi32>, vector<16xi1>
      tpu.vector_store %arg7[%swap3A_268], %masked_sort3A_178 masked %lt3A_44 {strides = array<i32>} : memref<528xi32, #tpu.memory_space<vmem>>, vector<16xi32>, vector<16xi1>
      %add3A_270 = arith.constant 32 : i32
      %add3A_271 = arith.addi %add3A_270, %add3A_114 : i32
      %mul3A_272 = arith.constant 8 : i32
      %mul3A_273 = arith.muli %add3A_271, %mul3A_272 : i32
      %swap3A_274 = arith.index_cast %mul3A_273 : i32 to index
      %swap3A_275 = tpu.vector_load %arg6[%swap3A_274] masked %lt3A_44 {strides = array<i32>} : memref<528xf32, #tpu.memory_space<vmem>>, vector<16xf32>, vector<16xi1>
      tpu.vector_store %arg6[%swap3A_274], %div3A_262 masked %lt3A_44 {strides = array<i32>} : memref<528xf32, #tpu.memory_space<vmem>>, vector<16xf32>, vector<16xi1>
      %add3A_276 = arith.constant 32 : i32
      %add3A_277 = arith.addi %add3A_276, %add3A_114 : i32
      %mul3A_278 = arith.constant 8 : i32
      %mul3A_279 = arith.muli %add3A_277, %mul3A_278 : i32
      %swap3A_280 = arith.index_cast %mul3A_279 : i32 to index
      %swap3A_281 = tpu.vector_load %arg7[%swap3A_280] masked %lt3A_44 {strides = array<i32>} : memref<528xi32, #tpu.memory_space<vmem>>, vector<16xi32>, vector<16xi1>
      tpu.vector_store %arg7[%swap3A_280], %masked_sort3A_253 masked %lt3A_44 {strides = array<i32>} : memref<528xi32, #tpu.memory_space<vmem>>, vector<16xi32>, vector<16xi1>
    }
    %scan3A_48 = arith.constant 32 : i32
    %mul3A_49 = arith.constant 1024 : i32
    %mul3A_50 = arith.muli %select_n3A, %mul3A_49 : i32
    %add3A_51 = arith.addi %mul3A_50, %mul3A_32 : i32
    %add3A_52 = arith.constant 512 : i32
    %add3A_53 = arith.addi %add3A_51, %add3A_52 : i32
    %mul3A_54 = arith.constant 8 : i32
    %mul3A_55 = arith.muli %add3A_51, %mul3A_54 : i32
    %dma_start3A_56 = arith.constant 0 : i32
    %dma_start3A_57 = tpu.memref_slice %arg6[%dma_start3A_56] : memref<528xf32, #tpu.memory_space<vmem>> -> memref<256xf32, #tpu.memory_space<vmem>>
    %dma_start3A_58 = tpu.memref_slice %arg3[%mul3A_55] : memref<16384xf32, #tpu.memory_space<hbm>> -> memref<256xf32, #tpu.memory_space<hbm>>
    %dma_start3A_59 = tpu.memref_slice %arg3[%mul3A_55] : memref<16384xf32, #tpu.memory_space<hbm>> -> memref<256xf32, #tpu.memory_space<hbm>>
    %dma_start3A_60 = arith.constant 0 : i32
    %dma_start3A_61 = tpu.memref_slice %arg6[%dma_start3A_60] : memref<528xf32, #tpu.memory_space<vmem>> -> memref<256xf32, #tpu.memory_space<vmem>>
    tpu.enqueue_dma source(%dma_start3A_61 : memref<256xf32, #tpu.memory_space<vmem>>) target(%dma_start3A_59 : memref<256xf32, #tpu.memory_space<hbm>>) target_semaphore(%arg8 : memref<!tpu.dma_semaphore, #tpu.memory_space<semaphore_mem>>)
    %dma_wait3A_62 = arith.constant 0 : i32
    %dma_wait3A_63 = tpu.memref_slice %arg6[%dma_wait3A_62] : memref<528xf32, #tpu.memory_space<vmem>> -> memref<256xf32, #tpu.memory_space<vmem>>
    %dma_wait3A_64 = tpu.memref_slice %arg3[%mul3A_55] : memref<16384xf32, #tpu.memory_space<hbm>> -> memref<256xf32, #tpu.memory_space<hbm>>
    %dma_wait3A_65 = tpu.memref_slice %arg3[%mul3A_55] : memref<16384xf32, #tpu.memory_space<hbm>> -> memref<256xf32, #tpu.memory_space<hbm>>
    %dma_wait3A_66 = arith.constant 0 : i32
    %dma_wait3A_67 = tpu.memref_slice %arg6[%dma_wait3A_66] : memref<528xf32, #tpu.memory_space<vmem>> -> memref<256xf32, #tpu.memory_space<vmem>>
    tpu.wait_dma2 semaphore(%arg8 : memref<!tpu.dma_semaphore, #tpu.memory_space<semaphore_mem>>) src(%dma_wait3A_67 : memref<256xf32, #tpu.memory_space<vmem>>) dst(%dma_wait3A_65 : memref<256xf32, #tpu.memory_space<hbm>>)
    %mul3A_68 = arith.constant 8 : i32
    %mul3A_69 = arith.muli %add3A_51, %mul3A_68 : i32
    %dma_start3A_70 = arith.constant 0 : i32
    %dma_start3A_71 = tpu.memref_slice %arg7[%dma_start3A_70] : memref<528xi32, #tpu.memory_space<vmem>> -> memref<256xi32, #tpu.memory_space<vmem>>
    %dma_start3A_72 = tpu.memref_slice %arg4[%mul3A_69] : memref<16384xi32, #tpu.memory_space<hbm>> -> memref<256xi32, #tpu.memory_space<hbm>>
    %dma_start3A_73 = tpu.memref_slice %arg4[%mul3A_69] : memref<16384xi32, #tpu.memory_space<hbm>> -> memref<256xi32, #tpu.memory_space<hbm>>
    %dma_start3A_74 = arith.constant 0 : i32
    %dma_start3A_75 = tpu.memref_slice %arg7[%dma_start3A_74] : memref<528xi32, #tpu.memory_space<vmem>> -> memref<256xi32, #tpu.memory_space<vmem>>
    tpu.enqueue_dma source(%dma_start3A_75 : memref<256xi32, #tpu.memory_space<vmem>>) target(%dma_start3A_73 : memref<256xi32, #tpu.memory_space<hbm>>) target_semaphore(%arg8 : memref<!tpu.dma_semaphore, #tpu.memory_space<semaphore_mem>>)
    %dma_wait3A_76 = arith.constant 0 : i32
    %dma_wait3A_77 = tpu.memref_slice %arg7[%dma_wait3A_76] : memref<528xi32, #tpu.memory_space<vmem>> -> memref<256xi32, #tpu.memory_space<vmem>>
    %dma_wait3A_78 = tpu.memref_slice %arg4[%mul3A_69] : memref<16384xi32, #tpu.memory_space<hbm>> -> memref<256xi32, #tpu.memory_space<hbm>>
    %dma_wait3A_79 = tpu.memref_slice %arg4[%mul3A_69] : memref<16384xi32, #tpu.memory_space<hbm>> -> memref<256xi32, #tpu.memory_space<hbm>>
    %dma_wait3A_80 = arith.constant 0 : i32
    %dma_wait3A_81 = tpu.memref_slice %arg7[%dma_wait3A_80] : memref<528xi32, #tpu.memory_space<vmem>> -> memref<256xi32, #tpu.memory_space<vmem>>
    tpu.wait_dma2 semaphore(%arg8 : memref<!tpu.dma_semaphore, #tpu.memory_space<semaphore_mem>>) src(%dma_wait3A_81 : memref<256xi32, #tpu.memory_space<vmem>>) dst(%dma_wait3A_79 : memref<256xi32, #tpu.memory_space<hbm>>)
    %mul3A_82 = arith.constant 8 : i32
    %mul3A_83 = arith.muli %add3A_53, %mul3A_82 : i32
    %dma_start3A_84 = arith.constant 256 : i32
    %dma_start3A_85 = tpu.memref_slice %arg6[%dma_start3A_84] : memref<528xf32, #tpu.memory_space<vmem>> -> memref<256xf32, #tpu.memory_space<vmem>>
    %dma_start3A_86 = tpu.memref_slice %arg3[%mul3A_83] : memref<16384xf32, #tpu.memory_space<hbm>> -> memref<256xf32, #tpu.memory_space<hbm>>
    %dma_start3A_87 = tpu.memref_slice %arg3[%mul3A_83] : memref<16384xf32, #tpu.memory_space<hbm>> -> memref<256xf32, #tpu.memory_space<hbm>>
    %dma_start3A_88 = arith.constant 256 : i32
    %dma_start3A_89 = tpu.memref_slice %arg6[%dma_start3A_88] : memref<528xf32, #tpu.memory_space<vmem>> -> memref<256xf32, #tpu.memory_space<vmem>>
    tpu.enqueue_dma source(%dma_start3A_89 : memref<256xf32, #tpu.memory_space<vmem>>) target(%dma_start3A_87 : memref<256xf32, #tpu.memory_space<hbm>>) target_semaphore(%arg8 : memref<!tpu.dma_semaphore, #tpu.memory_space<semaphore_mem>>)
    %dma_wait3A_90 = arith.constant 256 : i32
    %dma_wait3A_91 = tpu.memref_slice %arg6[%dma_wait3A_90] : memref<528xf32, #tpu.memory_space<vmem>> -> memref<256xf32, #tpu.memory_space<vmem>>
    %dma_wait3A_92 = tpu.memref_slice %arg3[%mul3A_83] : memref<16384xf32, #tpu.memory_space<hbm>> -> memref<256xf32, #tpu.memory_space<hbm>>
    %dma_wait3A_93 = tpu.memref_slice %arg3[%mul3A_83] : memref<16384xf32, #tpu.memory_space<hbm>> -> memref<256xf32, #tpu.memory_space<hbm>>
    %dma_wait3A_94 = arith.constant 256 : i32
    %dma_wait3A_95 = tpu.memref_slice %arg6[%dma_wait3A_94] : memref<528xf32, #tpu.memory_space<vmem>> -> memref<256xf32, #tpu.memory_space<vmem>>
    tpu.wait_dma2 semaphore(%arg8 : memref<!tpu.dma_semaphore, #tpu.memory_space<semaphore_mem>>) src(%dma_wait3A_95 : memref<256xf32, #tpu.memory_space<vmem>>) dst(%dma_wait3A_93 : memref<256xf32, #tpu.memory_space<hbm>>)
    %mul3A_96 = arith.constant 8 : i32
    %mul3A_97 = arith.muli %add3A_53, %mul3A_96 : i32
    %dma_start3A_98 = arith.constant 256 : i32
    %dma_start3A_99 = tpu.memref_slice %arg7[%dma_start3A_98] : memref<528xi32, #tpu.memory_space<vmem>> -> memref<256xi32, #tpu.memory_space<vmem>>
    %dma_start3A_100 = tpu.memref_slice %arg4[%mul3A_97] : memref<16384xi32, #tpu.memory_space<hbm>> -> memref<256xi32, #tpu.memory_space<hbm>>
    %dma_start3A_101 = tpu.memref_slice %arg4[%mul3A_97] : memref<16384xi32, #tpu.memory_space<hbm>> -> memref<256xi32, #tpu.memory_space<hbm>>
    %dma_start3A_102 = arith.constant 256 : i32
    %dma_start3A_103 = tpu.memref_slice %arg7[%dma_start3A_102] : memref<528xi32, #tpu.memory_space<vmem>> -> memref<256xi32, #tpu.memory_space<vmem>>
    tpu.enqueue_dma source(%dma_start3A_103 : memref<256xi32, #tpu.memory_space<vmem>>) target(%dma_start3A_101 : memref<256xi32, #tpu.memory_space<hbm>>) target_semaphore(%arg8 : memref<!tpu.dma_semaphore, #tpu.memory_space<semaphore_mem>>)
    %dma_wait3A_104 = arith.constant 256 : i32
    %dma_wait3A_105 = tpu.memref_slice %arg7[%dma_wait3A_104] : memref<528xi32, #tpu.memory_space<vmem>> -> memref<256xi32, #tpu.memory_space<vmem>>
    %dma_wait3A_106 = tpu.memref_slice %arg4[%mul3A_97] : memref<16384xi32, #tpu.memory_space<hbm>> -> memref<256xi32, #tpu.memory_space<hbm>>
    %dma_wait3A_107 = tpu.memref_slice %arg4[%mul3A_97] : memref<16384xi32, #tpu.memory_space<hbm>> -> memref<256xi32, #tpu.memory_space<hbm>>
    %dma_wait3A_108 = arith.constant 256 : i32
    %dma_wait3A_109 = tpu.memref_slice %arg7[%dma_wait3A_108] : memref<528xi32, #tpu.memory_space<vmem>> -> memref<256xi32, #tpu.memory_space<vmem>>
    tpu.wait_dma2 semaphore(%arg8 : memref<!tpu.dma_semaphore, #tpu.memory_space<semaphore_mem>>) src(%dma_wait3A_109 : memref<256xi32, #tpu.memory_space<vmem>>) dst(%dma_wait3A_107 : memref<256xi32, #tpu.memory_space<hbm>>)
    return
  }
}

#map = affine_map<(d0, d1) -> (0)>
module attributes {stable_mosaic.version = 14 : i64} {
  func.func @_sc_topk_body(%arg0: i32, %arg1: i32, %arg2: memref<131072xf32, #tpu.memory_space<hbm>>, %arg3: memref<16384xf32, #tpu.memory_space<hbm>>, %arg4: memref<16384xi32, #tpu.memory_space<hbm>>, %arg5: memref<4096xf32, #tpu.memory_space<vmem>>, %arg6: memref<528xf32, #tpu.memory_space<vmem>>, %arg7: memref<528xi32, #tpu.memory_space<vmem>>, %arg8: memref<!tpu.dma_semaphore, #tpu.memory_space<semaphore_mem>>) attributes {dimension_semantics = [#tpu.dimension_semantics<core_parallel>, #tpu.dimension_semantics<subcore_parallel>], iteration_bounds = array<i64: 2, 16>, scalar_prefetch = 0 : i64, scratch_operands = 4 : i64, tpu.core_type = #tpu.core_type<sc_vector_subcore>, window_params = [{transform_indices = #map}, {transform_indices = #map}, {transform_indices = #map}]} {
    %mul3A = arith.constant 2 : i32
    %mul3A_0 = arith.muli %arg1, %mul3A : i32
    %add3A = arith.addi %mul3A_0, %arg0 : i32
    %jit3A = arith.constant 16 : i32
    %div3A = arith.divsi %add3A, %jit3A : i32
    %sign3A = arith.constant 0 : i32
    %sign3A_1 = arith.cmpi sgt, %add3A, %sign3A : i32
    %sign3A_2 = arith.extui %sign3A_1 : i1 to i32
    %sign3A_3 = arith.constant 0 : i32
    %sign3A_4 = arith.cmpi slt, %add3A, %sign3A_3 : i32
    %sign3A_5 = arith.extui %sign3A_4 : i1 to i32
    %sign3A_6 = arith.subi %sign3A_2, %sign3A_5 : i32
    %sign3A_7 = arith.constant 0 : i32
    %sign3A_8 = arith.cmpi sgt, %jit3A, %sign3A_7 : i32
    %sign3A_9 = arith.extui %sign3A_8 : i1 to i32
    %sign3A_10 = arith.constant 0 : i32
    %sign3A_11 = arith.cmpi slt, %jit3A, %sign3A_10 : i32
    %sign3A_12 = arith.extui %sign3A_11 : i1 to i32
    %sign3A_13 = arith.subi %sign3A_9, %sign3A_12 : i32
    %ne3A = arith.cmpi ne, %sign3A_6, %sign3A_13 : i32
    %rem3A = arith.remsi %add3A, %jit3A : i32
    %ne3A_14 = arith.constant 0 : i32
    %ne3A_15 = arith.cmpi ne, %rem3A, %ne3A_14 : i32
    %and3A = arith.andi %ne3A, %ne3A_15 : i1
    %sub3A = arith.constant 1 : i32
    %sub3A_16 = arith.subi %div3A, %sub3A : i32
    %select_n3A = arith.select %and3A, %sub3A_16, %div3A : i32
    %jit3A_17 = arith.constant 16 : i32
    %eq3A = arith.constant 0 : i32
    %eq3A_18 = arith.cmpi eq, %jit3A_17, %eq3A : i32
    %jit3A_19 = arith.constant 1 : i32
    %select_n3A_20 = arith.select %eq3A_18, %jit3A_19, %jit3A_17 : i32
    %rem3A_21 = arith.remsi %add3A, %select_n3A_20 : i32
    %ne3A_22 = arith.constant 0 : i32
    %ne3A_23 = arith.cmpi ne, %rem3A_21, %ne3A_22 : i32
    %lt3A = arith.constant 0 : i32
    %lt3A_24 = arith.cmpi slt, %rem3A_21, %lt3A : i32
    %lt3A_25 = arith.constant 0 : i32
    %lt3A_26 = arith.cmpi slt, %select_n3A_20, %lt3A_25 : i32
    %ne3A_27 = arith.xori %lt3A_24, %lt3A_26 : i1
    %and3A_28 = arith.andi %ne3A_27, %ne3A_23 : i1
    %add3A_29 = arith.addi %rem3A_21, %select_n3A_20 : i32
    %select_n3A_30 = arith.select %and3A_28, %add3A_29, %rem3A_21 : i32
    %mul3A_31 = arith.constant 32 : i32
    %mul3A_32 = arith.muli %select_n3A_30, %mul3A_31 : i32
    %mul3A_33 = arith.constant 512 : i32
    %mul3A_34 = arith.muli %select_n3A, %mul3A_33 : i32
    %add3A_35 = arith.addi %mul3A_34, %mul3A_32 : i32
    %mul3A_36 = arith.constant 2 : i32
    %mul3A_37 = arith.muli %add3A_35, %mul3A_36 : i32
    %mul3A_38 = arith.constant 64 : i32
    %mul3A_39 = arith.muli %mul3A_37, %mul3A_38 : i32
    %dma_start3A = tpu.memref_slice %arg2[%mul3A_39] : memref<131072xf32, #tpu.memory_space<hbm>> -> memref<4096xf32, #tpu.memory_space<hbm>>
    %dma_start3A_40 = tpu.memref_slice %arg2[%mul3A_39] : memref<131072xf32, #tpu.memory_space<hbm>> -> memref<4096xf32, #tpu.memory_space<hbm>>
    tpu.enqueue_dma source(%dma_start3A_40 : memref<4096xf32, #tpu.memory_space<hbm>>) target(%arg5 : memref<4096xf32, #tpu.memory_space<vmem>>) target_semaphore(%arg8 : memref<!tpu.dma_semaphore, #tpu.memory_space<semaphore_mem>>)
    %dma_wait3A = tpu.memref_slice %arg2[%mul3A_39] : memref<131072xf32, #tpu.memory_space<hbm>> -> memref<4096xf32, #tpu.memory_space<hbm>>
    %dma_wait3A_41 = tpu.memref_slice %arg2[%mul3A_39] : memref<131072xf32, #tpu.memory_space<hbm>> -> memref<4096xf32, #tpu.memory_space<hbm>>
    tpu.wait_dma2 semaphore(%arg8 : memref<!tpu.dma_semaphore, #tpu.memory_space<semaphore_mem>>) src(%dma_wait3A_41 : memref<4096xf32, #tpu.memory_space<hbm>>) dst(%arg5 : memref<4096xf32, #tpu.memory_space<vmem>>)
    %iota3A = tpu.iota {dimensions = array<i32: 0>} : vector<16xi32>
    %lt3A_42 = arith.constant 8 : i32
    %lt3A_43 = vector.broadcast %lt3A_42 : i32 to vector<16xi32>
    %lt3A_44 = arith.cmpi slt, %iota3A, %lt3A_43 : vector<16xi32>
    %scan3A = arith.constant 0 : i32
    %scan3A_45 = arith.constant 32 : i32
    %scan3A_46 = arith.addi %scan3A, %scan3A_45 : i32
    %scan3A_47 = arith.constant 1 : i32
    scf.for %scan3A_110 = %scan3A to %scan3A_46 step %scan3A_47  : i32 {
      %mul3A_111 = arith.constant 1 : i32
      %mul3A_112 = arith.muli %scan3A_110, %mul3A_111 : i32
      %add3A_113 = arith.constant 0 : i32
      %add3A_114 = arith.addi %add3A_113, %mul3A_112 : i32
      %mul3A_115 = arith.constant 2 : i32
      %mul3A_116 = arith.muli %add3A_114, %mul3A_115 : i32
      %mul3A_117 = arith.constant 64 : i32
      %mul3A_118 = arith.muli %mul3A_116, %mul3A_117 : i32
      %add3A_119 = arith.constant 0 : i32
      %add3A_120 = arith.addi %mul3A_118, %add3A_119 : i32
      %get3A = arith.index_cast %add3A_120 : i32 to index
      %get3A_121 = tpu.vector_load %arg5[%get3A] {strides = array<i32>} : memref<4096xf32, #tpu.memory_space<vmem>>, vector<16xf32>,
      %add3A_122 = arith.constant 0 : i32
      %add3A_123 = vector.broadcast %add3A_122 : i32 to vector<16xi32>
      %add3A_124 = arith.addi %iota3A, %add3A_123 : vector<16xi32>
      %masked_sort3A = arith.constant dense<true> : vector<16xi1>
      %masked_sort3A_125, %masked_sort3A_126, %masked_sort3A_127 = tpu.sort %get3A_121, %add3A_124 masked %masked_sort3A {descending = true} : (vector<16xf32>, vector<16xi32>, vector<16xi1>) -> (vector<16xi1>, vector<16xf32>, vector<16xi32>)
      %add3A_128 = arith.constant 16 : i32
      %add3A_129 = arith.addi %mul3A_118, %add3A_128 : i32
      %get3A_130 = arith.index_cast %add3A_129 : i32 to index
      %get3A_131 = tpu.vector_load %arg5[%get3A_130] {strides = array<i32>} : memref<4096xf32, #tpu.memory_space<vmem>>, vector<16xf32>,
      %add3A_132 = arith.constant 16 : i32
      %add3A_133 = vector.broadcast %add3A_132 : i32 to vector<16xi32>
      %add3A_134 = arith.addi %iota3A, %add3A_133 : vector<16xi32>
      %masked_sort3A_135 = arith.constant dense<true> : vector<16xi1>
      %masked_sort3A_136, %masked_sort3A_137, %masked_sort3A_138 = tpu.sort %get3A_131, %add3A_134 masked %masked_sort3A_135 : (vector<16xf32>, vector<16xi32>, vector<16xi1>) -> (vector<16xi1>, vector<16xf32>, vector<16xi32>)
      %add3A_139 = arith.constant 32 : i32
      %add3A_140 = arith.addi %mul3A_118, %add3A_139 : i32
      %get3A_141 = arith.index_cast %add3A_140 : i32 to index
      %get3A_142 = tpu.vector_load %arg5[%get3A_141] {strides = array<i32>} : memref<4096xf32, #tpu.memory_space<vmem>>, vector<16xf32>,
      %add3A_143 = arith.constant 32 : i32
      %add3A_144 = vector.broadcast %add3A_143 : i32 to vector<16xi32>
      %add3A_145 = arith.addi %iota3A, %add3A_144 : vector<16xi32>
      %masked_sort3A_146 = arith.constant dense<true> : vector<16xi1>
      %masked_sort3A_147, %masked_sort3A_148, %masked_sort3A_149 = tpu.sort %get3A_142, %add3A_145 masked %masked_sort3A_146 {descending = true} : (vector<16xf32>, vector<16xi32>, vector<16xi1>) -> (vector<16xi1>, vector<16xf32>, vector<16xi32>)
      %add3A_150 = arith.constant 48 : i32
      %add3A_151 = arith.addi %mul3A_118, %add3A_150 : i32
      %get3A_152 = arith.index_cast %add3A_151 : i32 to index
      %get3A_153 = tpu.vector_load %arg5[%get3A_152] {strides = array<i32>} : memref<4096xf32, #tpu.memory_space<vmem>>, vector<16xf32>,
      %add3A_154 = arith.constant 48 : i32
      %add3A_155 = vector.broadcast %add3A_154 : i32 to vector<16xi32>
      %add3A_156 = arith.addi %iota3A, %add3A_155 : vector<16xi32>
      %masked_sort3A_157 = arith.constant dense<true> : vector<16xi1>
      %masked_sort3A_158, %masked_sort3A_159, %masked_sort3A_160 = tpu.sort %get3A_153, %add3A_156 masked %masked_sort3A_157 : (vector<16xf32>, vector<16xi32>, vector<16xi1>) -> (vector<16xi1>, vector<16xf32>, vector<16xi32>)
      %select_n3A_161 = arith.select %lt3A_44, %masked_sort3A_126, %masked_sort3A_137 : vector<16xi1>, vector<16xf32>
      %select_n3A_162 = arith.select %lt3A_44, %masked_sort3A_127, %masked_sort3A_138 : vector<16xi1>, vector<16xi32>
      %masked_sort3A_163 = arith.constant dense<true> : vector<16xi1>
      %masked_sort3A_164, %masked_sort3A_165, %masked_sort3A_166 = tpu.sort %select_n3A_161, %select_n3A_162 masked %masked_sort3A_163 {descending = true} : (vector<16xf32>, vector<16xi32>, vector<16xi1>) -> (vector<16xi1>, vector<16xf32>, vector<16xi32>)
      %select_n3A_167 = arith.select %lt3A_44, %masked_sort3A_148, %masked_sort3A_159 : vector<16xi1>, vector<16xf32>
      %select_n3A_168 = arith.select %lt3A_44, %masked_sort3A_149, %masked_sort3A_160 : vector<16xi1>, vector<16xi32>
      %masked_sort3A_169 = arith.constant dense<true> : vector<16xi1>
      %masked_sort3A_170, %masked_sort3A_171, %masked_sort3A_172 = tpu.sort %select_n3A_167, %select_n3A_168 masked %masked_sort3A_169 : (vector<16xf32>, vector<16xi32>, vector<16xi1>) -> (vector<16xi1>, vector<16xf32>, vector<16xi32>)
      %select_n3A_173 = arith.select %lt3A_44, %masked_sort3A_165, %masked_sort3A_171 : vector<16xi1>, vector<16xf32>
      %select_n3A_174 = arith.select %lt3A_44, %masked_sort3A_166, %masked_sort3A_172 : vector<16xi1>, vector<16xi32>
      %masked_sort3A_175 = arith.constant dense<true> : vector<16xi1>
      %masked_sort3A_176, %masked_sort3A_177, %masked_sort3A_178 = tpu.sort %select_n3A_173, %select_n3A_174 masked %masked_sort3A_175 {descending = true} : (vector<16xf32>, vector<16xi32>, vector<16xi1>) -> (vector<16xi1>, vector<16xf32>, vector<16xi32>)
      %jit3A_179 = arith.constant 0.000000e+00 : f32
      %broadcast_in_dim3A = vector.broadcast %jit3A_179 : f32 to vector<16xf32>
      %select_n3A_180 = arith.select %lt3A_44, %masked_sort3A_177, %broadcast_in_dim3A : vector<16xi1>, vector<16xf32>
      %reduce_sum3A = arith.constant true
      %reduce_sum3A_181 = vector.broadcast %reduce_sum3A : i1 to vector<16xi1>
      %reduce_sum3A_182 = tpu.scan <sum>, %select_n3A_180 masked %reduce_sum3A_181 : vector<16xf32>, vector<16xi1> -> vector<16xf32>
      %reduce_sum3A_183 = vector.extract %reduce_sum3A_182[15] : f32 from vector<16xf32>
      %div3A_184 = vector.broadcast %reduce_sum3A_183 : f32 to vector<16xf32>
      %div3A_185 = arith.divf %select_n3A_180, %div3A_184 : vector<16xf32>
      %mul3A_186 = arith.constant 2 : i32
      %mul3A_187 = arith.muli %add3A_114, %mul3A_186 : i32
      %mul3A_188 = arith.constant 64 : i32
      %mul3A_189 = arith.muli %mul3A_187, %mul3A_188 : i32
      %add3A_190 = arith.constant 64 : i32
      %add3A_191 = arith.addi %mul3A_189, %add3A_190 : i32
      %add3A_192 = arith.constant 0 : i32
      %add3A_193 = arith.addi %add3A_191, %add3A_192 : i32
      %get3A_194 = arith.index_cast %add3A_193 : i32 to index
      %get3A_195 = tpu.vector_load %arg5[%get3A_194] {strides = array<i32>} : memref<4096xf32, #tpu.memory_space<vmem>>, vector<16xf32>,
      %add3A_196 = arith.constant 0 : i32
      %add3A_197 = vector.broadcast %add3A_196 : i32 to vector<16xi32>
      %add3A_198 = arith.addi %iota3A, %add3A_197 : vector<16xi32>
      %masked_sort3A_199 = arith.constant dense<true> : vector<16xi1>
      %masked_sort3A_200, %masked_sort3A_201, %masked_sort3A_202 = tpu.sort %get3A_195, %add3A_198 masked %masked_sort3A_199 {descending = true} : (vector<16xf32>, vector<16xi32>, vector<16xi1>) -> (vector<16xi1>, vector<16xf32>, vector<16xi32>)
      %add3A_203 = arith.constant 16 : i32
      %add3A_204 = arith.addi %add3A_191, %add3A_203 : i32
      %get3A_205 = arith.index_cast %add3A_204 : i32 to index
      %get3A_206 = tpu.vector_load %arg5[%get3A_205] {strides = array<i32>} : memref<4096xf32, #tpu.memory_space<vmem>>, vector<16xf32>,
      %add3A_207 = arith.constant 16 : i32
      %add3A_208 = vector.broadcast %add3A_207 : i32 to vector<16xi32>
      %add3A_209 = arith.addi %iota3A, %add3A_208 : vector<16xi32>
      %masked_sort3A_210 = arith.constant dense<true> : vector<16xi1>
      %masked_sort3A_211, %masked_sort3A_212, %masked_sort3A_213 = tpu.sort %get3A_206, %add3A_209 masked %masked_sort3A_210 : (vector<16xf32>, vector<16xi32>, vector<16xi1>) -> (vector<16xi1>, vector<16xf32>, vector<16xi32>)
      %add3A_214 = arith.constant 32 : i32
      %add3A_215 = arith.addi %add3A_191, %add3A_214 : i32
      %get3A_216 = arith.index_cast %add3A_215 : i32 to index
      %get3A_217 = tpu.vector_load %arg5[%get3A_216] {strides = array<i32>} : memref<4096xf32, #tpu.memory_space<vmem>>, vector<16xf32>,
      %add3A_218 = arith.constant 32 : i32
      %add3A_219 = vector.broadcast %add3A_218 : i32 to vector<16xi32>
      %add3A_220 = arith.addi %iota3A, %add3A_219 : vector<16xi32>
      %masked_sort3A_221 = arith.constant dense<true> : vector<16xi1>
      %masked_sort3A_222, %masked_sort3A_223, %masked_sort3A_224 = tpu.sort %get3A_217, %add3A_220 masked %masked_sort3A_221 {descending = true} : (vector<16xf32>, vector<16xi32>, vector<16xi1>) -> (vector<16xi1>, vector<16xf32>, vector<16xi32>)
      %add3A_225 = arith.constant 48 : i32
      %add3A_226 = arith.addi %add3A_191, %add3A_225 : i32
      %get3A_227 = arith.index_cast %add3A_226 : i32 to index
      %get3A_228 = tpu.vector_load %arg5[%get3A_227] {strides = array<i32>} : memref<4096xf32, #tpu.memory_space<vmem>>, vector<16xf32>,
      %add3A_229 = arith.constant 48 : i32
      %add3A_230 = vector.broadcast %add3A_229 : i32 to vector<16xi32>
      %add3A_231 = arith.addi %iota3A, %add3A_230 : vector<16xi32>
      %masked_sort3A_232 = arith.constant dense<true> : vector<16xi1>
      %masked_sort3A_233, %masked_sort3A_234, %masked_sort3A_235 = tpu.sort %get3A_228, %add3A_231 masked %masked_sort3A_232 : (vector<16xf32>, vector<16xi32>, vector<16xi1>) -> (vector<16xi1>, vector<16xf32>, vector<16xi32>)
      %select_n3A_236 = arith.select %lt3A_44, %masked_sort3A_201, %masked_sort3A_212 : vector<16xi1>, vector<16xf32>
      %select_n3A_237 = arith.select %lt3A_44, %masked_sort3A_202, %masked_sort3A_213 : vector<16xi1>, vector<16xi32>
      %masked_sort3A_238 = arith.constant dense<true> : vector<16xi1>
      %masked_sort3A_239, %masked_sort3A_240, %masked_sort3A_241 = tpu.sort %select_n3A_236, %select_n3A_237 masked %masked_sort3A_238 {descending = true} : (vector<16xf32>, vector<16xi32>, vector<16xi1>) -> (vector<16xi1>, vector<16xf32>, vector<16xi32>)
      %select_n3A_242 = arith.select %lt3A_44, %masked_sort3A_223, %masked_sort3A_234 : vector<16xi1>, vector<16xf32>
      %select_n3A_243 = arith.select %lt3A_44, %masked_sort3A_224, %masked_sort3A_235 : vector<16xi1>, vector<16xi32>
      %masked_sort3A_244 = arith.constant dense<true> : vector<16xi1>
      %masked_sort3A_245, %masked_sort3A_246, %masked_sort3A_247 = tpu.sort %select_n3A_242, %select_n3A_243 masked %masked_sort3A_244 : (vector<16xf32>, vector<16xi32>, vector<16xi1>) -> (vector<16xi1>, vector<16xf32>, vector<16xi32>)
      %select_n3A_248 = arith.select %lt3A_44, %masked_sort3A_240, %masked_sort3A_246 : vector<16xi1>, vector<16xf32>
      %select_n3A_249 = arith.select %lt3A_44, %masked_sort3A_241, %masked_sort3A_247 : vector<16xi1>, vector<16xi32>
      %masked_sort3A_250 = arith.constant dense<true> : vector<16xi1>
      %masked_sort3A_251, %masked_sort3A_252, %masked_sort3A_253 = tpu.sort %select_n3A_248, %select_n3A_249 masked %masked_sort3A_250 {descending = true} : (vector<16xf32>, vector<16xi32>, vector<16xi1>) -> (vector<16xi1>, vector<16xf32>, vector<16xi32>)
      %jit3A_254 = arith.constant 0.000000e+00 : f32
      %broadcast_in_dim3A_255 = vector.broadcast %jit3A_254 : f32 to vector<16xf32>
      %select_n3A_256 = arith.select %lt3A_44, %masked_sort3A_252, %broadcast_in_dim3A_255 : vector<16xi1>, vector<16xf32>
      %reduce_sum3A_257 = arith.constant true
      %reduce_sum3A_258 = vector.broadcast %reduce_sum3A_257 : i1 to vector<16xi1>
      %reduce_sum3A_259 = tpu.scan <sum>, %select_n3A_256 masked %reduce_sum3A_258 : vector<16xf32>, vector<16xi1> -> vector<16xf32>
      %reduce_sum3A_260 = vector.extract %reduce_sum3A_259[15] : f32 from vector<16xf32>
      %div3A_261 = vector.broadcast %reduce_sum3A_260 : f32 to vector<16xf32>
      %div3A_262 = arith.divf %select_n3A_256, %div3A_261 : vector<16xf32>
      %mul3A_263 = arith.constant 8 : i32
      %mul3A_264 = arith.muli %add3A_114, %mul3A_263 : i32
      %swap3A = arith.index_cast %mul3A_264 : i32 to index
      %swap3A_265 = tpu.vector_load %arg6[%swap3A] masked %lt3A_44 {strides = array<i32>} : memref<528xf32, #tpu.memory_space<vmem>>, vector<16xf32>, vector<16xi1>
      tpu.vector_store %arg6[%swap3A], %div3A_185 masked %lt3A_44 {strides = array<i32>} : memref<528xf32, #tpu.memory_space<vmem>>, vector<16xf32>, vector<16xi1>
      %mul3A_266 = arith.constant 8 : i32
      %mul3A_267 = arith.muli %add3A_114, %mul3A_266 : i32
      %swap3A_268 = arith.index_cast %mul3A_267 : i32 to index
      %swap3A_269 = tpu.vector_load %arg7[%swap3A_268] masked %lt3A_44 {strides = array<i32>} : memref<528xi32, #tpu.memory_space<vmem>>, vector<16xi32>, vector<16xi1>
      tpu.vector_store %arg7[%swap3A_268], %masked_sort3A_178 masked %lt3A_44 {strides = array<i32>} : memref<528xi32, #tpu.memory_space<vmem>>, vector<16xi32>, vector<16xi1>
      %add3A_270 = arith.constant 32 : i32
      %add3A_271 = arith.addi %add3A_270, %add3A_114 : i32
      %mul3A_272 = arith.constant 8 : i32
      %mul3A_273 = arith.muli %add3A_271, %mul3A_272 : i32
      %swap3A_274 = arith.index_cast %mul3A_273 : i32 to index
      %swap3A_275 = tpu.vector_load %arg6[%swap3A_274] masked %lt3A_44 {strides = array<i32>} : memref<528xf32, #tpu.memory_space<vmem>>, vector<16xf32>, vector<16xi1>
      tpu.vector_store %arg6[%swap3A_274], %div3A_262 masked %lt3A_44 {strides = array<i32>} : memref<528xf32, #tpu.memory_space<vmem>>, vector<16xf32>, vector<16xi1>
      %add3A_276 = arith.constant 32 : i32
      %add3A_277 = arith.addi %add3A_276, %add3A_114 : i32
      %mul3A_278 = arith.constant 8 : i32
      %mul3A_279 = arith.muli %add3A_277, %mul3A_278 : i32
      %swap3A_280 = arith.index_cast %mul3A_279 : i32 to index
      %swap3A_281 = tpu.vector_load %arg7[%swap3A_280] masked %lt3A_44 {strides = array<i32>} : memref<528xi32, #tpu.memory_space<vmem>>, vector<16xi32>, vector<16xi1>
      tpu.vector_store %arg7[%swap3A_280], %masked_sort3A_253 masked %lt3A_44 {strides = array<i32>} : memref<528xi32, #tpu.memory_space<vmem>>, vector<16xi32>, vector<16xi1>
    }
    %scan3A_48 = arith.constant 32 : i32
    %mul3A_49 = arith.constant 1024 : i32
    %mul3A_50 = arith.muli %select_n3A, %mul3A_49 : i32
    %add3A_51 = arith.addi %mul3A_50, %mul3A_32 : i32
    %add3A_52 = arith.constant 512 : i32
    %add3A_53 = arith.addi %add3A_51, %add3A_52 : i32
    %mul3A_54 = arith.constant 8 : i32
    %mul3A_55 = arith.muli %add3A_51, %mul3A_54 : i32
    %dma_start3A_56 = arith.constant 0 : i32
    %dma_start3A_57 = tpu.memref_slice %arg6[%dma_start3A_56] : memref<528xf32, #tpu.memory_space<vmem>> -> memref<256xf32, #tpu.memory_space<vmem>>
    %dma_start3A_58 = tpu.memref_slice %arg3[%mul3A_55] : memref<16384xf32, #tpu.memory_space<hbm>> -> memref<256xf32, #tpu.memory_space<hbm>>
    %dma_start3A_59 = tpu.memref_slice %arg3[%mul3A_55] : memref<16384xf32, #tpu.memory_space<hbm>> -> memref<256xf32, #tpu.memory_space<hbm>>
    %dma_start3A_60 = arith.constant 0 : i32
    %dma_start3A_61 = tpu.memref_slice %arg6[%dma_start3A_60] : memref<528xf32, #tpu.memory_space<vmem>> -> memref<256xf32, #tpu.memory_space<vmem>>
    tpu.enqueue_dma source(%dma_start3A_61 : memref<256xf32, #tpu.memory_space<vmem>>) target(%dma_start3A_59 : memref<256xf32, #tpu.memory_space<hbm>>) target_semaphore(%arg8 : memref<!tpu.dma_semaphore, #tpu.memory_space<semaphore_mem>>)
    %dma_wait3A_62 = arith.constant 0 : i32
    %dma_wait3A_63 = tpu.memref_slice %arg6[%dma_wait3A_62] : memref<528xf32, #tpu.memory_space<vmem>> -> memref<256xf32, #tpu.memory_space<vmem>>
    %dma_wait3A_64 = tpu.memref_slice %arg3[%mul3A_55] : memref<16384xf32, #tpu.memory_space<hbm>> -> memref<256xf32, #tpu.memory_space<hbm>>
    %dma_wait3A_65 = tpu.memref_slice %arg3[%mul3A_55] : memref<16384xf32, #tpu.memory_space<hbm>> -> memref<256xf32, #tpu.memory_space<hbm>>
    %dma_wait3A_66 = arith.constant 0 : i32
    %dma_wait3A_67 = tpu.memref_slice %arg6[%dma_wait3A_66] : memref<528xf32, #tpu.memory_space<vmem>> -> memref<256xf32, #tpu.memory_space<vmem>>
    tpu.wait_dma2 semaphore(%arg8 : memref<!tpu.dma_semaphore, #tpu.memory_space<semaphore_mem>>) src(%dma_wait3A_67 : memref<256xf32, #tpu.memory_space<vmem>>) dst(%dma_wait3A_65 : memref<256xf32, #tpu.memory_space<hbm>>)
    %mul3A_68 = arith.constant 8 : i32
    %mul3A_69 = arith.muli %add3A_51, %mul3A_68 : i32
    %dma_start3A_70 = arith.constant 0 : i32
    %dma_start3A_71 = tpu.memref_slice %arg7[%dma_start3A_70] : memref<528xi32, #tpu.memory_space<vmem>> -> memref<256xi32, #tpu.memory_space<vmem>>
    %dma_start3A_72 = tpu.memref_slice %arg4[%mul3A_69] : memref<16384xi32, #tpu.memory_space<hbm>> -> memref<256xi32, #tpu.memory_space<hbm>>
    %dma_start3A_73 = tpu.memref_slice %arg4[%mul3A_69] : memref<16384xi32, #tpu.memory_space<hbm>> -> memref<256xi32, #tpu.memory_space<hbm>>
    %dma_start3A_74 = arith.constant 0 : i32
    %dma_start3A_75 = tpu.memref_slice %arg7[%dma_start3A_74] : memref<528xi32, #tpu.memory_space<vmem>> -> memref<256xi32, #tpu.memory_space<vmem>>
    tpu.enqueue_dma source(%dma_start3A_75 : memref<256xi32, #tpu.memory_space<vmem>>) target(%dma_start3A_73 : memref<256xi32, #tpu.memory_space<hbm>>) target_semaphore(%arg8 : memref<!tpu.dma_semaphore, #tpu.memory_space<semaphore_mem>>)
    %dma_wait3A_76 = arith.constant 0 : i32
    %dma_wait3A_77 = tpu.memref_slice %arg7[%dma_wait3A_76] : memref<528xi32, #tpu.memory_space<vmem>> -> memref<256xi32, #tpu.memory_space<vmem>>
    %dma_wait3A_78 = tpu.memref_slice %arg4[%mul3A_69] : memref<16384xi32, #tpu.memory_space<hbm>> -> memref<256xi32, #tpu.memory_space<hbm>>
    %dma_wait3A_79 = tpu.memref_slice %arg4[%mul3A_69] : memref<16384xi32, #tpu.memory_space<hbm>> -> memref<256xi32, #tpu.memory_space<hbm>>
    %dma_wait3A_80 = arith.constant 0 : i32
    %dma_wait3A_81 = tpu.memref_slice %arg7[%dma_wait3A_80] : memref<528xi32, #tpu.memory_space<vmem>> -> memref<256xi32, #tpu.memory_space<vmem>>
    tpu.wait_dma2 semaphore(%arg8 : memref<!tpu.dma_semaphore, #tpu.memory_space<semaphore_mem>>) src(%dma_wait3A_81 : memref<256xi32, #tpu.memory_space<vmem>>) dst(%dma_wait3A_79 : memref<256xi32, #tpu.memory_space<hbm>>)
    %mul3A_82 = arith.constant 8 : i32
    %mul3A_83 = arith.muli %add3A_53, %mul3A_82 : i32
    %dma_start3A_84 = arith.constant 256 : i32
    %dma_start3A_85 = tpu.memref_slice %arg6[%dma_start3A_84] : memref<528xf32, #tpu.memory_space<vmem>> -> memref<256xf32, #tpu.memory_space<vmem>>
    %dma_start3A_86 = tpu.memref_slice %arg3[%mul3A_83] : memref<16384xf32, #tpu.memory_space<hbm>> -> memref<256xf32, #tpu.memory_space<hbm>>
    %dma_start3A_87 = tpu.memref_slice %arg3[%mul3A_83] : memref<16384xf32, #tpu.memory_space<hbm>> -> memref<256xf32, #tpu.memory_space<hbm>>
    %dma_start3A_88 = arith.constant 256 : i32
    %dma_start3A_89 = tpu.memref_slice %arg6[%dma_start3A_88] : memref<528xf32, #tpu.memory_space<vmem>> -> memref<256xf32, #tpu.memory_space<vmem>>
    tpu.enqueue_dma source(%dma_start3A_89 : memref<256xf32, #tpu.memory_space<vmem>>) target(%dma_start3A_87 : memref<256xf32, #tpu.memory_space<hbm>>) target_semaphore(%arg8 : memref<!tpu.dma_semaphore, #tpu.memory_space<semaphore_mem>>)
    %dma_wait3A_90 = arith.constant 256 : i32
    %dma_wait3A_91 = tpu.memref_slice %arg6[%dma_wait3A_90] : memref<528xf32, #tpu.memory_space<vmem>> -> memref<256xf32, #tpu.memory_space<vmem>>
    %dma_wait3A_92 = tpu.memref_slice %arg3[%mul3A_83] : memref<16384xf32, #tpu.memory_space<hbm>> -> memref<256xf32, #tpu.memory_space<hbm>>
    %dma_wait3A_93 = tpu.memref_slice %arg3[%mul3A_83] : memref<16384xf32, #tpu.memory_space<hbm>> -> memref<256xf32, #tpu.memory_space<hbm>>
    %dma_wait3A_94 = arith.constant 256 : i32
    %dma_wait3A_95 = tpu.memref_slice %arg6[%dma_wait3A_94] : memref<528xf32, #tpu.memory_space<vmem>> -> memref<256xf32, #tpu.memory_space<vmem>>
    tpu.wait_dma2 semaphore(%arg8 : memref<!tpu.dma_semaphore, #tpu.memory_space<semaphore_mem>>) src(%dma_wait3A_95 : memref<256xf32, #tpu.memory_space<vmem>>) dst(%dma_wait3A_93 : memref<256xf32, #tpu.memory_space<hbm>>)
    %mul3A_96 = arith.constant 8 : i32
    %mul3A_97 = arith.muli %add3A_53, %mul3A_96 : i32
    %dma_start3A_98 = arith.constant 256 : i32
    %dma_start3A_99 = tpu.memref_slice %arg7[%dma_start3A_98] : memref<528xi32, #tpu.memory_space<vmem>> -> memref<256xi32, #tpu.memory_space<vmem>>
    %dma_start3A_100 = tpu.memref_slice %arg4[%mul3A_97] : memref<16384xi32, #tpu.memory_space<hbm>> -> memref<256xi32, #tpu.memory_space<hbm>>
    %dma_start3A_101 = tpu.memref_slice %arg4[%mul3A_97] : memref<16384xi32, #tpu.memory_space<hbm>> -> memref<256xi32, #tpu.memory_space<hbm>>
    %dma_start3A_102 = arith.constant 256 : i32
    %dma_start3A_103 = tpu.memref_slice %arg7[%dma_start3A_102] : memref<528xi32, #tpu.memory_space<vmem>> -> memref<256xi32, #tpu.memory_space<vmem>>
    tpu.enqueue_dma source(%dma_start3A_103 : memref<256xi32, #tpu.memory_space<vmem>>) target(%dma_start3A_101 : memref<256xi32, #tpu.memory_space<hbm>>) target_semaphore(%arg8 : memref<!tpu.dma_semaphore, #tpu.memory_space<semaphore_mem>>)
    %dma_wait3A_104 = arith.constant 256 : i32
    %dma_wait3A_105 = tpu.memref_slice %arg7[%dma_wait3A_104] : memref<528xi32, #tpu.memory_space<vmem>> -> memref<256xi32, #tpu.memory_space<vmem>>
    %dma_wait3A_106 = tpu.memref_slice %arg4[%mul3A_97] : memref<16384xi32, #tpu.memory_space<hbm>> -> memref<256xi32, #tpu.memory_space<hbm>>
    %dma_wait3A_107 = tpu.memref_slice %arg4[%mul3A_97] : memref<16384xi32, #tpu.memory_space<hbm>> -> memref<256xi32, #tpu.memory_space<hbm>>
    %dma_wait3A_108 = arith.constant 256 : i32
    %dma_wait3A_109 = tpu.memref_slice %arg7[%dma_wait3A_108] : memref<528xi32, #tpu.memory_space<vmem>> -> memref<256xi32, #tpu.memory_space<vmem>>
    tpu.wait_dma2 semaphore(%arg8 : memref<!tpu.dma_semaphore, #tpu.memory_space<semaphore_mem>>) src(%dma_wait3A_109 : memref<256xi32, #tpu.memory_space<vmem>>) dst(%dma_wait3A_107 : memref<256xi32, #tpu.memory_space<hbm>>)
    return
  }
}

#map = affine_map<(d0, d1) -> (0)>
module attributes {stable_mosaic.version = 14 : i64} {
  func.func @_sc_topk_body(%arg0: i32, %arg1: i32, %arg2: memref<131072xf32, #tpu.memory_space<hbm>>, %arg3: memref<16384xf32, #tpu.memory_space<hbm>>, %arg4: memref<16384xi32, #tpu.memory_space<hbm>>, %arg5: memref<4096xf32, #tpu.memory_space<vmem>>, %arg6: memref<528xf32, #tpu.memory_space<vmem>>, %arg7: memref<528xi32, #tpu.memory_space<vmem>>, %arg8: memref<!tpu.dma_semaphore, #tpu.memory_space<semaphore_mem>>) attributes {dimension_semantics = [#tpu.dimension_semantics<core_parallel>, #tpu.dimension_semantics<subcore_parallel>], iteration_bounds = array<i64: 2, 16>, scalar_prefetch = 0 : i64, scratch_operands = 4 : i64, tpu.core_type = #tpu.core_type<sc_vector_subcore>, window_params = [{transform_indices = #map}, {transform_indices = #map}, {transform_indices = #map}]} {
    %mul3A = arith.constant 2 : i32
    %mul3A_0 = arith.muli %arg1, %mul3A : i32
    %add3A = arith.addi %mul3A_0, %arg0 : i32
    %jit3A = arith.constant 16 : i32
    %div3A = arith.divsi %add3A, %jit3A : i32
    %sign3A = arith.constant 0 : i32
    %sign3A_1 = arith.cmpi sgt, %add3A, %sign3A : i32
    %sign3A_2 = arith.extui %sign3A_1 : i1 to i32
    %sign3A_3 = arith.constant 0 : i32
    %sign3A_4 = arith.cmpi slt, %add3A, %sign3A_3 : i32
    %sign3A_5 = arith.extui %sign3A_4 : i1 to i32
    %sign3A_6 = arith.subi %sign3A_2, %sign3A_5 : i32
    %sign3A_7 = arith.constant 0 : i32
    %sign3A_8 = arith.cmpi sgt, %jit3A, %sign3A_7 : i32
    %sign3A_9 = arith.extui %sign3A_8 : i1 to i32
    %sign3A_10 = arith.constant 0 : i32
    %sign3A_11 = arith.cmpi slt, %jit3A, %sign3A_10 : i32
    %sign3A_12 = arith.extui %sign3A_11 : i1 to i32
    %sign3A_13 = arith.subi %sign3A_9, %sign3A_12 : i32
    %ne3A = arith.cmpi ne, %sign3A_6, %sign3A_13 : i32
    %rem3A = arith.remsi %add3A, %jit3A : i32
    %ne3A_14 = arith.constant 0 : i32
    %ne3A_15 = arith.cmpi ne, %rem3A, %ne3A_14 : i32
    %and3A = arith.andi %ne3A, %ne3A_15 : i1
    %sub3A = arith.constant 1 : i32
    %sub3A_16 = arith.subi %div3A, %sub3A : i32
    %select_n3A = arith.select %and3A, %sub3A_16, %div3A : i32
    %jit3A_17 = arith.constant 16 : i32
    %eq3A = arith.constant 0 : i32
    %eq3A_18 = arith.cmpi eq, %jit3A_17, %eq3A : i32
    %jit3A_19 = arith.constant 1 : i32
    %select_n3A_20 = arith.select %eq3A_18, %jit3A_19, %jit3A_17 : i32
    %rem3A_21 = arith.remsi %add3A, %select_n3A_20 : i32
    %ne3A_22 = arith.constant 0 : i32
    %ne3A_23 = arith.cmpi ne, %rem3A_21, %ne3A_22 : i32
    %lt3A = arith.constant 0 : i32
    %lt3A_24 = arith.cmpi slt, %rem3A_21, %lt3A : i32
    %lt3A_25 = arith.constant 0 : i32
    %lt3A_26 = arith.cmpi slt, %select_n3A_20, %lt3A_25 : i32
    %ne3A_27 = arith.xori %lt3A_24, %lt3A_26 : i1
    %and3A_28 = arith.andi %ne3A_27, %ne3A_23 : i1
    %add3A_29 = arith.addi %rem3A_21, %select_n3A_20 : i32
    %select_n3A_30 = arith.select %and3A_28, %add3A_29, %rem3A_21 : i32
    %mul3A_31 = arith.constant 32 : i32
    %mul3A_32 = arith.muli %select_n3A_30, %mul3A_31 : i32
    %mul3A_33 = arith.constant 512 : i32
    %mul3A_34 = arith.muli %select_n3A, %mul3A_33 : i32
    %add3A_35 = arith.addi %mul3A_34, %mul3A_32 : i32
    %mul3A_36 = arith.constant 2 : i32
    %mul3A_37 = arith.muli %add3A_35, %mul3A_36 : i32
    %mul3A_38 = arith.constant 64 : i32
    %mul3A_39 = arith.muli %mul3A_37, %mul3A_38 : i32
    %dma_start3A = tpu.memref_slice %arg2[%mul3A_39] : memref<131072xf32, #tpu.memory_space<hbm>> -> memref<4096xf32, #tpu.memory_space<hbm>>
    %dma_start3A_40 = tpu.memref_slice %arg2[%mul3A_39] : memref<131072xf32, #tpu.memory_space<hbm>> -> memref<4096xf32, #tpu.memory_space<hbm>>
    tpu.enqueue_dma source(%dma_start3A_40 : memref<4096xf32, #tpu.memory_space<hbm>>) target(%arg5 : memref<4096xf32, #tpu.memory_space<vmem>>) target_semaphore(%arg8 : memref<!tpu.dma_semaphore, #tpu.memory_space<semaphore_mem>>)
    %dma_wait3A = tpu.memref_slice %arg2[%mul3A_39] : memref<131072xf32, #tpu.memory_space<hbm>> -> memref<4096xf32, #tpu.memory_space<hbm>>
    %dma_wait3A_41 = tpu.memref_slice %arg2[%mul3A_39] : memref<131072xf32, #tpu.memory_space<hbm>> -> memref<4096xf32, #tpu.memory_space<hbm>>
    tpu.wait_dma2 semaphore(%arg8 : memref<!tpu.dma_semaphore, #tpu.memory_space<semaphore_mem>>) src(%dma_wait3A_41 : memref<4096xf32, #tpu.memory_space<hbm>>) dst(%arg5 : memref<4096xf32, #tpu.memory_space<vmem>>)
    %iota3A = tpu.iota {dimensions = array<i32: 0>} : vector<16xi32>
    %lt3A_42 = arith.constant 8 : i32
    %lt3A_43 = vector.broadcast %lt3A_42 : i32 to vector<16xi32>
    %lt3A_44 = arith.cmpi slt, %iota3A, %lt3A_43 : vector<16xi32>
    %scan3A = arith.constant 0 : i32
    %scan3A_45 = arith.constant 32 : i32
    %scan3A_46 = arith.addi %scan3A, %scan3A_45 : i32
    %scan3A_47 = arith.constant 1 : i32
    scf.for %scan3A_110 = %scan3A to %scan3A_46 step %scan3A_47  : i32 {
      %mul3A_111 = arith.constant 1 : i32
      %mul3A_112 = arith.muli %scan3A_110, %mul3A_111 : i32
      %add3A_113 = arith.constant 0 : i32
      %add3A_114 = arith.addi %add3A_113, %mul3A_112 : i32
      %mul3A_115 = arith.constant 2 : i32
      %mul3A_116 = arith.muli %add3A_114, %mul3A_115 : i32
      %mul3A_117 = arith.constant 64 : i32
      %mul3A_118 = arith.muli %mul3A_116, %mul3A_117 : i32
      %add3A_119 = arith.constant 0 : i32
      %add3A_120 = arith.addi %mul3A_118, %add3A_119 : i32
      %get3A = arith.index_cast %add3A_120 : i32 to index
      %get3A_121 = tpu.vector_load %arg5[%get3A] {strides = array<i32>} : memref<4096xf32, #tpu.memory_space<vmem>>, vector<16xf32>,
      %add3A_122 = arith.constant 0 : i32
      %add3A_123 = vector.broadcast %add3A_122 : i32 to vector<16xi32>
      %add3A_124 = arith.addi %iota3A, %add3A_123 : vector<16xi32>
      %masked_sort3A = arith.constant dense<true> : vector<16xi1>
      %masked_sort3A_125, %masked_sort3A_126, %masked_sort3A_127 = tpu.sort %get3A_121, %add3A_124 masked %masked_sort3A {descending = true} : (vector<16xf32>, vector<16xi32>, vector<16xi1>) -> (vector<16xi1>, vector<16xf32>, vector<16xi32>)
      %add3A_128 = arith.constant 16 : i32
      %add3A_129 = arith.addi %mul3A_118, %add3A_128 : i32
      %get3A_130 = arith.index_cast %add3A_129 : i32 to index
      %get3A_131 = tpu.vector_load %arg5[%get3A_130] {strides = array<i32>} : memref<4096xf32, #tpu.memory_space<vmem>>, vector<16xf32>,
      %add3A_132 = arith.constant 16 : i32
      %add3A_133 = vector.broadcast %add3A_132 : i32 to vector<16xi32>
      %add3A_134 = arith.addi %iota3A, %add3A_133 : vector<16xi32>
      %masked_sort3A_135 = arith.constant dense<true> : vector<16xi1>
      %masked_sort3A_136, %masked_sort3A_137, %masked_sort3A_138 = tpu.sort %get3A_131, %add3A_134 masked %masked_sort3A_135 : (vector<16xf32>, vector<16xi32>, vector<16xi1>) -> (vector<16xi1>, vector<16xf32>, vector<16xi32>)
      %add3A_139 = arith.constant 32 : i32
      %add3A_140 = arith.addi %mul3A_118, %add3A_139 : i32
      %get3A_141 = arith.index_cast %add3A_140 : i32 to index
      %get3A_142 = tpu.vector_load %arg5[%get3A_141] {strides = array<i32>} : memref<4096xf32, #tpu.memory_space<vmem>>, vector<16xf32>,
      %add3A_143 = arith.constant 32 : i32
      %add3A_144 = vector.broadcast %add3A_143 : i32 to vector<16xi32>
      %add3A_145 = arith.addi %iota3A, %add3A_144 : vector<16xi32>
      %masked_sort3A_146 = arith.constant dense<true> : vector<16xi1>
      %masked_sort3A_147, %masked_sort3A_148, %masked_sort3A_149 = tpu.sort %get3A_142, %add3A_145 masked %masked_sort3A_146 {descending = true} : (vector<16xf32>, vector<16xi32>, vector<16xi1>) -> (vector<16xi1>, vector<16xf32>, vector<16xi32>)
      %add3A_150 = arith.constant 48 : i32
      %add3A_151 = arith.addi %mul3A_118, %add3A_150 : i32
      %get3A_152 = arith.index_cast %add3A_151 : i32 to index
      %get3A_153 = tpu.vector_load %arg5[%get3A_152] {strides = array<i32>} : memref<4096xf32, #tpu.memory_space<vmem>>, vector<16xf32>,
      %add3A_154 = arith.constant 48 : i32
      %add3A_155 = vector.broadcast %add3A_154 : i32 to vector<16xi32>
      %add3A_156 = arith.addi %iota3A, %add3A_155 : vector<16xi32>
      %masked_sort3A_157 = arith.constant dense<true> : vector<16xi1>
      %masked_sort3A_158, %masked_sort3A_159, %masked_sort3A_160 = tpu.sort %get3A_153, %add3A_156 masked %masked_sort3A_157 : (vector<16xf32>, vector<16xi32>, vector<16xi1>) -> (vector<16xi1>, vector<16xf32>, vector<16xi32>)
      %select_n3A_161 = arith.select %lt3A_44, %masked_sort3A_126, %masked_sort3A_137 : vector<16xi1>, vector<16xf32>
      %select_n3A_162 = arith.select %lt3A_44, %masked_sort3A_127, %masked_sort3A_138 : vector<16xi1>, vector<16xi32>
      %masked_sort3A_163 = arith.constant dense<true> : vector<16xi1>
      %masked_sort3A_164, %masked_sort3A_165, %masked_sort3A_166 = tpu.sort %select_n3A_161, %select_n3A_162 masked %masked_sort3A_163 {descending = true} : (vector<16xf32>, vector<16xi32>, vector<16xi1>) -> (vector<16xi1>, vector<16xf32>, vector<16xi32>)
      %select_n3A_167 = arith.select %lt3A_44, %masked_sort3A_148, %masked_sort3A_159 : vector<16xi1>, vector<16xf32>
      %select_n3A_168 = arith.select %lt3A_44, %masked_sort3A_149, %masked_sort3A_160 : vector<16xi1>, vector<16xi32>
      %masked_sort3A_169 = arith.constant dense<true> : vector<16xi1>
      %masked_sort3A_170, %masked_sort3A_171, %masked_sort3A_172 = tpu.sort %select_n3A_167, %select_n3A_168 masked %masked_sort3A_169 : (vector<16xf32>, vector<16xi32>, vector<16xi1>) -> (vector<16xi1>, vector<16xf32>, vector<16xi32>)
      %select_n3A_173 = arith.select %lt3A_44, %masked_sort3A_165, %masked_sort3A_171 : vector<16xi1>, vector<16xf32>
      %select_n3A_174 = arith.select %lt3A_44, %masked_sort3A_166, %masked_sort3A_172 : vector<16xi1>, vector<16xi32>
      %masked_sort3A_175 = arith.constant dense<true> : vector<16xi1>
      %masked_sort3A_176, %masked_sort3A_177, %masked_sort3A_178 = tpu.sort %select_n3A_173, %select_n3A_174 masked %masked_sort3A_175 {descending = true} : (vector<16xf32>, vector<16xi32>, vector<16xi1>) -> (vector<16xi1>, vector<16xf32>, vector<16xi32>)
      %jit3A_179 = arith.constant 0.000000e+00 : f32
      %broadcast_in_dim3A = vector.broadcast %jit3A_179 : f32 to vector<16xf32>
      %select_n3A_180 = arith.select %lt3A_44, %masked_sort3A_177, %broadcast_in_dim3A : vector<16xi1>, vector<16xf32>
      %reduce_sum3A = arith.constant true
      %reduce_sum3A_181 = vector.broadcast %reduce_sum3A : i1 to vector<16xi1>
      %reduce_sum3A_182 = tpu.scan <sum>, %select_n3A_180 masked %reduce_sum3A_181 : vector<16xf32>, vector<16xi1> -> vector<16xf32>
      %reduce_sum3A_183 = vector.extract %reduce_sum3A_182[15] : f32 from vector<16xf32>
      %div3A_184 = vector.broadcast %reduce_sum3A_183 : f32 to vector<16xf32>
      %div3A_185 = arith.divf %select_n3A_180, %div3A_184 : vector<16xf32>
      %mul3A_186 = arith.constant 2 : i32
      %mul3A_187 = arith.muli %add3A_114, %mul3A_186 : i32
      %mul3A_188 = arith.constant 64 : i32
      %mul3A_189 = arith.muli %mul3A_187, %mul3A_188 : i32
      %add3A_190 = arith.constant 64 : i32
      %add3A_191 = arith.addi %mul3A_189, %add3A_190 : i32
      %add3A_192 = arith.constant 0 : i32
      %add3A_193 = arith.addi %add3A_191, %add3A_192 : i32
      %get3A_194 = arith.index_cast %add3A_193 : i32 to index
      %get3A_195 = tpu.vector_load %arg5[%get3A_194] {strides = array<i32>} : memref<4096xf32, #tpu.memory_space<vmem>>, vector<16xf32>,
      %add3A_196 = arith.constant 0 : i32
      %add3A_197 = vector.broadcast %add3A_196 : i32 to vector<16xi32>
      %add3A_198 = arith.addi %iota3A, %add3A_197 : vector<16xi32>
      %masked_sort3A_199 = arith.constant dense<true> : vector<16xi1>
      %masked_sort3A_200, %masked_sort3A_201, %masked_sort3A_202 = tpu.sort %get3A_195, %add3A_198 masked %masked_sort3A_199 {descending = true} : (vector<16xf32>, vector<16xi32>, vector<16xi1>) -> (vector<16xi1>, vector<16xf32>, vector<16xi32>)
      %add3A_203 = arith.constant 16 : i32
      %add3A_204 = arith.addi %add3A_191, %add3A_203 : i32
      %get3A_205 = arith.index_cast %add3A_204 : i32 to index
      %get3A_206 = tpu.vector_load %arg5[%get3A_205] {strides = array<i32>} : memref<4096xf32, #tpu.memory_space<vmem>>, vector<16xf32>,
      %add3A_207 = arith.constant 16 : i32
      %add3A_208 = vector.broadcast %add3A_207 : i32 to vector<16xi32>
      %add3A_209 = arith.addi %iota3A, %add3A_208 : vector<16xi32>
      %masked_sort3A_210 = arith.constant dense<true> : vector<16xi1>
      %masked_sort3A_211, %masked_sort3A_212, %masked_sort3A_213 = tpu.sort %get3A_206, %add3A_209 masked %masked_sort3A_210 : (vector<16xf32>, vector<16xi32>, vector<16xi1>) -> (vector<16xi1>, vector<16xf32>, vector<16xi32>)
      %add3A_214 = arith.constant 32 : i32
      %add3A_215 = arith.addi %add3A_191, %add3A_214 : i32
      %get3A_216 = arith.index_cast %add3A_215 : i32 to index
      %get3A_217 = tpu.vector_load %arg5[%get3A_216] {strides = array<i32>} : memref<4096xf32, #tpu.memory_space<vmem>>, vector<16xf32>,
      %add3A_218 = arith.constant 32 : i32
      %add3A_219 = vector.broadcast %add3A_218 : i32 to vector<16xi32>
      %add3A_220 = arith.addi %iota3A, %add3A_219 : vector<16xi32>
      %masked_sort3A_221 = arith.constant dense<true> : vector<16xi1>
      %masked_sort3A_222, %masked_sort3A_223, %masked_sort3A_224 = tpu.sort %get3A_217, %add3A_220 masked %masked_sort3A_221 {descending = true} : (vector<16xf32>, vector<16xi32>, vector<16xi1>) -> (vector<16xi1>, vector<16xf32>, vector<16xi32>)
      %add3A_225 = arith.constant 48 : i32
      %add3A_226 = arith.addi %add3A_191, %add3A_225 : i32
      %get3A_227 = arith.index_cast %add3A_226 : i32 to index
      %get3A_228 = tpu.vector_load %arg5[%get3A_227] {strides = array<i32>} : memref<4096xf32, #tpu.memory_space<vmem>>, vector<16xf32>,
      %add3A_229 = arith.constant 48 : i32
      %add3A_230 = vector.broadcast %add3A_229 : i32 to vector<16xi32>
      %add3A_231 = arith.addi %iota3A, %add3A_230 : vector<16xi32>
      %masked_sort3A_232 = arith.constant dense<true> : vector<16xi1>
      %masked_sort3A_233, %masked_sort3A_234, %masked_sort3A_235 = tpu.sort %get3A_228, %add3A_231 masked %masked_sort3A_232 : (vector<16xf32>, vector<16xi32>, vector<16xi1>) -> (vector<16xi1>, vector<16xf32>, vector<16xi32>)
      %select_n3A_236 = arith.select %lt3A_44, %masked_sort3A_201, %masked_sort3A_212 : vector<16xi1>, vector<16xf32>
      %select_n3A_237 = arith.select %lt3A_44, %masked_sort3A_202, %masked_sort3A_213 : vector<16xi1>, vector<16xi32>
      %masked_sort3A_238 = arith.constant dense<true> : vector<16xi1>
      %masked_sort3A_239, %masked_sort3A_240, %masked_sort3A_241 = tpu.sort %select_n3A_236, %select_n3A_237 masked %masked_sort3A_238 {descending = true} : (vector<16xf32>, vector<16xi32>, vector<16xi1>) -> (vector<16xi1>, vector<16xf32>, vector<16xi32>)
      %select_n3A_242 = arith.select %lt3A_44, %masked_sort3A_223, %masked_sort3A_234 : vector<16xi1>, vector<16xf32>
      %select_n3A_243 = arith.select %lt3A_44, %masked_sort3A_224, %masked_sort3A_235 : vector<16xi1>, vector<16xi32>
      %masked_sort3A_244 = arith.constant dense<true> : vector<16xi1>
      %masked_sort3A_245, %masked_sort3A_246, %masked_sort3A_247 = tpu.sort %select_n3A_242, %select_n3A_243 masked %masked_sort3A_244 : (vector<16xf32>, vector<16xi32>, vector<16xi1>) -> (vector<16xi1>, vector<16xf32>, vector<16xi32>)
      %select_n3A_248 = arith.select %lt3A_44, %masked_sort3A_240, %masked_sort3A_246 : vector<16xi1>, vector<16xf32>
      %select_n3A_249 = arith.select %lt3A_44, %masked_sort3A_241, %masked_sort3A_247 : vector<16xi1>, vector<16xi32>
      %masked_sort3A_250 = arith.constant dense<true> : vector<16xi1>
      %masked_sort3A_251, %masked_sort3A_252, %masked_sort3A_253 = tpu.sort %select_n3A_248, %select_n3A_249 masked %masked_sort3A_250 {descending = true} : (vector<16xf32>, vector<16xi32>, vector<16xi1>) -> (vector<16xi1>, vector<16xf32>, vector<16xi32>)
      %jit3A_254 = arith.constant 0.000000e+00 : f32
      %broadcast_in_dim3A_255 = vector.broadcast %jit3A_254 : f32 to vector<16xf32>
      %select_n3A_256 = arith.select %lt3A_44, %masked_sort3A_252, %broadcast_in_dim3A_255 : vector<16xi1>, vector<16xf32>
      %reduce_sum3A_257 = arith.constant true
      %reduce_sum3A_258 = vector.broadcast %reduce_sum3A_257 : i1 to vector<16xi1>
      %reduce_sum3A_259 = tpu.scan <sum>, %select_n3A_256 masked %reduce_sum3A_258 : vector<16xf32>, vector<16xi1> -> vector<16xf32>
      %reduce_sum3A_260 = vector.extract %reduce_sum3A_259[15] : f32 from vector<16xf32>
      %div3A_261 = vector.broadcast %reduce_sum3A_260 : f32 to vector<16xf32>
      %div3A_262 = arith.divf %select_n3A_256, %div3A_261 : vector<16xf32>
      %mul3A_263 = arith.constant 8 : i32
      %mul3A_264 = arith.muli %add3A_114, %mul3A_263 : i32
      %swap3A = arith.index_cast %mul3A_264 : i32 to index
      %swap3A_265 = tpu.vector_load %arg6[%swap3A] masked %lt3A_44 {strides = array<i32>} : memref<528xf32, #tpu.memory_space<vmem>>, vector<16xf32>, vector<16xi1>
      tpu.vector_store %arg6[%swap3A], %div3A_185 masked %lt3A_44 {strides = array<i32>} : memref<528xf32, #tpu.memory_space<vmem>>, vector<16xf32>, vector<16xi1>
      %mul3A_266 = arith.constant 8 : i32
      %mul3A_267 = arith.muli %add3A_114, %mul3A_266 : i32
      %swap3A_268 = arith.index_cast %mul3A_267 : i32 to index
      %swap3A_269 = tpu.vector_load %arg7[%swap3A_268] masked %lt3A_44 {strides = array<i32>} : memref<528xi32, #tpu.memory_space<vmem>>, vector<16xi32>, vector<16xi1>
      tpu.vector_store %arg7[%swap3A_268], %masked_sort3A_178 masked %lt3A_44 {strides = array<i32>} : memref<528xi32, #tpu.memory_space<vmem>>, vector<16xi32>, vector<16xi1>
      %add3A_270 = arith.constant 32 : i32
      %add3A_271 = arith.addi %add3A_270, %add3A_114 : i32
      %mul3A_272 = arith.constant 8 : i32
      %mul3A_273 = arith.muli %add3A_271, %mul3A_272 : i32
      %swap3A_274 = arith.index_cast %mul3A_273 : i32 to index
      %swap3A_275 = tpu.vector_load %arg6[%swap3A_274] masked %lt3A_44 {strides = array<i32>} : memref<528xf32, #tpu.memory_space<vmem>>, vector<16xf32>, vector<16xi1>
      tpu.vector_store %arg6[%swap3A_274], %div3A_262 masked %lt3A_44 {strides = array<i32>} : memref<528xf32, #tpu.memory_space<vmem>>, vector<16xf32>, vector<16xi1>
      %add3A_276 = arith.constant 32 : i32
      %add3A_277 = arith.addi %add3A_276, %add3A_114 : i32
      %mul3A_278 = arith.constant 8 : i32
      %mul3A_279 = arith.muli %add3A_277, %mul3A_278 : i32
      %swap3A_280 = arith.index_cast %mul3A_279 : i32 to index
      %swap3A_281 = tpu.vector_load %arg7[%swap3A_280] masked %lt3A_44 {strides = array<i32>} : memref<528xi32, #tpu.memory_space<vmem>>, vector<16xi32>, vector<16xi1>
      tpu.vector_store %arg7[%swap3A_280], %masked_sort3A_253 masked %lt3A_44 {strides = array<i32>} : memref<528xi32, #tpu.memory_space<vmem>>, vector<16xi32>, vector<16xi1>
    }
    %scan3A_48 = arith.constant 32 : i32
    %mul3A_49 = arith.constant 1024 : i32
    %mul3A_50 = arith.muli %select_n3A, %mul3A_49 : i32
    %add3A_51 = arith.addi %mul3A_50, %mul3A_32 : i32
    %add3A_52 = arith.constant 512 : i32
    %add3A_53 = arith.addi %add3A_51, %add3A_52 : i32
    %mul3A_54 = arith.constant 8 : i32
    %mul3A_55 = arith.muli %add3A_51, %mul3A_54 : i32
    %dma_start3A_56 = arith.constant 0 : i32
    %dma_start3A_57 = tpu.memref_slice %arg6[%dma_start3A_56] : memref<528xf32, #tpu.memory_space<vmem>> -> memref<256xf32, #tpu.memory_space<vmem>>
    %dma_start3A_58 = tpu.memref_slice %arg3[%mul3A_55] : memref<16384xf32, #tpu.memory_space<hbm>> -> memref<256xf32, #tpu.memory_space<hbm>>
    %dma_start3A_59 = tpu.memref_slice %arg3[%mul3A_55] : memref<16384xf32, #tpu.memory_space<hbm>> -> memref<256xf32, #tpu.memory_space<hbm>>
    %dma_start3A_60 = arith.constant 0 : i32
    %dma_start3A_61 = tpu.memref_slice %arg6[%dma_start3A_60] : memref<528xf32, #tpu.memory_space<vmem>> -> memref<256xf32, #tpu.memory_space<vmem>>
    tpu.enqueue_dma source(%dma_start3A_61 : memref<256xf32, #tpu.memory_space<vmem>>) target(%dma_start3A_59 : memref<256xf32, #tpu.memory_space<hbm>>) target_semaphore(%arg8 : memref<!tpu.dma_semaphore, #tpu.memory_space<semaphore_mem>>)
    %dma_wait3A_62 = arith.constant 0 : i32
    %dma_wait3A_63 = tpu.memref_slice %arg6[%dma_wait3A_62] : memref<528xf32, #tpu.memory_space<vmem>> -> memref<256xf32, #tpu.memory_space<vmem>>
    %dma_wait3A_64 = tpu.memref_slice %arg3[%mul3A_55] : memref<16384xf32, #tpu.memory_space<hbm>> -> memref<256xf32, #tpu.memory_space<hbm>>
    %dma_wait3A_65 = tpu.memref_slice %arg3[%mul3A_55] : memref<16384xf32, #tpu.memory_space<hbm>> -> memref<256xf32, #tpu.memory_space<hbm>>
    %dma_wait3A_66 = arith.constant 0 : i32
    %dma_wait3A_67 = tpu.memref_slice %arg6[%dma_wait3A_66] : memref<528xf32, #tpu.memory_space<vmem>> -> memref<256xf32, #tpu.memory_space<vmem>>
    tpu.wait_dma2 semaphore(%arg8 : memref<!tpu.dma_semaphore, #tpu.memory_space<semaphore_mem>>) src(%dma_wait3A_67 : memref<256xf32, #tpu.memory_space<vmem>>) dst(%dma_wait3A_65 : memref<256xf32, #tpu.memory_space<hbm>>)
    %mul3A_68 = arith.constant 8 : i32
    %mul3A_69 = arith.muli %add3A_51, %mul3A_68 : i32
    %dma_start3A_70 = arith.constant 0 : i32
    %dma_start3A_71 = tpu.memref_slice %arg7[%dma_start3A_70] : memref<528xi32, #tpu.memory_space<vmem>> -> memref<256xi32, #tpu.memory_space<vmem>>
    %dma_start3A_72 = tpu.memref_slice %arg4[%mul3A_69] : memref<16384xi32, #tpu.memory_space<hbm>> -> memref<256xi32, #tpu.memory_space<hbm>>
    %dma_start3A_73 = tpu.memref_slice %arg4[%mul3A_69] : memref<16384xi32, #tpu.memory_space<hbm>> -> memref<256xi32, #tpu.memory_space<hbm>>
    %dma_start3A_74 = arith.constant 0 : i32
    %dma_start3A_75 = tpu.memref_slice %arg7[%dma_start3A_74] : memref<528xi32, #tpu.memory_space<vmem>> -> memref<256xi32, #tpu.memory_space<vmem>>
    tpu.enqueue_dma source(%dma_start3A_75 : memref<256xi32, #tpu.memory_space<vmem>>) target(%dma_start3A_73 : memref<256xi32, #tpu.memory_space<hbm>>) target_semaphore(%arg8 : memref<!tpu.dma_semaphore, #tpu.memory_space<semaphore_mem>>)
    %dma_wait3A_76 = arith.constant 0 : i32
    %dma_wait3A_77 = tpu.memref_slice %arg7[%dma_wait3A_76] : memref<528xi32, #tpu.memory_space<vmem>> -> memref<256xi32, #tpu.memory_space<vmem>>
    %dma_wait3A_78 = tpu.memref_slice %arg4[%mul3A_69] : memref<16384xi32, #tpu.memory_space<hbm>> -> memref<256xi32, #tpu.memory_space<hbm>>
    %dma_wait3A_79 = tpu.memref_slice %arg4[%mul3A_69] : memref<16384xi32, #tpu.memory_space<hbm>> -> memref<256xi32, #tpu.memory_space<hbm>>
    %dma_wait3A_80 = arith.constant 0 : i32
    %dma_wait3A_81 = tpu.memref_slice %arg7[%dma_wait3A_80] : memref<528xi32, #tpu.memory_space<vmem>> -> memref<256xi32, #tpu.memory_space<vmem>>
    tpu.wait_dma2 semaphore(%arg8 : memref<!tpu.dma_semaphore, #tpu.memory_space<semaphore_mem>>) src(%dma_wait3A_81 : memref<256xi32, #tpu.memory_space<vmem>>) dst(%dma_wait3A_79 : memref<256xi32, #tpu.memory_space<hbm>>)
    %mul3A_82 = arith.constant 8 : i32
    %mul3A_83 = arith.muli %add3A_53, %mul3A_82 : i32
    %dma_start3A_84 = arith.constant 256 : i32
    %dma_start3A_85 = tpu.memref_slice %arg6[%dma_start3A_84] : memref<528xf32, #tpu.memory_space<vmem>> -> memref<256xf32, #tpu.memory_space<vmem>>
    %dma_start3A_86 = tpu.memref_slice %arg3[%mul3A_83] : memref<16384xf32, #tpu.memory_space<hbm>> -> memref<256xf32, #tpu.memory_space<hbm>>
    %dma_start3A_87 = tpu.memref_slice %arg3[%mul3A_83] : memref<16384xf32, #tpu.memory_space<hbm>> -> memref<256xf32, #tpu.memory_space<hbm>>
    %dma_start3A_88 = arith.constant 256 : i32
    %dma_start3A_89 = tpu.memref_slice %arg6[%dma_start3A_88] : memref<528xf32, #tpu.memory_space<vmem>> -> memref<256xf32, #tpu.memory_space<vmem>>
    tpu.enqueue_dma source(%dma_start3A_89 : memref<256xf32, #tpu.memory_space<vmem>>) target(%dma_start3A_87 : memref<256xf32, #tpu.memory_space<hbm>>) target_semaphore(%arg8 : memref<!tpu.dma_semaphore, #tpu.memory_space<semaphore_mem>>)
    %dma_wait3A_90 = arith.constant 256 : i32
    %dma_wait3A_91 = tpu.memref_slice %arg6[%dma_wait3A_90] : memref<528xf32, #tpu.memory_space<vmem>> -> memref<256xf32, #tpu.memory_space<vmem>>
    %dma_wait3A_92 = tpu.memref_slice %arg3[%mul3A_83] : memref<16384xf32, #tpu.memory_space<hbm>> -> memref<256xf32, #tpu.memory_space<hbm>>
    %dma_wait3A_93 = tpu.memref_slice %arg3[%mul3A_83] : memref<16384xf32, #tpu.memory_space<hbm>> -> memref<256xf32, #tpu.memory_space<hbm>>
    %dma_wait3A_94 = arith.constant 256 : i32
    %dma_wait3A_95 = tpu.memref_slice %arg6[%dma_wait3A_94] : memref<528xf32, #tpu.memory_space<vmem>> -> memref<256xf32, #tpu.memory_space<vmem>>
    tpu.wait_dma2 semaphore(%arg8 : memref<!tpu.dma_semaphore, #tpu.memory_space<semaphore_mem>>) src(%dma_wait3A_95 : memref<256xf32, #tpu.memory_space<vmem>>) dst(%dma_wait3A_93 : memref<256xf32, #tpu.memory_space<hbm>>)
    %mul3A_96 = arith.constant 8 : i32
    %mul3A_97 = arith.muli %add3A_53, %mul3A_96 : i32
    %dma_start3A_98 = arith.constant 256 : i32
    %dma_start3A_99 = tpu.memref_slice %arg7[%dma_start3A_98] : memref<528xi32, #tpu.memory_space<vmem>> -> memref<256xi32, #tpu.memory_space<vmem>>
    %dma_start3A_100 = tpu.memref_slice %arg4[%mul3A_97] : memref<16384xi32, #tpu.memory_space<hbm>> -> memref<256xi32, #tpu.memory_space<hbm>>
    %dma_start3A_101 = tpu.memref_slice %arg4[%mul3A_97] : memref<16384xi32, #tpu.memory_space<hbm>> -> memref<256xi32, #tpu.memory_space<hbm>>
    %dma_start3A_102 = arith.constant 256 : i32
    %dma_start3A_103 = tpu.memref_slice %arg7[%dma_start3A_102] : memref<528xi32, #tpu.memory_space<vmem>> -> memref<256xi32, #tpu.memory_space<vmem>>
    tpu.enqueue_dma source(%dma_start3A_103 : memref<256xi32, #tpu.memory_space<vmem>>) target(%dma_start3A_101 : memref<256xi32, #tpu.memory_space<hbm>>) target_semaphore(%arg8 : memref<!tpu.dma_semaphore, #tpu.memory_space<semaphore_mem>>)
    %dma_wait3A_104 = arith.constant 256 : i32
    %dma_wait3A_105 = tpu.memref_slice %arg7[%dma_wait3A_104] : memref<528xi32, #tpu.memory_space<vmem>> -> memref<256xi32, #tpu.memory_space<vmem>>
    %dma_wait3A_106 = tpu.memref_slice %arg4[%mul3A_97] : memref<16384xi32, #tpu.memory_space<hbm>> -> memref<256xi32, #tpu.memory_space<hbm>>
    %dma_wait3A_107 = tpu.memref_slice %arg4[%mul3A_97] : memref<16384xi32, #tpu.memory_space<hbm>> -> memref<256xi32, #tpu.memory_space<hbm>>
    %dma_wait3A_108 = arith.constant 256 : i32
    %dma_wait3A_109 = tpu.memref_slice %arg7[%dma_wait3A_108] : memref<528xi32, #tpu.memory_space<vmem>> -> memref<256xi32, #tpu.memory_space<vmem>>
    tpu.wait_dma2 semaphore(%arg8 : memref<!tpu.dma_semaphore, #tpu.memory_space<semaphore_mem>>) src(%dma_wait3A_109 : memref<256xi32, #tpu.memory_space<vmem>>) dst(%dma_wait3A_107 : memref<256xi32, #tpu.memory_space<hbm>>)
    return
  }
}

module attributes {stable_mosaic.version = 14 : i64} {
  func.func @_scores_block(%arg0: i32, %arg1: memref<1024x2048xf32, #tpu.memory_space<vmem>>, %arg2: memref<2048x64xf32, #tpu.memory_space<vmem>>, %arg3: memref<512x128xf32, #tpu.memory_space<vmem>>) attributes {dimension_semantics = [#tpu.dimension_semantics<parallel>], iteration_bounds = array<i64: 2>, scalar_prefetch = 0 : i64, scratch_operands = 0 : i64, tpu.core_type = #tpu.core_type<tc>, window_params = [{transform_indices = @transform_0, window_bounds = array<i64: 1024, 2048>}, {pipeline_mode = #tpu.pipeline_mode<synchronous>, transform_indices = @transform_1, window_bounds = array<i64: 2048, 64>}, {transform_indices = @transform_2, window_bounds = array<i64: 512, 128>}]} {
    %get3A = arith.constant 0 : index
    %get3A_0 = arith.constant 0 : index
    %get3A_1 = vector.load %arg1[%get3A, %get3A_0] : memref<1024x2048xf32, #tpu.memory_space<vmem>>, vector<1024x2048xf32>
    %get3A_2 = arith.constant 0 : index
    %get3A_3 = arith.constant 0 : index
    %get3A_4 = vector.load %arg2[%get3A_2, %get3A_3] : memref<2048x64xf32, #tpu.memory_space<vmem>>, vector<2048x64xf32>
    %dot_general3A = arith.constant dense<0.000000e+00> : vector<1024x64xf32>
    %dot_general3A_5 = tpu.matmul %get3A_1, %get3A_4, %dot_general3A {dimension_numbers = #tpu.dot_dimension_numbers<[1], [0], [0], [1], [0, 0, 1, 1], [], []>, transpose_lhs_hint = false} : vector<1024x2048xf32>, vector<2048x64xf32>, vector<1024x64xf32> -> vector<1024x64xf32>
    %reduce_max3A = arith.constant dense<0xFF800000> : vector<1024xf32>
    %reduce_max3A_6 = vector.multi_reduction <maximumf>, %dot_general3A_5, %reduce_max3A [1] : vector<1024x64xf32> to vector<1024xf32>
    %broadcast_in_dim3A = vector.shape_cast %reduce_max3A_6 : vector<1024xf32> to vector<1024x1xf32>
    %sub3A = vector.broadcast %broadcast_in_dim3A : vector<1024x1xf32> to vector<1024x64xf32>
    %sub3A_7 = arith.subf %dot_general3A_5, %sub3A : vector<1024x64xf32>
    %exp3A = math.exp %sub3A_7 : vector<1024x64xf32>
    %slice3A = vector.extract_strided_slice %exp3A {offsets = [0, 0], sizes = [512, 64], strides = [1, 1]} : vector<1024x64xf32> to vector<512x64xf32>
    %slice3A_8 = vector.extract_strided_slice %exp3A {offsets = [512, 0], sizes = [512, 64], strides = [1, 1]} : vector<1024x64xf32> to vector<512x64xf32>
    %concatenate3A = tpu.concatenate %slice3A, %slice3A_8 in 1 : vector<512x64xf32>, vector<512x64xf32> -> vector<512x128xf32>
    %swap3A = arith.constant 0 : index
    %swap3A_9 = arith.constant 0 : index
    %swap3A_10 = vector.load %arg3[%swap3A, %swap3A_9] : memref<512x128xf32, #tpu.memory_space<vmem>>, vector<512x128xf32>
    tpu.vector_store %arg3[%swap3A, %swap3A_9], %concatenate3A {strides = array<i32>} : memref<512x128xf32, #tpu.memory_space<vmem>>, vector<512x128xf32>,
    return
  }
  func.func @transform_0(%arg0: i32) -> (i32, i32) {
    %add3A = arith.constant 4 : i32
    %add3A_0 = arith.addi %add3A, %arg0 : i32
    %c0_i32 = arith.constant 0 : i32
    %c0_i32_1 = arith.constant 0 : i32
    return %add3A_0, %c0_i32 : i32, i32
  }
  func.func @transform_1(%arg0: i32) -> (i32, i32) {
    %c0_i32 = arith.constant 0 : i32
    %c0_i32_0 = arith.constant 0 : i32
    %c0_i32_1 = arith.constant 0 : i32
    return %c0_i32, %c0_i32_0 : i32, i32
  }
  func.func @transform_2(%arg0: i32) -> (i32, i32) {
    %c0_i32 = arith.constant 0 : i32
    %c0_i32_0 = arith.constant 0 : i32
    return %arg0, %c0_i32 : i32, i32
  }
}

module attributes {stable_mosaic.version = 14 : i64} {
  func.func @_scores_block(%arg0: i32, %arg1: memref<1024x2048xf32, #tpu.memory_space<vmem>>, %arg2: memref<2048x64xf32, #tpu.memory_space<vmem>>, %arg3: memref<512x128xf32, #tpu.memory_space<vmem>>) attributes {dimension_semantics = [#tpu.dimension_semantics<parallel>], iteration_bounds = array<i64: 2>, scalar_prefetch = 0 : i64, scratch_operands = 0 : i64, tpu.core_type = #tpu.core_type<tc>, window_params = [{transform_indices = @transform_0, window_bounds = array<i64: 1024, 2048>}, {pipeline_mode = #tpu.pipeline_mode<synchronous>, transform_indices = @transform_1, window_bounds = array<i64: 2048, 64>}, {transform_indices = @transform_2, window_bounds = array<i64: 512, 128>}]} {
    %get3A = arith.constant 0 : index
    %get3A_0 = arith.constant 0 : index
    %get3A_1 = vector.load %arg1[%get3A, %get3A_0] : memref<1024x2048xf32, #tpu.memory_space<vmem>>, vector<1024x2048xf32>
    %get3A_2 = arith.constant 0 : index
    %get3A_3 = arith.constant 0 : index
    %get3A_4 = vector.load %arg2[%get3A_2, %get3A_3] : memref<2048x64xf32, #tpu.memory_space<vmem>>, vector<2048x64xf32>
    %dot_general3A = arith.constant dense<0.000000e+00> : vector<1024x64xf32>
    %dot_general3A_5 = tpu.matmul %get3A_1, %get3A_4, %dot_general3A {dimension_numbers = #tpu.dot_dimension_numbers<[1], [0], [0], [1], [0, 0, 1, 1], [], []>, transpose_lhs_hint = false} : vector<1024x2048xf32>, vector<2048x64xf32>, vector<1024x64xf32> -> vector<1024x64xf32>
    %reduce_max3A = arith.constant dense<0xFF800000> : vector<1024xf32>
    %reduce_max3A_6 = vector.multi_reduction <maximumf>, %dot_general3A_5, %reduce_max3A [1] : vector<1024x64xf32> to vector<1024xf32>
    %broadcast_in_dim3A = vector.shape_cast %reduce_max3A_6 : vector<1024xf32> to vector<1024x1xf32>
    %sub3A = vector.broadcast %broadcast_in_dim3A : vector<1024x1xf32> to vector<1024x64xf32>
    %sub3A_7 = arith.subf %dot_general3A_5, %sub3A : vector<1024x64xf32>
    %exp3A = math.exp %sub3A_7 : vector<1024x64xf32>
    %slice3A = vector.extract_strided_slice %exp3A {offsets = [0, 0], sizes = [512, 64], strides = [1, 1]} : vector<1024x64xf32> to vector<512x64xf32>
    %slice3A_8 = vector.extract_strided_slice %exp3A {offsets = [512, 0], sizes = [512, 64], strides = [1, 1]} : vector<1024x64xf32> to vector<512x64xf32>
    %concatenate3A = tpu.concatenate %slice3A, %slice3A_8 in 1 : vector<512x64xf32>, vector<512x64xf32> -> vector<512x128xf32>
    %swap3A = arith.constant 0 : index
    %swap3A_9 = arith.constant 0 : index
    %swap3A_10 = vector.load %arg3[%swap3A, %swap3A_9] : memref<512x128xf32, #tpu.memory_space<vmem>>, vector<512x128xf32>
    tpu.vector_store %arg3[%swap3A, %swap3A_9], %concatenate3A {strides = array<i32>} : memref<512x128xf32, #tpu.memory_space<vmem>>, vector<512x128xf32>,
    return
  }
  func.func @transform_0(%arg0: i32) -> (i32, i32) {
    %add3A = arith.constant 2 : i32
    %add3A_0 = arith.addi %add3A, %arg0 : i32
    %c0_i32 = arith.constant 0 : i32
    %c0_i32_1 = arith.constant 0 : i32
    return %add3A_0, %c0_i32 : i32, i32
  }
  func.func @transform_1(%arg0: i32) -> (i32, i32) {
    %c0_i32 = arith.constant 0 : i32
    %c0_i32_0 = arith.constant 0 : i32
    %c0_i32_1 = arith.constant 0 : i32
    return %c0_i32, %c0_i32_0 : i32, i32
  }
  func.func @transform_2(%arg0: i32) -> (i32, i32) {
    %c0_i32 = arith.constant 0 : i32
    %c0_i32_0 = arith.constant 0 : i32
    return %arg0, %c0_i32 : i32, i32
  }
}

module attributes {stable_mosaic.version = 14 : i64} {
  func.func @_scores_block(%arg0: i32, %arg1: memref<1024x2048xf32, #tpu.memory_space<vmem>>, %arg2: memref<2048x64xf32, #tpu.memory_space<vmem>>, %arg3: memref<512x128xf32, #tpu.memory_space<vmem>>) attributes {dimension_semantics = [#tpu.dimension_semantics<parallel>], iteration_bounds = array<i64: 2>, scalar_prefetch = 0 : i64, scratch_operands = 0 : i64, tpu.core_type = #tpu.core_type<tc>, window_params = [{transform_indices = @transform_0, window_bounds = array<i64: 1024, 2048>}, {pipeline_mode = #tpu.pipeline_mode<synchronous>, transform_indices = @transform_1, window_bounds = array<i64: 2048, 64>}, {transform_indices = @transform_2, window_bounds = array<i64: 512, 128>}]} {
    %get3A = arith.constant 0 : index
    %get3A_0 = arith.constant 0 : index
    %get3A_1 = vector.load %arg1[%get3A, %get3A_0] : memref<1024x2048xf32, #tpu.memory_space<vmem>>, vector<1024x2048xf32>
    %get3A_2 = arith.constant 0 : index
    %get3A_3 = arith.constant 0 : index
    %get3A_4 = vector.load %arg2[%get3A_2, %get3A_3] : memref<2048x64xf32, #tpu.memory_space<vmem>>, vector<2048x64xf32>
    %dot_general3A = arith.constant dense<0.000000e+00> : vector<1024x64xf32>
    %dot_general3A_5 = tpu.matmul %get3A_1, %get3A_4, %dot_general3A {dimension_numbers = #tpu.dot_dimension_numbers<[1], [0], [0], [1], [0, 0, 1, 1], [], []>, transpose_lhs_hint = false} : vector<1024x2048xf32>, vector<2048x64xf32>, vector<1024x64xf32> -> vector<1024x64xf32>
    %reduce_max3A = arith.constant dense<0xFF800000> : vector<1024xf32>
    %reduce_max3A_6 = vector.multi_reduction <maximumf>, %dot_general3A_5, %reduce_max3A [1] : vector<1024x64xf32> to vector<1024xf32>
    %broadcast_in_dim3A = vector.shape_cast %reduce_max3A_6 : vector<1024xf32> to vector<1024x1xf32>
    %sub3A = vector.broadcast %broadcast_in_dim3A : vector<1024x1xf32> to vector<1024x64xf32>
    %sub3A_7 = arith.subf %dot_general3A_5, %sub3A : vector<1024x64xf32>
    %exp3A = math.exp %sub3A_7 : vector<1024x64xf32>
    %slice3A = vector.extract_strided_slice %exp3A {offsets = [0, 0], sizes = [512, 64], strides = [1, 1]} : vector<1024x64xf32> to vector<512x64xf32>
    %slice3A_8 = vector.extract_strided_slice %exp3A {offsets = [512, 0], sizes = [512, 64], strides = [1, 1]} : vector<1024x64xf32> to vector<512x64xf32>
    %concatenate3A = tpu.concatenate %slice3A, %slice3A_8 in 1 : vector<512x64xf32>, vector<512x64xf32> -> vector<512x128xf32>
    %swap3A = arith.constant 0 : index
    %swap3A_9 = arith.constant 0 : index
    %swap3A_10 = vector.load %arg3[%swap3A, %swap3A_9] : memref<512x128xf32, #tpu.memory_space<vmem>>, vector<512x128xf32>
    tpu.vector_store %arg3[%swap3A, %swap3A_9], %concatenate3A {strides = array<i32>} : memref<512x128xf32, #tpu.memory_space<vmem>>, vector<512x128xf32>,
    return
  }
  func.func @transform_0(%arg0: i32) -> (i32, i32) {
    %add3A = arith.constant 0 : i32
    %add3A_0 = arith.addi %add3A, %arg0 : i32
    %c0_i32 = arith.constant 0 : i32
    %c0_i32_1 = arith.constant 0 : i32
    return %add3A_0, %c0_i32 : i32, i32
  }
  func.func @transform_1(%arg0: i32) -> (i32, i32) {
    %c0_i32 = arith.constant 0 : i32
    %c0_i32_0 = arith.constant 0 : i32
    %c0_i32_1 = arith.constant 0 : i32
    return %c0_i32, %c0_i32_0 : i32, i32
  }
  func.func @transform_2(%arg0: i32) -> (i32, i32) {
    %c0_i32 = arith.constant 0 : i32
    %c0_i32_0 = arith.constant 0 : i32
    return %arg0, %c0_i32 : i32, i32
  }
}

module attributes {stable_mosaic.version = 14 : i64} {
  func.func @_scores_block(%arg0: i32, %arg1: memref<1024x2048xf32, #tpu.memory_space<vmem>>, %arg2: memref<2048x64xf32, #tpu.memory_space<vmem>>, %arg3: memref<512x128xf32, #tpu.memory_space<vmem>>) attributes {dimension_semantics = [#tpu.dimension_semantics<parallel>], iteration_bounds = array<i64: 2>, scalar_prefetch = 0 : i64, scratch_operands = 0 : i64, tpu.core_type = #tpu.core_type<tc>, window_params = [{transform_indices = @transform_0, window_bounds = array<i64: 1024, 2048>}, {pipeline_mode = #tpu.pipeline_mode<synchronous>, transform_indices = @transform_1, window_bounds = array<i64: 2048, 64>}, {transform_indices = @transform_2, window_bounds = array<i64: 512, 128>}]} {
    %get3A = arith.constant 0 : index
    %get3A_0 = arith.constant 0 : index
    %get3A_1 = vector.load %arg1[%get3A, %get3A_0] : memref<1024x2048xf32, #tpu.memory_space<vmem>>, vector<1024x2048xf32>
    %get3A_2 = arith.constant 0 : index
    %get3A_3 = arith.constant 0 : index
    %get3A_4 = vector.load %arg2[%get3A_2, %get3A_3] : memref<2048x64xf32, #tpu.memory_space<vmem>>, vector<2048x64xf32>
    %dot_general3A = arith.constant dense<0.000000e+00> : vector<1024x64xf32>
    %dot_general3A_5 = tpu.matmul %get3A_1, %get3A_4, %dot_general3A {dimension_numbers = #tpu.dot_dimension_numbers<[1], [0], [0], [1], [0, 0, 1, 1], [], []>, transpose_lhs_hint = false} : vector<1024x2048xf32>, vector<2048x64xf32>, vector<1024x64xf32> -> vector<1024x64xf32>
    %reduce_max3A = arith.constant dense<0xFF800000> : vector<1024xf32>
    %reduce_max3A_6 = vector.multi_reduction <maximumf>, %dot_general3A_5, %reduce_max3A [1] : vector<1024x64xf32> to vector<1024xf32>
    %broadcast_in_dim3A = vector.shape_cast %reduce_max3A_6 : vector<1024xf32> to vector<1024x1xf32>
    %sub3A = vector.broadcast %broadcast_in_dim3A : vector<1024x1xf32> to vector<1024x64xf32>
    %sub3A_7 = arith.subf %dot_general3A_5, %sub3A : vector<1024x64xf32>
    %exp3A = math.exp %sub3A_7 : vector<1024x64xf32>
    %slice3A = vector.extract_strided_slice %exp3A {offsets = [0, 0], sizes = [512, 64], strides = [1, 1]} : vector<1024x64xf32> to vector<512x64xf32>
    %slice3A_8 = vector.extract_strided_slice %exp3A {offsets = [512, 0], sizes = [512, 64], strides = [1, 1]} : vector<1024x64xf32> to vector<512x64xf32>
    %concatenate3A = tpu.concatenate %slice3A, %slice3A_8 in 1 : vector<512x64xf32>, vector<512x64xf32> -> vector<512x128xf32>
    %swap3A = arith.constant 0 : index
    %swap3A_9 = arith.constant 0 : index
    %swap3A_10 = vector.load %arg3[%swap3A, %swap3A_9] : memref<512x128xf32, #tpu.memory_space<vmem>>, vector<512x128xf32>
    tpu.vector_store %arg3[%swap3A, %swap3A_9], %concatenate3A {strides = array<i32>} : memref<512x128xf32, #tpu.memory_space<vmem>>, vector<512x128xf32>,
    return
  }
  func.func @transform_0(%arg0: i32) -> (i32, i32) {
    %add3A = arith.constant 6 : i32
    %add3A_0 = arith.addi %add3A, %arg0 : i32
    %c0_i32 = arith.constant 0 : i32
    %c0_i32_1 = arith.constant 0 : i32
    return %add3A_0, %c0_i32 : i32, i32
  }
  func.func @transform_1(%arg0: i32) -> (i32, i32) {
    %c0_i32 = arith.constant 0 : i32
    %c0_i32_0 = arith.constant 0 : i32
    %c0_i32_1 = arith.constant 0 : i32
    return %c0_i32, %c0_i32_0 : i32, i32
  }
  func.func @transform_2(%arg0: i32) -> (i32, i32) {
    %c0_i32 = arith.constant 0 : i32
    %c0_i32_0 = arith.constant 0 : i32
    return %arg0, %c0_i32 : i32, i32
  }
}

</mosaic_0001>

<sc_bundles>
// kernel: kernel.10.cloned.1.call-start
scs
__scs_entry_jumppad:
0x0: {  	(pc) =	sbr.rel $0x88, $3  }
0x1: {  	(tag) =	ssettag $0x0;
	lr =	simm.s32 $0x1  }
0x2: {  	[smem:$0x3F9F] =	sst lr;
	_ =	strace $0xD0000000  }
0x3: {  	_ = 	snop  }
0x4: {  	_ = 	snop  }
0x5: {  	_ = 	snop  }
0x6: {  	_ = 	snop  }
0x7: {  	_ = 	snop  }
__scs_overlays_trampoline_lowered:
0x8: {  	[smem:$0x3FAE] =	sst s0  }
0x9: {  	[smem:$0x3FAF] =	sst s1  }
0xa: {  	[smem:$0x3FB0] =	sst s2  }
0xb: {  	[smem:$0x3FB1] =	sst s3  }
0xc: {  	[smem:$0x3FB2] =	sst s4  }
0xd: {  	[smem:$0x3FB3] =	sst s5  }
0xe: {  	[smem:$0x3FB4] =	sst s6  }
0xf: {  	[smem:$0x3FB5] =	sst s7  }
0x10: {  	[smem:$0x3FB6] =	sst s8  }
0x11: {  	[smem:$0x3FB7] =	sst s9;
	s0 =	simm.s32 @!p0 $0x0  }
0x12: {  	s1 =	sld [smem:$0x3F9D];
	s0 =	simm.s32 @p0 $0x1  }
0x13: {  	[smem:$0x3FB8] =	sst s0;
	s0 =	simm.s32 @!p1 $0x0  }
0x14: {  	s2 =	sld [smem:$0x3F9C];
	s0 =	simm.s32 @p1 $0x1  }
0x15: {  	[smem:$0x3FB9] =	sst s0;
	s0 =	simm.s32 @!p2 $0x0  }
0x16: {  	s3 =	sld [smem:$0x3FDB];
	s0 =	simm.s32 @p2 $0x1  }
0x17: {  	s4 =	simm.s32 $0x1BF5;
	[smem:$0x3FBB] =	sst s0  }
0x18: {  	s0 =	sld [smem:$0x3F9E];
	_ =	swait.ge [sflag:s4], $0x0  }
0x19: {  	s7 =	sld [smem:$0x3F9F]  }
0x1a: {  	s8 =	sadd.s32 $0xFFFFE003, lr  }
0x1b: {  	s9 =	sadd.s32 $0xFFFFFEF7, lr;
	s5 =	simm.s32 $0xFFFFFFFF;
	p2 =	slt.u32 s8, $0xFFFFF086  }
0x1c: {  	p1 =	slt.u32 s9, $0xF7A;
	s5 =	simm.s32 @!p2 $0x0  }
0x1d: {  	s5 =	simm.s32 @p1 $0x1;
	p0 =	seq.s32 s7, s2  }
0x1e: {  	s7 =	smul.u32 @!p0 $0xF7A, s2;
	p2 =	seq.s32 @!p0 s5, $0x0  }
0x1f: {  	s9 =	smul.u32 $0xF7A, s1;
	s8 =	simm.s32 @!p0 $0x1BF5;
	p2 =	por !p2, p0  }
0x20: {  	[sflag:s8] =	ssyncset.s32 @!p0 $0xFFFFF086;
	s6 =	sadd.s32 @!p0 s3, s7;
	s7 =	simm.s32 @!p0 $0x108  }
0x21: {  	s3 =	sadd.s32 s3, s9;
	s6 =	sadd.s32 @!p0 $0x88, s6;
	s7 =	simm.s32 @p2 $0x1082  }
0x22: {  	[simem:s7], [sflag:s8] =	dma.local @!p0 [hbm:s6], $0xF7A  }
0x23: {  	s9 =	sor.u32 $0xD0000000, s2;
	s6 =	simm.s32 $0x108;
	_ =	swait.ge @!p0 [sflag:s8], $0x0  }
0x24: {  	s3 =	sadd.s32 $0x88, s3;
	s6 =	simm.s32 @!p1 $0x1082;
	[sflag:s4] =	ssyncset.s32 $0xFFFFF086  }
0x25: {  	[simem:s6], [sflag:s4] =	dma.local [hbm:s3], $0xF7A  }
0x26: {  	[smem:$0x3F9F] =	sst s1;
	(tag) =	ssettag s2;
	_ =	strace s9  }
0x27: {  	s1 =	sld [smem:$0x3FAF]  }
0x28: {  	s2 =	sld [smem:$0x3FB0]  }
0x29: {  	s4 =	sld [smem:$0x3FB2]  }
0x2a: {  	p0 =	seq.s32 s5, $0x0;
	s5 =	sld [smem:$0x3FB3]  }
0x2b: {  	s6 =	sld [smem:$0x3FB4]  }
0x2c: {  	s7 =	sld [smem:$0x3FB5]  }
0x2d: {  	s3 =	simm.s32 $0x108;
	s8 =	sld [smem:$0x3FB6]  }
0x2e: {  	s3 =	simm.s32 @!p0 $0x1082;
	s9 =	sld [smem:$0x3FB7]  }
0x2f: {  	lr =	sadd.s32 s0, s3;
	s0 =	sld [smem:$0x3FAE]  }
0x30: {  	s3 =	sld [smem:$0x3FB1]  }
0x31: {  	[smem:$0x3FBA] =	sst s10  }
0x32: {  	s10 =	sld [smem:$0x3FB8];
	_ =	sdelay $0x3  }
0x33: {  	p0 =	seq.s32 s10, $0x1;
	s10 =	sld [smem:$0x3FBA];
	_ =	sdelay $0x3  }
0x34: {  	[smem:$0x3FBA] =	sst s10  }
0x35: {  	s10 =	sld [smem:$0x3FB9];
	_ =	sdelay $0x3  }
0x36: {  	p1 =	seq.s32 s10, $0x1;
	s10 =	sld [smem:$0x3FBA];
	_ =	sdelay $0x3  }
0x37: {  	[smem:$0x3FBA] =	sst s10  }
0x38: {  	s10 =	sld [smem:$0x3FBB]  }
0x39: {  	_ = 	snop;
	(pc) =	sbr.ind lr, $3  }
0x3a: {  	_ = 	snop  }
0x3b: {  	_ = 	snop  }
0x3c: {  	p2 =	seq.s32 s10, $0x1;
	s10 =	sld [smem:$0x3FBA]  }
0x3d: {  	_ =	shalt  }
0x3e: {  	_ =	shalt  }
0x3f: {  	_ =	shalt  }
0x40: {  	_ =	shalt  }
0x41: {  	_ =	shalt  }
0x42: {  	_ =	shalt  }
0x43: {  	_ =	shalt  }
0x44: {  	_ =	shalt  }
0x45: {  	_ =	shalt  }
0x46: {  	_ =	shalt  }
0x47: {  	_ =	shalt  }
0x48: {  	_ =	shalt  }
0x49: {  	_ =	shalt  }
0x4a: {  	_ =	shalt  }
0x4b: {  	_ =	shalt  }
0x4c: {  	_ =	shalt  }
0x4d: {  	_ =	shalt  }
0x4e: {  	_ =	shalt  }
0x4f: {  	_ =	shalt  }
0x50: {  	_ =	shalt  }
0x51: {  	_ =	shalt  }
0x52: {  	_ =	shalt  }
0x53: {  	_ =	shalt  }
0x54: {  	_ =	shalt  }
0x55: {  	_ =	shalt  }
0x56: {  	_ =	shalt  }
0x57: {  	_ =	shalt  }
0x58: {  	_ =	shalt  }
0x59: {  	_ =	shalt  }
0x5a: {  	_ =	shalt  }
0x5b: {  	_ =	shalt  }
0x5c: {  	_ =	shalt  }
0x5d: {  	_ =	shalt  }
0x5e: {  	_ =	shalt  }
0x5f: {  	_ =	shalt  }
0x60: {  	_ =	shalt  }
0x61: {  	_ =	shalt  }
0x62: {  	_ =	shalt  }
0x63: {  	_ =	shalt  }
0x64: {  	_ =	shalt  }
0x65: {  	_ =	shalt  }
0x66: {  	_ =	shalt  }
0x67: {  	_ =	shalt  }
0x68: {  	_ =	shalt  }
0x69: {  	_ =	shalt  }
0x6a: {  	_ =	shalt  }
0x6b: {  	_ =	shalt  }
0x6c: {  	_ =	shalt  }
0x6d: {  	_ =	shalt  }
0x6e: {  	_ =	shalt  }
0x6f: {  	_ =	shalt  }
0x70: {  	_ =	shalt  }
0x71: {  	_ =	shalt  }
0x72: {  	_ =	shalt  }
0x73: {  	_ =	shalt  }
0x74: {  	_ =	shalt  }
0x75: {  	_ =	shalt  }
0x76: {  	_ =	shalt  }
0x77: {  	_ =	shalt  }
0x78: {  	_ =	shalt  }
0x79: {  	_ =	shalt  }
0x7a: {  	_ =	shalt  }
0x7b: {  	_ =	shalt  }
0x7c: {  	_ =	shalt  }
0x7d: {  	_ =	shalt  }
0x7e: {  	_ =	shalt  }
0x7f: {  	_ =	shalt  }
0x80: {  	_ =	shalt  }
0x81: {  	_ =	shalt  }
0x82: {  	_ =	shalt  }
0x83: {  	_ =	shalt  }
0x84: {  	_ =	shalt  }
0x85: {  	_ =	shalt  }
0x86: {  	_ =	shalt  }
0x87: {  	_ =	shalt  }
.Lfunc_end0:
.L_simem_size_0:
called_computation_lowered:
.L_overlay_start_0:
0x88: {  	s2 =	sld [smem:$0x3FD9]  }
0x89: {  	s3 =	sld [smem:$0x3FFE];
	_ =	sdelay $0x1  }
0x8a: {  	s1 =	srdreg.scid  }
0x8b: {  	s0 =	sand.u32 $0x1, s1  }
0x8c: {  	s16 =	sshll.u32 s0, $0xA;
	s2 =	sadd.s32 s3, s2  }
0x8d: {  	s2 =	sadd.s32 s2, s16  }
0x8e: {  	[smem:$0x3FC6] =	sst s2  }
0x8f: {  	_ = 	snop  }
0x90: {  	(tm) =	ssettm $0x1  }
0x91: {  	s17 =	sld [smem:$0x3FFB];
	_ =	sdelay $0x3  }
0x92: {  	_ =	strace s17  }
0x93: {  	s2 =	sld [smem:$0x3FFC];
	_ =	sdelay $0x3  }
0x94: {  	_ =	strace s2  }
0x95: {  	s2 =	sld [smem:$0x3FFD];
	_ =	sdelay $0x3  }
0x96: {  	_ =	strace s2  }
0x97: {  	_ =	strace $0x8FFFFFFF  }
0x98: {  	s18 =	sld [smem:$0x3FDB];
	_ =	sdelay $0x1  }
0x99: {  	s19 =	simm.s32 $_scs_section_size  }
0x9a: {  	s4 =	simm.s32 $_size__tile_overlayer_lowered;
	s5 =	simm.s32 $_tile_overlayer_lowered  }
0x9b: {  	s22 =	simm.s32 $0x1BFF;
	s21 =	sshll.u32 s5, $0x1;
	s2 =	sadd.s32 s19, s18  }
0x9c: {  	s6 =	simm.s32 $0x0;
	s20 =	sshll.u32 s4, $0x1;
	s4 =	sadd.s32 s21, s2  }
0x9d: {  	[timem:s6], [sflag:s22] =	dma.local [hbm:s4], s20  }
0x9e: {  	_ =	swait.ge [sflag:s22], s20  }
0x9f: {  	s3 =	ssub.s32 $0x0, s20;
	[sflag:s22] =	ssyncset.done $0x0  }
0xa0: {  	[sflag:s22] =	ssyncadd.s32 s3;
	_ =	sdelay $0x1  }
0xa1: {  	s23 =	simm.s32 $0x1B8B  }
0xa2: {  	_ =	swait.ge [sflag:s23], $0x1  }
0xa3: {  	[sflag:s23] =	ssyncset.done $0x0  }
0xa4: {  	s25 =	simm.s32 $0x1B8E;
	s24 =	sld [smem:$0x3FFE];
	[sflag:s23] =	ssyncadd.s32 $0xFFFFFFFF  }
0xa5: {  	s26 =	simm.s32 $execute0_lowered;
	[smem:$0x3FD2] =	sst s25  }
0xa6: {  	s4 =	sshll.u32 s26, $0x1;
	_ =	strace $0x80000046;
	[dreg:$0x1] =	wrdreg $0xFFFFFFFF  }
0xa7: {  	s28 =	simm.s32 $_size_execute0_lowered;
	s2 =	sadd.s32 s2, s4;
	[dreg:$0x0] =	wrdreg $0x0  }
0xa8: {  	s4 =	sshll.u32 s28, $0x1;
	[dreg:$0x2] =	wrdreg s2  }
0xa9: {  	[dreg:$0x3] =	wrdreg s4  }
0xaa: {  	[dreg:$0x4] =	wrdreg $0xC0  }
0xab: {  	_ =	task [dreg:s6], $0x5FFFF  }
0xac: {  	[dreg:$0x1] =	wrdreg $0xFFFFFFFF  }
0xad: {  	[dreg:$0x0] =	wrdreg $0x60  }
0xae: {  	[dreg:$0x2] =	wrdreg s24  }
0xaf: {  	[dreg:$0x3] =	wrdreg $0x9  }
0xb0: {  	_ =	task.clear_ibuf [dreg:s6], $0x4FFFF;
	_ =	strace $0x90000046  }
0xb1: {  	s29 =	simm.s32 $0x9;
	_ =	strace $0x80000048  }
0xb2: {  	_ =	swait.ge [sflag:s29], $0x1  }
0xb3: {  	[sflag:s29] =	ssyncadd.s32 $0xFFFFFFFF  }
0xb4: {  	_ =	strace $0x90000048  }
0xb5: {  	_ =	sfence  }
0xb6: {  	s30 =	sld [smem:$0x0];
	_ =	sdelay $0x2  }
0xb7: {  	s31 =	sshll.u32 s1, $0xD;
	s1 =	sshrl.u32 s1, $0x2  }
0xb8: {  	s3 =	sand.u32 $0x4000, s31;
	s1 =	sadd.s32 s1, s30  }
0xb9: {  	s0 =	sor.u32 s3, s0;
	s1 =	sshll.u32 s1, $0x11  }
0xba: {  	s0 =	sor.u32 s1, s0  }
0xbb: {  	s0 =	sadd.s32 $0x8F2B, s0  }
0xbc: {  	[sflag:s0] =	ssyncadd.remote.s32 $0x1  }
0xbd: {  	_ =	sfence.sel $0xFFFF  }
0xbe: {  	[dreg:$0x0] =	wrdreg $0xFFFFFFFF;
	(pc) =	sbr.abs _section_cstart, $3  }
0xbf: {  	[dreg:$0x1] =	wrdreg $0xFFFFFFFF  }
0xc0: {  	_ =	task.clear_ibuf [dreg:s6], $0x2FFFF;
	_ =	strace $0x9FFFFFFF  }
0xc1: {  	(tm) =	ssettm $0x7FFFFFFF  }
tec
execute0_lowered:
.L_overlay_start_1:
0x0: {  	(tag) =	ssettag $0x1  }
0x1: {  	s3 =	rddreg [dreg:$0x0]  }
0x2: {  	s0 =	rddreg [dreg:$0x1];
	s2 =	simm.s32 $0x0;
	s1 =	stileid.u32  }
0x3: {  	s6 =	srdreg.scid;
	s11 =	simm.s32 $0x1280;
	s12 =	simm.s32 $0x1100  }
0x4: {  	s13 =	simm.s32 $0x1380;
	s14 =	simm.s32 $0x0;
	[smem:$0x7FF] =	sst s2  }
0x5: {  	s4 =	sshrl.u32 s1, $0x3;
	s7 =	sshll.u32 s1, $0x1;
	s6 =	sand.u32 $0x1, s6  }
0x6: {  	s8 =	sadd.s32 $0x6800, s3;
	s29 =	sadd.s32 $0x7000, s3;
	_ =	strace $0x80000047  }
0x7: {  	s5 =	sshll.u32 s4, $0xD;
	s7 =	sand.u32 $0xE, s7;
	s9 =	ssub.s32 $0x2, s6  }
0x8: {  	s4 =	sshll.u32 s4, $0xA;
	s5 =	sadd.s32 s5, s3;
	s6 =	sor.u32 s6, s7  }
0x9: {  	s30 =	sshrl.u32 s9, $0x1;
	s10 =	sshll.u32 s6, $0x9;
	s6 =	sshll.u32 s6, $0x5  }
0xa: {  	s9 =	ssub.s32 s9, s30;
	s5 =	sadd.s32 s10, s5;
	s6 =	sor.u32 s4, s6  }
0xb: {  	s10 =	simm.s32 $0x1000;
	s3 =	sadd.s32 $0x2800, s5;
	s31 =	sor.u32 $0x200, s6  }
0xc: {  	v0 =	vlaneseq.u32;
	vm0 =	vmmov $0xff;
	s4 =	sadd.s32 s8, s6;
	s5 =	sadd.s32 s29, s6;
	s6 =	sadd.s32 s8, s31  }
0xd: {  	v1 =	vor.u32 $0x10, v0;
	v2 =	vor.u32 $0x20, v0;
	v3 =	vor.u32 $0x30, v0;
	s7 =	sadd.s32 s29, s31;
	s8 =	smax.u32 s9, $0x1;
	s9 =	simm.s32 $0x1  }
.LBB2_1:
0xe: {  	[tilespmem:s2], [sflag:$0x1] =	stream.linear.gather [hbm4b:s3+s2], $0x1000, $0x38;
	[tilespmem:$0x1500] =	vst v63  }
0xf: {  	_ =	swait.ge [sflag:s9], $0x1000  }
0x10: {  	[sflag:s9] =	ssyncset.done $0x0  }
0x11: {  	s15 =	simm.s32 $0x40;
	[sflag:s9] =	ssyncadd.s32 $0xFFFFF000  }
0x12: {  	v4 =	vld [tilespmem:s15+$0x30]  }
0x13: {  	v5 =	vld [tilespmem:s15+$0x0]  }
0x14: {  	v6 =	vld [tilespmem:s15+$0x20]  }
0x15: {  	v7 =	vld [tilespmem:s15+$0x10];
	_ =	sdelay $0x1  }
0x16: {  	v8 =	vld [tilespmem:s15+$0xFFFFFFC0];
	(xrf1) =	vsort.ascd.msk.f32 $0xffff, v4, v3  }
0x17: {  	v9 =	vld [tilespmem:s15+$0xFFFFFFF0];
	(xrf1) =	vsort.dscd.msk.f32 $0xffff, v5, v0  }
0x18: {  	v4 =	vld [tilespmem:s15+$0xFFFFFFE0];
	(xrf1) =	vsort.dscd.msk.f32 $0xffff, v6, v2  }
0x19: {  	v5 =	vld [tilespmem:s15+$0xFFFFFFD0];
	(xrf1) =	vsort.ascd.msk.f32 $0xffff, v7, v1;
	_ =	sdelay $0x1  }
0x1a: {  	(xrf1) =	vsort.dscd.msk.f32 $0xffff, v8, v0  }
0x1b: {  	(xrf1) =	vsort.ascd.msk.f32 $0xffff, v9, v3  }
0x1c: {  	(xrf1) =	vsort.dscd.msk.f32 $0xffff, v4, v2  }
0x1d: {  	(xrf1) =	vsort.ascd.msk.f32 $0xffff, v5, v1;
	_ =	sdelay $0x5  }
0x1e: {  	v4, v5, _ =	vpop (xrf1)  }
0x1f: {  	v6, v7, _ =	vpop (xrf1)  }
0x20: {  	v56, v57, _ =	vpop (xrf1)  }
0x21: {  	v10, v11, _ =	vpop (xrf1);
	v4 =	vsel vm0, v56, v4;
	v5 =	vsel vm0, v57, v5  }
0x22: {  	v6 =	vsel vm0, v6, v10;
	v7 =	vsel vm0, v7, v11;
	(xrf1) =	vsort.ascd.msk.f32 $0xffff, v4, v5  }
0x23: {  	v12, v13, _ =	vpop (xrf1);
	(xrf1) =	vsort.dscd.msk.f32 $0xffff, v6, v7  }
0x24: {  	v58, v59, _ =	vpop (xrf1)  }
0x25: {  	v4, v5, _ =	vpop (xrf1)  }
0x26: {  	v4 =	vsel vm0, v4, v58;
	v5 =	vsel vm0, v5, v59;
	v6, v7, _ =	vpop (xrf1)  }
0x27: {  	v6 =	vsel vm0, v12, v6;
	v7 =	vsel vm0, v13, v7;
	(xrf1) =	vsort.ascd.msk.f32 $0xffff, v4, v5  }
0x28: {  	(xrf1) =	vsort.dscd.msk.f32 $0xffff, v6, v7;
	_ =	sdelay $0x7  }
0x29: {  	v4, v5, _ =	vpop (xrf1)  }
0x2a: {  	v6, v7, _ =	vpop (xrf1)  }
0x2b: {  	v5 =	vsel vm0, v7, v5  }
0x2c: {  	v4 =	vsel vm0, v6, v4;
	_ =	sdelay $0x1  }
0x2d: {  	v6, v7, _ =	vpop (xrf1)  }
0x2e: {  	(xrf1) =	vsort.dscd.msk.f32 $0xffff, v4, v5;
	v4, v5, _ =	vpop (xrf1)  }
0x2f: {  	v4 =	vsel vm0, v4, v6;
	v5 =	vsel vm0, v5, v7  }
0x30: {  	(xrf1) =	vsort.dscd.msk.f32 $0xffff, v4, v5;
	_ =	sdelay $0xb  }
0x31: {  	v4, v5, _ =	vpop (xrf1)  }
0x32: {  	v4 =	vnsel vm0, $0x0, v4  }
0x33: {  	(xrf2) =	vadd.scan.msk.f32 $0xffff, v4;
	v6, v7, _ =	vpop (xrf1)  }
0x34: {  	v6 =	vnsel vm0, $0x0, v6  }
0x35: {  	(xrf2) =	vadd.scan.msk.f32 $0xffff, v6;
	_ =	sdelay $0x7  }
0x36: {  	v60, _, _ =	vpop (xrf2)  }
0x37: {  	v8 =	vbroadcast v60, $0xF  }
0x38: {  	v61, _, _ =	vpop (xrf2)  }
0x39: {  	(erf) = vrcp.f32 v8;
	v62 =	vbroadcast v61, $0xF;
	_ =	sdelay $0x1  }
0x3a: {  	(erf) = vrcp.f32 v62;
	_ =	sdelay $0x6  }
0x3b: {  	s17 =	simm.s32 $0x0;
	v63 =	vpop (erf)  }
0x3c: {  	[tilespmem:s17+$0x1380] =	vst.msk $0xff, v5;
	v4 =	vmul.f32 v63, v4  }
0x3d: {  	[tilespmem:s17+$0x1280] =	vst.msk $0xff, v7;
	v5 =	vpop (erf)  }
0x3e: {  	s16 =	simm.s32 $0x20;
	[tilespmem:s17+$0x1100] =	vst.msk $0xff, v4;
	v4 =	vmul.f32 v5, v6  }
.LBB2_2:
0x3f: {  	p0 =	sne.s32 s16, $0x3E0  }
0x40: {  	s15 =	sadd.s32 $0x80, s15;
	[tilespmem:s17+$0x1000] =	vst.msk $0xff, v4;
	s17 =	smov.u32 s16;
	s16 =	sadd.s32 $0x20, s16  }
0x41: {  	v4 =	vld [tilespmem:s15+$0x30]  }
0x42: {  	v5 =	vld [tilespmem:s15+$0x0]  }
0x43: {  	v6 =	vld [tilespmem:s15+$0x20]  }
0x44: {  	v7 =	vld [tilespmem:s15+$0x10]  }
0x45: {  	v8 =	vld [tilespmem:s15+$0xFFFFFFC0]  }
0x46: {  	v9 =	vld [tilespmem:s15+$0xFFFFFFF0];
	(xrf1) =	vsort.ascd.msk.f32 $0xffff, v4, v3  }
0x47: {  	v4 =	vld [tilespmem:s15+$0xFFFFFFE0];
	(xrf1) =	vsort.dscd.msk.f32 $0xffff, v5, v0  }
0x48: {  	v5 =	vld [tilespmem:s15+$0xFFFFFFD0];
	(xrf1) =	vsort.dscd.msk.f32 $0xffff, v6, v2  }
0x49: {  	(xrf1) =	vsort.ascd.msk.f32 $0xffff, v7, v1  }
0x4a: {  	(xrf1) =	vsort.dscd.msk.f32 $0xffff, v8, v0  }
0x4b: {  	(xrf1) =	vsort.ascd.msk.f32 $0xffff, v9, v3  }
0x4c: {  	(xrf1) =	vsort.dscd.msk.f32 $0xffff, v4, v2  }
0x4d: {  	(xrf1) =	vsort.ascd.msk.f32 $0xffff, v5, v1;
	_ =	sdelay $0x6  }
0x4e: {  	v4, v5, _ =	vpop (xrf1)  }
0x4f: {  	v6, v7, _ =	vpop (xrf1)  }
0x50: {  	v8, v9, _ =	vpop (xrf1)  }
0x51: {  	v12 =	vsel vm0, v8, v4;
	v10 =	vsel vm0, v9, v5;
	v8, v9, _ =	vpop (xrf1)  }
0x52: {  	v13 =	vsel vm0, v6, v8;
	v11 =	vsel vm0, v7, v9;
	v8, v9, _ =	vpop (xrf1);
	(xrf1) =	vsort.ascd.msk.f32 $0xffff, v12, v10  }
0x53: {  	v4, v5, _ =	vpop (xrf1);
	(xrf1) =	vsort.dscd.msk.f32 $0xffff, v13, v11  }
0x54: {  	v6, v7, _ =	vpop (xrf1)  }
0x55: {  	v4 =	vsel vm0, v6, v4;
	v5 =	vsel vm0, v7, v5;
	v6, v7, _ =	vpop (xrf1)  }
0x56: {  	v6 =	vsel vm0, v8, v6;
	v7 =	vsel vm0, v9, v7;
	(xrf1) =	vsort.ascd.msk.f32 $0xffff, v4, v5  }
0x57: {  	(xrf1) =	vsort.dscd.msk.f32 $0xffff, v6, v7;
	_ =	sdelay $0x8  }
0x58: {  	v4, v5, _ =	vpop (xrf1)  }
0x59: {  	v6, v7, _ =	vpop (xrf1)  }
0x5a: {  	v8 =	vsel vm0, v6, v4;
	v6 =	vsel vm0, v7, v5  }
0x5b: {  	(xrf1) =	vsort.dscd.msk.f32 $0xffff, v8, v6  }
0x5c: {  	v4, v5, _ =	vpop (xrf1)  }
0x5d: {  	v6, v7, _ =	vpop (xrf1)  }
0x5e: {  	v4 =	vsel vm0, v6, v4;
	v5 =	vsel vm0, v7, v5  }
0x5f: {  	(xrf1) =	vsort.dscd.msk.f32 $0xffff, v4, v5;
	_ =	sdelay $0x9  }
0x60: {  	s17 =	sshra.s32 s17, $0x2;
	v4, v5, _ =	vpop (xrf1)  }
0x61: {  	v4 =	vnsel vm0, $0x0, v4;
	[tilespmem:s17+$0x1380] =	vst.msk $0xff, v5  }
0x62: {  	(xrf2) =	vadd.scan.msk.f32 $0xffff, v4;
	_ =	sdelay $0x1  }
0x63: {  	v5, v6, _ =	vpop (xrf1)  }
0x64: {  	v5 =	vnsel vm0, $0x0, v5;
	[tilespmem:s17+$0x1280] =	vst.msk $0xff, v6  }
0x65: {  	(xrf2) =	vadd.scan.msk.f32 $0xffff, v5;
	_ =	sdelay $0x5  }
0x66: {  	v6, _, _ =	vpop (xrf2)  }
0x67: {  	v7 =	vbroadcast v6, $0xF;
	_ =	sdelay $0x1  }
0x68: {  	(erf) = vrcp.f32 v7  }
0x69: {  	v6, _, _ =	vpop (xrf2)  }
0x6a: {  	v6 =	vbroadcast v6, $0xF;
	_ =	sdelay $0x1  }
0x6b: {  	(erf) = vrcp.f32 v6;
	_ =	sdelay $0x4  }
0x6c: {  	v6 =	vpop (erf)  }
.Ltmp0:
0x6d: {  	v6 =	vmul.f32 v6, v4;
	(pc) =	sbr.rel @p0 .LBB2_2-.Ltmp0, $4  }
0x6e: {  	_ = 	snop  }
0x6f: {  	[tilespmem:s17+$0x1100] =	vst.msk $0xff, v6  }
0x70: {  	v4 =	vpop (erf)  }
0x71: {  	v4 =	vmul.f32 v4, v5  }
0x72: {  	_ = 	snop  }
0x73: {  	[tilespmem:s17+$0x1000] =	vst.msk $0xff, v4  }
0x74: {  	[hbm4b:s4+s2] =	stream.linear.scatter [tilespmem:s10], [sflag:$0x1], $0x100, $0x38;
	[tilespmem:$0x1500] =	vst v63  }
0x75: {  	_ =	swait.ge [sflag:s9], $0x100  }
0x76: {  	[sflag:s9] =	ssyncset.done $0x0  }
0x77: {  	[sflag:s9] =	ssyncadd.s32 $0xFFFFFF00  }
0x78: {  	[hbm4b:s5+s2] =	stream.linear.scatter [tilespmem:s11], [sflag:$0x1], $0x100, $0x38;
	[tilespmem:$0x1500] =	vst v63  }
0x79: {  	_ =	swait.ge [sflag:s9], $0x100  }
0x7a: {  	[sflag:s9] =	ssyncset.done $0x0  }
0x7b: {  	[sflag:s9] =	ssyncadd.s32 $0xFFFFFF00  }
0x7c: {  	[hbm4b:s6+s2] =	stream.linear.scatter [tilespmem:s12], [sflag:$0x1], $0x100, $0x38;
	[tilespmem:$0x1500] =	vst v63  }
0x7d: {  	s14 =	sadd.s32 $0x1, s14;
	_ =	swait.ge [sflag:s9], $0x100  }
0x7e: {  	p0 =	sne.s32 s14, s8;
	[sflag:s9] =	ssyncset.done $0x0  }
.Ltmp1:
0x7f: {  	[sflag:s9] =	ssyncadd.s32 $0xFFFFFF00;
	(pc) =	sbr.rel @p0 .LBB2_1-.Ltmp1, $4  }
0x80: {  	[hbm4b:s7+s2] =	stream.linear.scatter [tilespmem:s13], [sflag:$0x1], $0x100, $0x38;
	[tilespmem:$0x1500] =	vst v63  }
0x81: {  	_ =	swait.ge [sflag:s9], $0x100  }
0x82: {  	[sflag:s9] =	ssyncset.done $0x0  }
0x83: {  	[sflag:s9] =	ssyncadd.s32 $0xFFFFFF00  }
0x84: {  	_ =	sfence.sel $0x180000  }
0x85: {  	[bflag:$0x0] =	sbarrier.arrive $0xFFFF  }
0x86: {  	p0 =	sne.s32 s1, $0x0;
	_ =	strace $0x90000047  }
0x87: {  	s0 =	sadd.s32 @!p0 $0x100000, s0;
	[bflag:$0x2] =	sbarrier.arrive $0xFFFF  }
0x88: {  	[sflag:s0] =	ssyncadd.tile.s32 @!p0 $0x1;
	_ =	shalt  }
.Lfunc_end2:
_tile_overlayer_lowered:
.L_overlay_start_2:
0x89: {  	(tag) =	ssettag $0x2  }
0x8a: {  	s0 =	rddreg [dreg:$0x0];
	s2 =	stileid.u32  }
0x8b: {  	s1 =	rddreg [dreg:$0x1];
	p0 =	sne.s32 s2, $0x0  }
0x8c: {  	s3 =	rddreg [dreg:$0x2];
	[bflag:$0x3] =	sbarrier.arrive $0xFFFF;
	s2 =	simm.s32 @!p0 $0x1C02  }
0x8d: {  	[timem:s3], [sflag:s2] =	dma.local @!p0 [hbm:s0], s1  }
0x8e: {  	s0 =	simm.s32 @!p0 $0x2  }
0x8f: {  	_ =	swait.ge @!p0 [sflag:s0], s1  }
0x90: {  	s1 =	ssub.s32 @!p0 $0x0, s1;
	[sflag:s0] =	ssyncset.done @!p0 $0x0  }
0x91: {  	[sflag:s0] =	ssyncadd.s32 @!p0 s1  }
0x92: {  	[bflag:$0x3] =	sbarrier.arrive $0xFFFF  }
0x93: {  	_ =	shalt  }

// kernel: kernel.13.cloned.1.call-start
scs
__scs_entry_jumppad:
0x0: {  	(pc) =	sbr.rel $0x88, $3  }
0x1: {  	(tag) =	ssettag $0x0;
	lr =	simm.s32 $0x1  }
0x2: {  	[smem:$0x3F9F] =	sst lr;
	_ =	strace $0xD0000000  }
0x3: {  	_ = 	snop  }
0x4: {  	_ = 	snop  }
0x5: {  	_ = 	snop  }
0x6: {  	_ = 	snop  }
0x7: {  	_ = 	snop  }
__scs_overlays_trampoline_lowered:
0x8: {  	[smem:$0x3FAE] =	sst s0  }
0x9: {  	[smem:$0x3FAF] =	sst s1  }
0xa: {  	[smem:$0x3FB0] =	sst s2  }
0xb: {  	[smem:$0x3FB1] =	sst s3  }
0xc: {  	[smem:$0x3FB2] =	sst s4  }
0xd: {  	[smem:$0x3FB3] =	sst s5  }
0xe: {  	[smem:$0x3FB4] =	sst s6  }
0xf: {  	[smem:$0x3FB5] =	sst s7  }
0x10: {  	[smem:$0x3FB6] =	sst s8  }
0x11: {  	[smem:$0x3FB7] =	sst s9;
	s0 =	simm.s32 @!p0 $0x0  }
0x12: {  	s1 =	sld [smem:$0x3F9D];
	s0 =	simm.s32 @p0 $0x1  }
0x13: {  	[smem:$0x3FB8] =	sst s0;
	s0 =	simm.s32 @!p1 $0x0  }
0x14: {  	s2 =	sld [smem:$0x3F9C];
	s0 =	simm.s32 @p1 $0x1  }
0x15: {  	[smem:$0x3FB9] =	sst s0;
	s0 =	simm.s32 @!p2 $0x0  }
0x16: {  	s3 =	sld [smem:$0x3FDB];
	s0 =	simm.s32 @p2 $0x1  }
0x17: {  	s4 =	simm.s32 $0x1BF5;
	[smem:$0x3FBB] =	sst s0  }
0x18: {  	s0 =	sld [smem:$0x3F9E];
	_ =	swait.ge [sflag:s4], $0x0  }
0x19: {  	s7 =	sld [smem:$0x3F9F]  }
0x1a: {  	s8 =	sadd.s32 $0xFFFFE003, lr  }
0x1b: {  	s9 =	sadd.s32 $0xFFFFFEF7, lr;
	s5 =	simm.s32 $0xFFFFFFFF;
	p2 =	slt.u32 s8, $0xFFFFF086  }
0x1c: {  	p1 =	slt.u32 s9, $0xF7A;
	s5 =	simm.s32 @!p2 $0x0  }
0x1d: {  	s5 =	simm.s32 @p1 $0x1;
	p0 =	seq.s32 s7, s2  }
0x1e: {  	s7 =	smul.u32 @!p0 $0xF7A, s2;
	p2 =	seq.s32 @!p0 s5, $0x0  }
0x1f: {  	s9 =	smul.u32 $0xF7A, s1;
	s8 =	simm.s32 @!p0 $0x1BF5;
	p2 =	por !p2, p0  }
0x20: {  	[sflag:s8] =	ssyncset.s32 @!p0 $0xFFFFF086;
	s6 =	sadd.s32 @!p0 s3, s7;
	s7 =	simm.s32 @!p0 $0x108  }
0x21: {  	s3 =	sadd.s32 s3, s9;
	s6 =	sadd.s32 @!p0 $0x88, s6;
	s7 =	simm.s32 @p2 $0x1082  }
0x22: {  	[simem:s7], [sflag:s8] =	dma.local @!p0 [hbm:s6], $0xF7A  }
0x23: {  	s9 =	sor.u32 $0xD0000000, s2;
	s6 =	simm.s32 $0x108;
	_ =	swait.ge @!p0 [sflag:s8], $0x0  }
0x24: {  	s3 =	sadd.s32 $0x88, s3;
	s6 =	simm.s32 @!p1 $0x1082;
	[sflag:s4] =	ssyncset.s32 $0xFFFFF086  }
0x25: {  	[simem:s6], [sflag:s4] =	dma.local [hbm:s3], $0xF7A  }
0x26: {  	[smem:$0x3F9F] =	sst s1;
	(tag) =	ssettag s2;
	_ =	strace s9  }
0x27: {  	s1 =	sld [smem:$0x3FAF]  }
0x28: {  	s2 =	sld [smem:$0x3FB0]  }
0x29: {  	s4 =	sld [smem:$0x3FB2]  }
0x2a: {  	p0 =	seq.s32 s5, $0x0;
	s5 =	sld [smem:$0x3FB3]  }
0x2b: {  	s6 =	sld [smem:$0x3FB4]  }
0x2c: {  	s7 =	sld [smem:$0x3FB5]  }
0x2d: {  	s3 =	simm.s32 $0x108;
	s8 =	sld [smem:$0x3FB6]  }
0x2e: {  	s3 =	simm.s32 @!p0 $0x1082;
	s9 =	sld [smem:$0x3FB7]  }
0x2f: {  	lr =	sadd.s32 s0, s3;
	s0 =	sld [smem:$0x3FAE]  }
0x30: {  	s3 =	sld [smem:$0x3FB1]  }
0x31: {  	[smem:$0x3FBA] =	sst s10  }
0x32: {  	s10 =	sld [smem:$0x3FB8];
	_ =	sdelay $0x3  }
0x33: {  	p0 =	seq.s32 s10, $0x1;
	s10 =	sld [smem:$0x3FBA];
	_ =	sdelay $0x3  }
0x34: {  	[smem:$0x3FBA] =	sst s10  }
0x35: {  	s10 =	sld [smem:$0x3FB9];
	_ =	sdelay $0x3  }
0x36: {  	p1 =	seq.s32 s10, $0x1;
	s10 =	sld [smem:$0x3FBA];
	_ =	sdelay $0x3  }
0x37: {  	[smem:$0x3FBA] =	sst s10  }
0x38: {  	s10 =	sld [smem:$0x3FBB]  }
0x39: {  	_ = 	snop;
	(pc) =	sbr.ind lr, $3  }
0x3a: {  	_ = 	snop  }
0x3b: {  	_ = 	snop  }
0x3c: {  	p2 =	seq.s32 s10, $0x1;
	s10 =	sld [smem:$0x3FBA]  }
0x3d: {  	_ =	shalt  }
0x3e: {  	_ =	shalt  }
0x3f: {  	_ =	shalt  }
0x40: {  	_ =	shalt  }
0x41: {  	_ =	shalt  }
0x42: {  	_ =	shalt  }
0x43: {  	_ =	shalt  }
0x44: {  	_ =	shalt  }
0x45: {  	_ =	shalt  }
0x46: {  	_ =	shalt  }
0x47: {  	_ =	shalt  }
0x48: {  	_ =	shalt  }
0x49: {  	_ =	shalt  }
0x4a: {  	_ =	shalt  }
0x4b: {  	_ =	shalt  }
0x4c: {  	_ =	shalt  }
0x4d: {  	_ =	shalt  }
0x4e: {  	_ =	shalt  }
0x4f: {  	_ =	shalt  }
0x50: {  	_ =	shalt  }
0x51: {  	_ =	shalt  }
0x52: {  	_ =	shalt  }
0x53: {  	_ =	shalt  }
0x54: {  	_ =	shalt  }
0x55: {  	_ =	shalt  }
0x56: {  	_ =	shalt  }
0x57: {  	_ =	shalt  }
0x58: {  	_ =	shalt  }
0x59: {  	_ =	shalt  }
0x5a: {  	_ =	shalt  }
0x5b: {  	_ =	shalt  }
0x5c: {  	_ =	shalt  }
0x5d: {  	_ =	shalt  }
0x5e: {  	_ =	shalt  }
0x5f: {  	_ =	shalt  }
0x60: {  	_ =	shalt  }
0x61: {  	_ =	shalt  }
0x62: {  	_ =	shalt  }
0x63: {  	_ =	shalt  }
0x64: {  	_ =	shalt  }
0x65: {  	_ =	shalt  }
0x66: {  	_ =	shalt  }
0x67: {  	_ =	shalt  }
0x68: {  	_ =	shalt  }
0x69: {  	_ =	shalt  }
0x6a: {  	_ =	shalt  }
0x6b: {  	_ =	shalt  }
0x6c: {  	_ =	shalt  }
0x6d: {  	_ =	shalt  }
0x6e: {  	_ =	shalt  }
0x6f: {  	_ =	shalt  }
0x70: {  	_ =	shalt  }
0x71: {  	_ =	shalt  }
0x72: {  	_ =	shalt  }
0x73: {  	_ =	shalt  }
0x74: {  	_ =	shalt  }
0x75: {  	_ =	shalt  }
0x76: {  	_ =	shalt  }
0x77: {  	_ =	shalt  }
0x78: {  	_ =	shalt  }
0x79: {  	_ =	shalt  }
0x7a: {  	_ =	shalt  }
0x7b: {  	_ =	shalt  }
0x7c: {  	_ =	shalt  }
0x7d: {  	_ =	shalt  }
0x7e: {  	_ =	shalt  }
0x7f: {  	_ =	shalt  }
0x80: {  	_ =	shalt  }
0x81: {  	_ =	shalt  }
0x82: {  	_ =	shalt  }
0x83: {  	_ =	shalt  }
0x84: {  	_ =	shalt  }
0x85: {  	_ =	shalt  }
0x86: {  	_ =	shalt  }
0x87: {  	_ =	shalt  }
.Lfunc_end0:
.L_simem_size_0:
called_computation.1_lowered:
.L_overlay_start_0:
0x88: {  	s2 =	sld [smem:$0x3FD9]  }
0x89: {  	s3 =	sld [smem:$0x3FFE];
	_ =	sdelay $0x1  }
0x8a: {  	s1 =	srdreg.scid  }
0x8b: {  	s0 =	sand.u32 $0x1, s1  }
0x8c: {  	s17 =	sshll.u32 s0, $0xA;
	s2 =	sadd.s32 s3, s2  }
0x8d: {  	s2 =	sadd.s32 s2, s17  }
0x8e: {  	[smem:$0x3FC6] =	sst s2  }
0x8f: {  	_ = 	snop  }
0x90: {  	(tm) =	ssettm $0x1  }
0x91: {  	s18 =	sld [smem:$0x3FFB];
	_ =	sdelay $0x3  }
0x92: {  	_ =	strace s18  }
0x93: {  	s2 =	sld [smem:$0x3FFC];
	_ =	sdelay $0x3  }
0x94: {  	_ =	strace s2  }
0x95: {  	s2 =	sld [smem:$0x3FFD];
	_ =	sdelay $0x3  }
0x96: {  	_ =	strace s2  }
0x97: {  	_ =	strace $0x8FFFFFFF  }
0x98: {  	s19 =	sld [smem:$0x3FDB];
	_ =	sdelay $0x1  }
0x99: {  	s20 =	simm.s32 $_scs_section_size  }
0x9a: {  	s4 =	simm.s32 $_size__tile_overlayer_lowered;
	s5 =	simm.s32 $_tile_overlayer_lowered  }
0x9b: {  	s6 =	simm.s32 $0x1BFF;
	s21 =	sshll.u32 s5, $0x1;
	s3 =	sadd.s32 s20, s19  }
0x9c: {  	s22 =	simm.s32 $0x0;
	s4 =	sshll.u32 s4, $0x1;
	s5 =	sadd.s32 s21, s3  }
0x9d: {  	[timem:s22], [sflag:s6] =	dma.local [hbm:s5], s4  }
0x9e: {  	_ =	swait.ge [sflag:s6], s4  }
0x9f: {  	s4 =	ssub.s32 $0x0, s4;
	[sflag:s6] =	ssyncset.done $0x0  }
0xa0: {  	[sflag:s6] =	ssyncadd.s32 s4;
	_ =	sdelay $0x1  }
0xa1: {  	s23 =	simm.s32 $0x1B8B  }
0xa2: {  	_ =	swait.ge [sflag:s23], $0x1  }
0xa3: {  	[sflag:s23] =	ssyncset.done $0x0  }
0xa4: {  	[sflag:s23] =	ssyncadd.s32 $0xFFFFFFFF  }
0xa5: {  	s4 =	sld [smem:$0x0]  }
0xa6: {  	s5 =	sand.u32 $0xFFFFFFFE, s1  }
0xa7: {  	p0 =	sne.s32 s1, s5  }
0xa8: {  	s5 =	sshll.u32 @p0 s5, $0xE  }
0xa9: {  	s5 =	sadd.s32 @p0 $0x11B8D, s5;
	s6 =	sshll.u32 @p0 s4, $0x11  }
0xaa: {  	s5 =	sor.u32 @p0 s6, s5  }
0xab: {  	[sflag:s5] =	ssyncadd.remote.s32 @p0 $0x1;
	_ =	sdelay $0x1  }
0xac: {  	s5 =	simm.s32 @p0 $0x1B8D  }
0xad: {  	_ =	swait.eq @p0 [sflag:s5], $0x1  }
0xae: {  	[sflag:s5] =	ssyncadd.s32 @p0 $0xFFFFFFFF  }
0xaf: {  	s6 =	sshll.u32 @!p0 s1, $0xE  }
0xb0: {  	s6 =	sor.u32 @!p0 $0x4000, s6;
	s5 =	simm.s32 @!p0 $0x1B8D  }
0xb1: {  	s4 =	sshll.u32 @!p0 s4, $0x11;
	s6 =	sadd.s32 @!p0 $0x11B8D, s6;
	_ =	swait.eq @!p0 [sflag:s5], $0x1  }
0xb2: {  	s4 =	sor.u32 @!p0 s4, s6;
	[sflag:s5] =	ssyncadd.s32 @!p0 $0xFFFFFFFF  }
0xb3: {  	s25 =	simm.s32 $0x1B8E;
	s24 =	sld [smem:$0x3FFE];
	[sflag:s4] =	ssyncadd.remote.s32 @!p0 $0x1  }
0xb4: {  	s26 =	simm.s32 $execute0_lowered;
	[smem:$0x3FD2] =	sst s25  }
0xb5: {  	s5 =	sshll.u32 s26, $0x1;
	_ =	strace $0x80000049;
	[dreg:$0x1] =	wrdreg $0xFFFFFFFF  }
0xb6: {  	s28 =	simm.s32 $_size_execute0_lowered;
	s3 =	sadd.s32 s3, s5;
	[dreg:$0x0] =	wrdreg $0x0  }
0xb7: {  	s5 =	sshll.u32 s28, $0x1;
	[dreg:$0x2] =	wrdreg s3  }
0xb8: {  	[dreg:$0x3] =	wrdreg s5  }
0xb9: {  	[dreg:$0x4] =	wrdreg $0xC0  }
0xba: {  	_ =	task [dreg:s22], $0x5FFFF  }
0xbb: {  	[dreg:$0x1] =	wrdreg $0xFFFFFFFF  }
0xbc: {  	[dreg:$0x0] =	wrdreg $0x60  }
0xbd: {  	[dreg:$0x2] =	wrdreg s24  }
0xbe: {  	[dreg:$0x3] =	wrdreg $0xA  }
0xbf: {  	_ =	task.clear_ibuf [dreg:s22], $0x4FFFF;
	_ =	strace $0x90000049  }
0xc0: {  	s29 =	simm.s32 $0xA;
	_ =	strace $0x8000004B  }
0xc1: {  	_ =	swait.ge [sflag:s29], $0x1  }
0xc2: {  	[sflag:s29] =	ssyncadd.s32 $0xFFFFFFFF  }
0xc3: {  	_ =	strace $0x9000004B  }
0xc4: {  	_ =	sfence  }
0xc5: {  	s30 =	sld [smem:$0x0];
	_ =	sdelay $0x2  }
0xc6: {  	s31 =	sshll.u32 s1, $0xD;
	s1 =	sshrl.u32 s1, $0x2  }
0xc7: {  	s4 =	sand.u32 $0x4000, s31;
	s1 =	sadd.s32 s1, s30  }
0xc8: {  	s0 =	sor.u32 s4, s0;
	s1 =	sshll.u32 s1, $0x11  }
0xc9: {  	s0 =	sor.u32 s1, s0  }
0xca: {  	s0 =	sadd.s32 $0x8F2B, s0  }
0xcb: {  	[sflag:s0] =	ssyncadd.remote.s32 $0x1  }
0xcc: {  	_ =	sfence.sel $0xFFFF  }
0xcd: {  	[dreg:$0x0] =	wrdreg $0xFFFFFFFF;
	(pc) =	sbr.abs _section_cstart, $3  }
0xce: {  	[dreg:$0x1] =	wrdreg $0xFFFFFFFF  }
0xcf: {  	_ =	task.clear_ibuf [dreg:s22], $0x2FFFF;
	_ =	strace $0x9FFFFFFF  }
0xd0: {  	(tm) =	ssettm $0x7FFFFFFF  }
0xd1: {  	_ =	shalt  }
tec
execute0_lowered:
.L_overlay_start_1:
0x0: {  	(tag) =	ssettag $0x1  }
0x1: {  	s3 =	rddreg [dreg:$0x0]  }
0x2: {  	s0 =	rddreg [dreg:$0x1];
	s2 =	simm.s32 $0x0;
	s1 =	stileid.u32  }
0x3: {  	s6 =	srdreg.scid;
	s11 =	simm.s32 $0x1280;
	s12 =	simm.s32 $0x1100  }
0x4: {  	s13 =	simm.s32 $0x1380;
	s14 =	simm.s32 $0x0;
	[smem:$0x7FF] =	sst s2  }
0x5: {  	s4 =	sshrl.u32 s1, $0x3;
	s7 =	sshll.u32 s1, $0x1;
	s6 =	sand.u32 $0x1, s6  }
0x6: {  	s8 =	sadd.s32 $0xB800, s3;
	s29 =	sadd.s32 $0xC000, s3;
	_ =	strace $0x8000004A  }
0x7: {  	s5 =	sshll.u32 s4, $0xD;
	s7 =	sand.u32 $0xE, s7;
	s9 =	ssub.s32 $0x2, s6  }
0x8: {  	s4 =	sshll.u32 s4, $0xA;
	s5 =	sadd.s32 s5, s3;
	s6 =	sor.u32 s6, s7  }
0x9: {  	s30 =	sshrl.u32 s9, $0x1;
	s10 =	sshll.u32 s6, $0x9;
	s6 =	sshll.u32 s6, $0x5  }
0xa: {  	s9 =	ssub.s32 s9, s30;
	s5 =	sadd.s32 s10, s5;
	s6 =	sor.u32 s4, s6  }
0xb: {  	s10 =	simm.s32 $0x1000;
	s3 =	sadd.s32 $0x7800, s5;
	s31 =	sor.u32 $0x200, s6  }
0xc: {  	v0 =	vlaneseq.u32;
	vm0 =	vmmov $0xff;
	s4 =	sadd.s32 s8, s6;
	s5 =	sadd.s32 s29, s6;
	s6 =	sadd.s32 s8, s31  }
0xd: {  	v1 =	vor.u32 $0x10, v0;
	v2 =	vor.u32 $0x20, v0;
	v3 =	vor.u32 $0x30, v0;
	s7 =	sadd.s32 s29, s31;
	s8 =	smax.u32 s9, $0x1;
	s9 =	simm.s32 $0x1  }
.LBB2_1:
0xe: {  	[tilespmem:s2], [sflag:$0x1] =	stream.linear.gather [hbm4b:s3+s2], $0x1000, $0x38;
	[tilespmem:$0x1500] =	vst v63  }
0xf: {  	_ =	swait.ge [sflag:s9], $0x1000  }
0x10: {  	[sflag:s9] =	ssyncset.done $0x0  }
0x11: {  	s15 =	simm.s32 $0x40;
	[sflag:s9] =	ssyncadd.s32 $0xFFFFF000  }
0x12: {  	v4 =	vld [tilespmem:s15+$0x30]  }
0x13: {  	v5 =	vld [tilespmem:s15+$0x0]  }
0x14: {  	v6 =	vld [tilespmem:s15+$0x20]  }
0x15: {  	v7 =	vld [tilespmem:s15+$0x10];
	_ =	sdelay $0x1  }
0x16: {  	v8 =	vld [tilespmem:s15+$0xFFFFFFC0];
	(xrf1) =	vsort.ascd.msk.f32 $0xffff, v4, v3  }
0x17: {  	v9 =	vld [tilespmem:s15+$0xFFFFFFF0];
	(xrf1) =	vsort.dscd.msk.f32 $0xffff, v5, v0  }
0x18: {  	v4 =	vld [tilespmem:s15+$0xFFFFFFE0];
	(xrf1) =	vsort.dscd.msk.f32 $0xffff, v6, v2  }
0x19: {  	v5 =	vld [tilespmem:s15+$0xFFFFFFD0];
	(xrf1) =	vsort.ascd.msk.f32 $0xffff, v7, v1;
	_ =	sdelay $0x1  }
0x1a: {  	(xrf1) =	vsort.dscd.msk.f32 $0xffff, v8, v0  }
0x1b: {  	(xrf1) =	vsort.ascd.msk.f32 $0xffff, v9, v3  }
0x1c: {  	(xrf1) =	vsort.dscd.msk.f32 $0xffff, v4, v2  }
0x1d: {  	(xrf1) =	vsort.ascd.msk.f32 $0xffff, v5, v1;
	_ =	sdelay $0x5  }
0x1e: {  	v4, v5, _ =	vpop (xrf1)  }
0x1f: {  	v6, v7, _ =	vpop (xrf1)  }
0x20: {  	v56, v57, _ =	vpop (xrf1)  }
0x21: {  	v10, v11, _ =	vpop (xrf1);
	v4 =	vsel vm0, v56, v4;
	v5 =	vsel vm0, v57, v5  }
0x22: {  	v6 =	vsel vm0, v6, v10;
	v7 =	vsel vm0, v7, v11;
	(xrf1) =	vsort.ascd.msk.f32 $0xffff, v4, v5  }
0x23: {  	v12, v13, _ =	vpop (xrf1);
	(xrf1) =	vsort.dscd.msk.f32 $0xffff, v6, v7  }
0x24: {  	v58, v59, _ =	vpop (xrf1)  }
0x25: {  	v4, v5, _ =	vpop (xrf1)  }
0x26: {  	v4 =	vsel vm0, v4, v58;
	v5 =	vsel vm0, v5, v59;
	v6, v7, _ =	vpop (xrf1)  }
0x27: {  	v6 =	vsel vm0, v12, v6;
	v7 =	vsel vm0, v13, v7;
	(xrf1) =	vsort.ascd.msk.f32 $0xffff, v4, v5  }
0x28: {  	(xrf1) =	vsort.dscd.msk.f32 $0xffff, v6, v7;
	_ =	sdelay $0x7  }
0x29: {  	v4, v5, _ =	vpop (xrf1)  }
0x2a: {  	v6, v7, _ =	vpop (xrf1)  }
0x2b: {  	v5 =	vsel vm0, v7, v5  }
0x2c: {  	v4 =	vsel vm0, v6, v4;
	_ =	sdelay $0x1  }
0x2d: {  	v6, v7, _ =	vpop (xrf1)  }
0x2e: {  	(xrf1) =	vsort.dscd.msk.f32 $0xffff, v4, v5;
	v4, v5, _ =	vpop (xrf1)  }
0x2f: {  	v4 =	vsel vm0, v4, v6;
	v5 =	vsel vm0, v5, v7  }
0x30: {  	(xrf1) =	vsort.dscd.msk.f32 $0xffff, v4, v5;
	_ =	sdelay $0xb  }
0x31: {  	v4, v5, _ =	vpop (xrf1)  }
0x32: {  	v4 =	vnsel vm0, $0x0, v4  }
0x33: {  	(xrf2) =	vadd.scan.msk.f32 $0xffff, v4;
	v6, v7, _ =	vpop (xrf1)  }
0x34: {  	v6 =	vnsel vm0, $0x0, v6  }
0x35: {  	(xrf2) =	vadd.scan.msk.f32 $0xffff, v6;
	_ =	sdelay $0x7  }
0x36: {  	v60, _, _ =	vpop (xrf2)  }
0x37: {  	v8 =	vbroadcast v60, $0xF  }
0x38: {  	v61, _, _ =	vpop (xrf2)  }
0x39: {  	(erf) = vrcp.f32 v8;
	v62 =	vbroadcast v61, $0xF;
	_ =	sdelay $0x1  }
0x3a: {  	(erf) = vrcp.f32 v62;
	_ =	sdelay $0x6  }
0x3b: {  	s17 =	simm.s32 $0x0;
	v63 =	vpop (erf)  }
0x3c: {  	[tilespmem:s17+$0x1380] =	vst.msk $0xff, v5;
	v4 =	vmul.f32 v63, v4  }
0x3d: {  	[tilespmem:s17+$0x1280] =	vst.msk $0xff, v7;
	v5 =	vpop (erf)  }
0x3e: {  	s16 =	simm.s32 $0x20;
	[tilespmem:s17+$0x1100] =	vst.msk $0xff, v4;
	v4 =	vmul.f32 v5, v6  }
.LBB2_2:
0x3f: {  	p0 =	sne.s32 s16, $0x3E0  }
0x40: {  	s15 =	sadd.s32 $0x80, s15;
	[tilespmem:s17+$0x1000] =	vst.msk $0xff, v4;
	s17 =	smov.u32 s16;
	s16 =	sadd.s32 $0x20, s16  }
0x41: {  	v4 =	vld [tilespmem:s15+$0x30]  }
0x42: {  	v5 =	vld [tilespmem:s15+$0x0]  }
0x43: {  	v6 =	vld [tilespmem:s15+$0x20]  }
0x44: {  	v7 =	vld [tilespmem:s15+$0x10]  }
0x45: {  	v8 =	vld [tilespmem:s15+$0xFFFFFFC0]  }
0x46: {  	v9 =	vld [tilespmem:s15+$0xFFFFFFF0];
	(xrf1) =	vsort.ascd.msk.f32 $0xffff, v4, v3  }
0x47: {  	v4 =	vld [tilespmem:s15+$0xFFFFFFE0];
	(xrf1) =	vsort.dscd.msk.f32 $0xffff, v5, v0  }
0x48: {  	v5 =	vld [tilespmem:s15+$0xFFFFFFD0];
	(xrf1) =	vsort.dscd.msk.f32 $0xffff, v6, v2  }
0x49: {  	(xrf1) =	vsort.ascd.msk.f32 $0xffff, v7, v1  }
0x4a: {  	(xrf1) =	vsort.dscd.msk.f32 $0xffff, v8, v0  }
0x4b: {  	(xrf1) =	vsort.ascd.msk.f32 $0xffff, v9, v3  }
0x4c: {  	(xrf1) =	vsort.dscd.msk.f32 $0xffff, v4, v2  }
0x4d: {  	(xrf1) =	vsort.ascd.msk.f32 $0xffff, v5, v1;
	_ =	sdelay $0x6  }
0x4e: {  	v4, v5, _ =	vpop (xrf1)  }
0x4f: {  	v6, v7, _ =	vpop (xrf1)  }
0x50: {  	v8, v9, _ =	vpop (xrf1)  }
0x51: {  	v12 =	vsel vm0, v8, v4;
	v10 =	vsel vm0, v9, v5;
	v8, v9, _ =	vpop (xrf1)  }
0x52: {  	v13 =	vsel vm0, v6, v8;
	v11 =	vsel vm0, v7, v9;
	v8, v9, _ =	vpop (xrf1);
	(xrf1) =	vsort.ascd.msk.f32 $0xffff, v12, v10  }
0x53: {  	v4, v5, _ =	vpop (xrf1);
	(xrf1) =	vsort.dscd.msk.f32 $0xffff, v13, v11  }
0x54: {  	v6, v7, _ =	vpop (xrf1)  }
0x55: {  	v4 =	vsel vm0, v6, v4;
	v5 =	vsel vm0, v7, v5;
	v6, v7, _ =	vpop (xrf1)  }
0x56: {  	v6 =	vsel vm0, v8, v6;
	v7 =	vsel vm0, v9, v7;
	(xrf1) =	vsort.ascd.msk.f32 $0xffff, v4, v5  }
0x57: {  	(xrf1) =	vsort.dscd.msk.f32 $0xffff, v6, v7;
	_ =	sdelay $0x8  }
0x58: {  	v4, v5, _ =	vpop (xrf1)  }
0x59: {  	v6, v7, _ =	vpop (xrf1)  }
0x5a: {  	v8 =	vsel vm0, v6, v4;
	v6 =	vsel vm0, v7, v5  }
0x5b: {  	(xrf1) =	vsort.dscd.msk.f32 $0xffff, v8, v6  }
0x5c: {  	v4, v5, _ =	vpop (xrf1)  }
0x5d: {  	v6, v7, _ =	vpop (xrf1)  }
0x5e: {  	v4 =	vsel vm0, v6, v4;
	v5 =	vsel vm0, v7, v5  }
0x5f: {  	(xrf1) =	vsort.dscd.msk.f32 $0xffff, v4, v5;
	_ =	sdelay $0x9  }
0x60: {  	s17 =	sshra.s32 s17, $0x2;
	v4, v5, _ =	vpop (xrf1)  }
0x61: {  	v4 =	vnsel vm0, $0x0, v4;
	[tilespmem:s17+$0x1380] =	vst.msk $0xff, v5  }
0x62: {  	(xrf2) =	vadd.scan.msk.f32 $0xffff, v4;
	_ =	sdelay $0x1  }
0x63: {  	v5, v6, _ =	vpop (xrf1)  }
0x64: {  	v5 =	vnsel vm0, $0x0, v5;
	[tilespmem:s17+$0x1280] =	vst.msk $0xff, v6  }
0x65: {  	(xrf2) =	vadd.scan.msk.f32 $0xffff, v5;
	_ =	sdelay $0x5  }
0x66: {  	v6, _, _ =	vpop (xrf2)  }
0x67: {  	v7 =	vbroadcast v6, $0xF;
	_ =	sdelay $0x1  }
0x68: {  	(erf) = vrcp.f32 v7  }
0x69: {  	v6, _, _ =	vpop (xrf2)  }
0x6a: {  	v6 =	vbroadcast v6, $0xF;
	_ =	sdelay $0x1  }
0x6b: {  	(erf) = vrcp.f32 v6;
	_ =	sdelay $0x4  }
0x6c: {  	v6 =	vpop (erf)  }
.Ltmp0:
0x6d: {  	v6 =	vmul.f32 v6, v4;
	(pc) =	sbr.rel @p0 .LBB2_2-.Ltmp0, $4  }
0x6e: {  	_ = 	snop  }
0x6f: {  	[tilespmem:s17+$0x1100] =	vst.msk $0xff, v6  }
0x70: {  	v4 =	vpop (erf)  }
0x71: {  	v4 =	vmul.f32 v4, v5  }
0x72: {  	_ = 	snop  }
0x73: {  	[tilespmem:s17+$0x1000] =	vst.msk $0xff, v4  }
0x74: {  	[hbm4b:s4+s2] =	stream.linear.scatter [tilespmem:s10], [sflag:$0x1], $0x100, $0x38;
	[tilespmem:$0x1500] =	vst v63  }
0x75: {  	_ =	swait.ge [sflag:s9], $0x100  }
0x76: {  	[sflag:s9] =	ssyncset.done $0x0  }
0x77: {  	[sflag:s9] =	ssyncadd.s32 $0xFFFFFF00  }
0x78: {  	[hbm4b:s5+s2] =	stream.linear.scatter [tilespmem:s11], [sflag:$0x1], $0x100, $0x38;
	[tilespmem:$0x1500] =	vst v63  }
0x79: {  	_ =	swait.ge [sflag:s9], $0x100  }
0x7a: {  	[sflag:s9] =	ssyncset.done $0x0  }
0x7b: {  	[sflag:s9] =	ssyncadd.s32 $0xFFFFFF00  }
0x7c: {  	[hbm4b:s6+s2] =	stream.linear.scatter [tilespmem:s12], [sflag:$0x1], $0x100, $0x38;
	[tilespmem:$0x1500] =	vst v63  }
0x7d: {  	s14 =	sadd.s32 $0x1, s14;
	_ =	swait.ge [sflag:s9], $0x100  }
0x7e: {  	p0 =	sne.s32 s14, s8;
	[sflag:s9] =	ssyncset.done $0x0  }
.Ltmp1:
0x7f: {  	[sflag:s9] =	ssyncadd.s32 $0xFFFFFF00;
	(pc) =	sbr.rel @p0 .LBB2_1-.Ltmp1, $4  }
0x80: {  	[hbm4b:s7+s2] =	stream.linear.scatter [tilespmem:s13], [sflag:$0x1], $0x100, $0x38;
	[tilespmem:$0x1500] =	vst v63  }
0x81: {  	_ =	swait.ge [sflag:s9], $0x100  }
0x82: {  	[sflag:s9] =	ssyncset.done $0x0  }
0x83: {  	[sflag:s9] =	ssyncadd.s32 $0xFFFFFF00  }
0x84: {  	_ =	sfence.sel $0x180000  }
0x85: {  	[bflag:$0x0] =	sbarrier.arrive $0xFFFF  }
0x86: {  	p0 =	sne.s32 s1, $0x0;
	_ =	strace $0x9000004A  }
0x87: {  	s0 =	sadd.s32 @!p0 $0x100000, s0;
	[bflag:$0x2] =	sbarrier.arrive $0xFFFF  }
0x88: {  	[sflag:s0] =	ssyncadd.tile.s32 @!p0 $0x1;
	_ =	shalt  }
.Lfunc_end2:
_tile_overlayer_lowered:
.L_overlay_start_2:
0x89: {  	(tag) =	ssettag $0x2  }
0x8a: {  	s0 =	rddreg [dreg:$0x0];
	s2 =	stileid.u32  }
0x8b: {  	s1 =	rddreg [dreg:$0x1];
	p0 =	sne.s32 s2, $0x0  }
0x8c: {  	s3 =	rddreg [dreg:$0x2];
	[bflag:$0x3] =	sbarrier.arrive $0xFFFF;
	s2 =	simm.s32 @!p0 $0x1C02  }
0x8d: {  	[timem:s3], [sflag:s2] =	dma.local @!p0 [hbm:s0], s1  }
0x8e: {  	s0 =	simm.s32 @!p0 $0x2  }
0x8f: {  	_ =	swait.ge @!p0 [sflag:s0], s1  }
0x90: {  	s1 =	ssub.s32 @!p0 $0x0, s1;
	[sflag:s0] =	ssyncset.done @!p0 $0x0  }
0x91: {  	[sflag:s0] =	ssyncadd.s32 @!p0 s1  }
0x92: {  	[bflag:$0x3] =	sbarrier.arrive $0xFFFF  }
0x93: {  	_ =	shalt  }

// kernel: kernel.16.cloned.1.call-start
scs
__scs_entry_jumppad:
0x0: {  	(pc) =	sbr.rel $0x88, $3  }
0x1: {  	(tag) =	ssettag $0x0;
	lr =	simm.s32 $0x1  }
0x2: {  	[smem:$0x3F9F] =	sst lr;
	_ =	strace $0xD0000000  }
0x3: {  	_ = 	snop  }
0x4: {  	_ = 	snop  }
0x5: {  	_ = 	snop  }
0x6: {  	_ = 	snop  }
0x7: {  	_ = 	snop  }
__scs_overlays_trampoline_lowered:
0x8: {  	[smem:$0x3FAE] =	sst s0  }
0x9: {  	[smem:$0x3FAF] =	sst s1  }
0xa: {  	[smem:$0x3FB0] =	sst s2  }
0xb: {  	[smem:$0x3FB1] =	sst s3  }
0xc: {  	[smem:$0x3FB2] =	sst s4  }
0xd: {  	[smem:$0x3FB3] =	sst s5  }
0xe: {  	[smem:$0x3FB4] =	sst s6  }
0xf: {  	[smem:$0x3FB5] =	sst s7  }
0x10: {  	[smem:$0x3FB6] =	sst s8  }
0x11: {  	[smem:$0x3FB7] =	sst s9;
	s0 =	simm.s32 @!p0 $0x0  }
0x12: {  	s1 =	sld [smem:$0x3F9D];
	s0 =	simm.s32 @p0 $0x1  }
0x13: {  	[smem:$0x3FB8] =	sst s0;
	s0 =	simm.s32 @!p1 $0x0  }
0x14: {  	s2 =	sld [smem:$0x3F9C];
	s0 =	simm.s32 @p1 $0x1  }
0x15: {  	[smem:$0x3FB9] =	sst s0;
	s0 =	simm.s32 @!p2 $0x0  }
0x16: {  	s3 =	sld [smem:$0x3FDB];
	s0 =	simm.s32 @p2 $0x1  }
0x17: {  	s4 =	simm.s32 $0x1BF5;
	[smem:$0x3FBB] =	sst s0  }
0x18: {  	s0 =	sld [smem:$0x3F9E];
	_ =	swait.ge [sflag:s4], $0x0  }
0x19: {  	s7 =	sld [smem:$0x3F9F]  }
0x1a: {  	s8 =	sadd.s32 $0xFFFFE003, lr  }
0x1b: {  	s9 =	sadd.s32 $0xFFFFFEF7, lr;
	s5 =	simm.s32 $0xFFFFFFFF;
	p2 =	slt.u32 s8, $0xFFFFF086  }
0x1c: {  	p1 =	slt.u32 s9, $0xF7A;
	s5 =	simm.s32 @!p2 $0x0  }
0x1d: {  	s5 =	simm.s32 @p1 $0x1;
	p0 =	seq.s32 s7, s2  }
0x1e: {  	s7 =	smul.u32 @!p0 $0xF7A, s2;
	p2 =	seq.s32 @!p0 s5, $0x0  }
0x1f: {  	s9 =	smul.u32 $0xF7A, s1;
	s8 =	simm.s32 @!p0 $0x1BF5;
	p2 =	por !p2, p0  }
0x20: {  	[sflag:s8] =	ssyncset.s32 @!p0 $0xFFFFF086;
	s6 =	sadd.s32 @!p0 s3, s7;
	s7 =	simm.s32 @!p0 $0x108  }
0x21: {  	s3 =	sadd.s32 s3, s9;
	s6 =	sadd.s32 @!p0 $0x88, s6;
	s7 =	simm.s32 @p2 $0x1082  }
0x22: {  	[simem:s7], [sflag:s8] =	dma.local @!p0 [hbm:s6], $0xF7A  }
0x23: {  	s9 =	sor.u32 $0xD0000000, s2;
	s6 =	simm.s32 $0x108;
	_ =	swait.ge @!p0 [sflag:s8], $0x0  }
0x24: {  	s3 =	sadd.s32 $0x88, s3;
	s6 =	simm.s32 @!p1 $0x1082;
	[sflag:s4] =	ssyncset.s32 $0xFFFFF086  }
0x25: {  	[simem:s6], [sflag:s4] =	dma.local [hbm:s3], $0xF7A  }
0x26: {  	[smem:$0x3F9F] =	sst s1;
	(tag) =	ssettag s2;
	_ =	strace s9  }
0x27: {  	s1 =	sld [smem:$0x3FAF]  }
0x28: {  	s2 =	sld [smem:$0x3FB0]  }
0x29: {  	s4 =	sld [smem:$0x3FB2]  }
0x2a: {  	p0 =	seq.s32 s5, $0x0;
	s5 =	sld [smem:$0x3FB3]  }
0x2b: {  	s6 =	sld [smem:$0x3FB4]  }
0x2c: {  	s7 =	sld [smem:$0x3FB5]  }
0x2d: {  	s3 =	simm.s32 $0x108;
	s8 =	sld [smem:$0x3FB6]  }
0x2e: {  	s3 =	simm.s32 @!p0 $0x1082;
	s9 =	sld [smem:$0x3FB7]  }
0x2f: {  	lr =	sadd.s32 s0, s3;
	s0 =	sld [smem:$0x3FAE]  }
0x30: {  	s3 =	sld [smem:$0x3FB1]  }
0x31: {  	[smem:$0x3FBA] =	sst s10  }
0x32: {  	s10 =	sld [smem:$0x3FB8];
	_ =	sdelay $0x3  }
0x33: {  	p0 =	seq.s32 s10, $0x1;
	s10 =	sld [smem:$0x3FBA];
	_ =	sdelay $0x3  }
0x34: {  	[smem:$0x3FBA] =	sst s10  }
0x35: {  	s10 =	sld [smem:$0x3FB9];
	_ =	sdelay $0x3  }
0x36: {  	p1 =	seq.s32 s10, $0x1;
	s10 =	sld [smem:$0x3FBA];
	_ =	sdelay $0x3  }
0x37: {  	[smem:$0x3FBA] =	sst s10  }
0x38: {  	s10 =	sld [smem:$0x3FBB]  }
0x39: {  	_ = 	snop;
	(pc) =	sbr.ind lr, $3  }
0x3a: {  	_ = 	snop  }
0x3b: {  	_ = 	snop  }
0x3c: {  	p2 =	seq.s32 s10, $0x1;
	s10 =	sld [smem:$0x3FBA]  }
0x3d: {  	_ =	shalt  }
0x3e: {  	_ =	shalt  }
0x3f: {  	_ =	shalt  }
0x40: {  	_ =	shalt  }
0x41: {  	_ =	shalt  }
0x42: {  	_ =	shalt  }
0x43: {  	_ =	shalt  }
0x44: {  	_ =	shalt  }
0x45: {  	_ =	shalt  }
0x46: {  	_ =	shalt  }
0x47: {  	_ =	shalt  }
0x48: {  	_ =	shalt  }
0x49: {  	_ =	shalt  }
0x4a: {  	_ =	shalt  }
0x4b: {  	_ =	shalt  }
0x4c: {  	_ =	shalt  }
0x4d: {  	_ =	shalt  }
0x4e: {  	_ =	shalt  }
0x4f: {  	_ =	shalt  }
0x50: {  	_ =	shalt  }
0x51: {  	_ =	shalt  }
0x52: {  	_ =	shalt  }
0x53: {  	_ =	shalt  }
0x54: {  	_ =	shalt  }
0x55: {  	_ =	shalt  }
0x56: {  	_ =	shalt  }
0x57: {  	_ =	shalt  }
0x58: {  	_ =	shalt  }
0x59: {  	_ =	shalt  }
0x5a: {  	_ =	shalt  }
0x5b: {  	_ =	shalt  }
0x5c: {  	_ =	shalt  }
0x5d: {  	_ =	shalt  }
0x5e: {  	_ =	shalt  }
0x5f: {  	_ =	shalt  }
0x60: {  	_ =	shalt  }
0x61: {  	_ =	shalt  }
0x62: {  	_ =	shalt  }
0x63: {  	_ =	shalt  }
0x64: {  	_ =	shalt  }
0x65: {  	_ =	shalt  }
0x66: {  	_ =	shalt  }
0x67: {  	_ =	shalt  }
0x68: {  	_ =	shalt  }
0x69: {  	_ =	shalt  }
0x6a: {  	_ =	shalt  }
0x6b: {  	_ =	shalt  }
0x6c: {  	_ =	shalt  }
0x6d: {  	_ =	shalt  }
0x6e: {  	_ =	shalt  }
0x6f: {  	_ =	shalt  }
0x70: {  	_ =	shalt  }
0x71: {  	_ =	shalt  }
0x72: {  	_ =	shalt  }
0x73: {  	_ =	shalt  }
0x74: {  	_ =	shalt  }
0x75: {  	_ =	shalt  }
0x76: {  	_ =	shalt  }
0x77: {  	_ =	shalt  }
0x78: {  	_ =	shalt  }
0x79: {  	_ =	shalt  }
0x7a: {  	_ =	shalt  }
0x7b: {  	_ =	shalt  }
0x7c: {  	_ =	shalt  }
0x7d: {  	_ =	shalt  }
0x7e: {  	_ =	shalt  }
0x7f: {  	_ =	shalt  }
0x80: {  	_ =	shalt  }
0x81: {  	_ =	shalt  }
0x82: {  	_ =	shalt  }
0x83: {  	_ =	shalt  }
0x84: {  	_ =	shalt  }
0x85: {  	_ =	shalt  }
0x86: {  	_ =	shalt  }
0x87: {  	_ =	shalt  }
.Lfunc_end0:
.L_simem_size_0:
called_computation.2_lowered:
.L_overlay_start_0:
0x88: {  	s2 =	sld [smem:$0x3FD9]  }
0x89: {  	s3 =	sld [smem:$0x3FFE];
	_ =	sdelay $0x1  }
0x8a: {  	s1 =	srdreg.scid  }
0x8b: {  	s0 =	sand.u32 $0x1, s1  }
0x8c: {  	s17 =	sshll.u32 s0, $0xA;
	s2 =	sadd.s32 s3, s2  }
0x8d: {  	s2 =	sadd.s32 s2, s17  }
0x8e: {  	[smem:$0x3FC6] =	sst s2  }
0x8f: {  	_ = 	snop  }
0x90: {  	(tm) =	ssettm $0x1  }
0x91: {  	s18 =	sld [smem:$0x3FFB];
	_ =	sdelay $0x3  }
0x92: {  	_ =	strace s18  }
0x93: {  	s2 =	sld [smem:$0x3FFC];
	_ =	sdelay $0x3  }
0x94: {  	_ =	strace s2  }
0x95: {  	s2 =	sld [smem:$0x3FFD];
	_ =	sdelay $0x3  }
0x96: {  	_ =	strace s2  }
0x97: {  	_ =	strace $0x8FFFFFFF  }
0x98: {  	s19 =	sld [smem:$0x3FDB];
	_ =	sdelay $0x1  }
0x99: {  	s20 =	simm.s32 $_scs_section_size  }
0x9a: {  	s4 =	simm.s32 $_size__tile_overlayer_lowered;
	s5 =	simm.s32 $_tile_overlayer_lowered  }
0x9b: {  	s6 =	simm.s32 $0x1BFF;
	s21 =	sshll.u32 s5, $0x1;
	s3 =	sadd.s32 s20, s19  }
0x9c: {  	s22 =	simm.s32 $0x0;
	s4 =	sshll.u32 s4, $0x1;
	s5 =	sadd.s32 s21, s3  }
0x9d: {  	[timem:s22], [sflag:s6] =	dma.local [hbm:s5], s4  }
0x9e: {  	_ =	swait.ge [sflag:s6], s4  }
0x9f: {  	s4 =	ssub.s32 $0x0, s4;
	[sflag:s6] =	ssyncset.done $0x0  }
0xa0: {  	[sflag:s6] =	ssyncadd.s32 s4;
	_ =	sdelay $0x1  }
0xa1: {  	s23 =	simm.s32 $0x1B8B  }
0xa2: {  	_ =	swait.ge [sflag:s23], $0x1  }
0xa3: {  	[sflag:s23] =	ssyncset.done $0x0  }
0xa4: {  	[sflag:s23] =	ssyncadd.s32 $0xFFFFFFFF  }
0xa5: {  	s4 =	sld [smem:$0x0]  }
0xa6: {  	s5 =	sand.u32 $0xFFFFFFFE, s1  }
0xa7: {  	p0 =	sne.s32 s1, s5  }
0xa8: {  	s5 =	sshll.u32 @p0 s5, $0xE  }
0xa9: {  	s5 =	sadd.s32 @p0 $0x11B8D, s5;
	s6 =	sshll.u32 @p0 s4, $0x11  }
0xaa: {  	s5 =	sor.u32 @p0 s6, s5  }
0xab: {  	[sflag:s5] =	ssyncadd.remote.s32 @p0 $0x1;
	_ =	sdelay $0x1  }
0xac: {  	s5 =	simm.s32 @p0 $0x1B8D  }
0xad: {  	_ =	swait.eq @p0 [sflag:s5], $0x1  }
0xae: {  	[sflag:s5] =	ssyncadd.s32 @p0 $0xFFFFFFFF  }
0xaf: {  	s6 =	sshll.u32 @!p0 s1, $0xE  }
0xb0: {  	s6 =	sor.u32 @!p0 $0x4000, s6;
	s5 =	simm.s32 @!p0 $0x1B8D  }
0xb1: {  	s4 =	sshll.u32 @!p0 s4, $0x11;
	s6 =	sadd.s32 @!p0 $0x11B8D, s6;
	_ =	swait.eq @!p0 [sflag:s5], $0x1  }
0xb2: {  	s4 =	sor.u32 @!p0 s4, s6;
	[sflag:s5] =	ssyncadd.s32 @!p0 $0xFFFFFFFF  }
0xb3: {  	s25 =	simm.s32 $0x1B8E;
	s24 =	sld [smem:$0x3FFE];
	[sflag:s4] =	ssyncadd.remote.s32 @!p0 $0x1  }
0xb4: {  	s26 =	simm.s32 $execute0_lowered;
	[smem:$0x3FD2] =	sst s25  }
0xb5: {  	s5 =	sshll.u32 s26, $0x1;
	_ =	strace $0x8000004C;
	[dreg:$0x1] =	wrdreg $0xFFFFFFFF  }
0xb6: {  	s28 =	simm.s32 $_size_execute0_lowered;
	s3 =	sadd.s32 s3, s5;
	[dreg:$0x0] =	wrdreg $0x0  }
0xb7: {  	s5 =	sshll.u32 s28, $0x1;
	[dreg:$0x2] =	wrdreg s3  }
0xb8: {  	[dreg:$0x3] =	wrdreg s5  }
0xb9: {  	[dreg:$0x4] =	wrdreg $0xC0  }
0xba: {  	_ =	task [dreg:s22], $0x5FFFF  }
0xbb: {  	[dreg:$0x1] =	wrdreg $0xFFFFFFFF  }
0xbc: {  	[dreg:$0x0] =	wrdreg $0x60  }
0xbd: {  	[dreg:$0x2] =	wrdreg s24  }
0xbe: {  	[dreg:$0x3] =	wrdreg $0xB  }
0xbf: {  	_ =	task.clear_ibuf [dreg:s22], $0x4FFFF;
	_ =	strace $0x9000004C  }
0xc0: {  	s29 =	simm.s32 $0xB;
	_ =	strace $0x8000004E  }
0xc1: {  	_ =	swait.ge [sflag:s29], $0x1  }
0xc2: {  	[sflag:s29] =	ssyncadd.s32 $0xFFFFFFFF  }
0xc3: {  	_ =	strace $0x9000004E  }
0xc4: {  	_ =	sfence  }
0xc5: {  	s30 =	sld [smem:$0x0];
	_ =	sdelay $0x2  }
0xc6: {  	s31 =	sshll.u32 s1, $0xD;
	s1 =	sshrl.u32 s1, $0x2  }
0xc7: {  	s4 =	sand.u32 $0x4000, s31;
	s1 =	sadd.s32 s1, s30  }
0xc8: {  	s0 =	sor.u32 s4, s0;
	s1 =	sshll.u32 s1, $0x11  }
0xc9: {  	s0 =	sor.u32 s1, s0  }
0xca: {  	s0 =	sadd.s32 $0x8F2B, s0  }
0xcb: {  	[sflag:s0] =	ssyncadd.remote.s32 $0x1  }
0xcc: {  	_ =	sfence.sel $0xFFFF  }
0xcd: {  	[dreg:$0x0] =	wrdreg $0xFFFFFFFF;
	(pc) =	sbr.abs _section_cstart, $3  }
0xce: {  	[dreg:$0x1] =	wrdreg $0xFFFFFFFF  }
0xcf: {  	_ =	task.clear_ibuf [dreg:s22], $0x2FFFF;
	_ =	strace $0x9FFFFFFF  }
0xd0: {  	(tm) =	ssettm $0x7FFFFFFF  }
0xd1: {  	_ =	shalt  }
tec
execute0_lowered:
.L_overlay_start_1:
0x0: {  	(tag) =	ssettag $0x1  }
0x1: {  	s3 =	rddreg [dreg:$0x0]  }
0x2: {  	s0 =	rddreg [dreg:$0x1];
	s2 =	simm.s32 $0x0;
	s1 =	stileid.u32  }
0x3: {  	s6 =	srdreg.scid;
	s11 =	simm.s32 $0x1280;
	s12 =	simm.s32 $0x1100  }
0x4: {  	s13 =	simm.s32 $0x1380;
	s14 =	simm.s32 $0x0;
	[smem:$0x7FF] =	sst s2  }
0x5: {  	s4 =	sshrl.u32 s1, $0x3;
	s7 =	sshll.u32 s1, $0x1;
	s6 =	sand.u32 $0x1, s6  }
0x6: {  	s8 =	sadd.s32 $0x10800, s3;
	s29 =	sadd.s32 $0x11000, s3;
	_ =	strace $0x8000004D  }
0x7: {  	s5 =	sshll.u32 s4, $0xD;
	s7 =	sand.u32 $0xE, s7;
	s9 =	ssub.s32 $0x2, s6  }
0x8: {  	s4 =	sshll.u32 s4, $0xA;
	s5 =	sadd.s32 s5, s3;
	s6 =	sor.u32 s6, s7  }
0x9: {  	s30 =	sshrl.u32 s9, $0x1;
	s10 =	sshll.u32 s6, $0x9;
	s6 =	sshll.u32 s6, $0x5  }
0xa: {  	s9 =	ssub.s32 s9, s30;
	s5 =	sadd.s32 s10, s5;
	s6 =	sor.u32 s4, s6  }
0xb: {  	s10 =	simm.s32 $0x1000;
	s3 =	sadd.s32 $0xC800, s5;
	s31 =	sor.u32 $0x200, s6  }
0xc: {  	v0 =	vlaneseq.u32;
	vm0 =	vmmov $0xff;
	s4 =	sadd.s32 s8, s6;
	s5 =	sadd.s32 s29, s6;
	s6 =	sadd.s32 s8, s31  }
0xd: {  	v1 =	vor.u32 $0x10, v0;
	v2 =	vor.u32 $0x20, v0;
	v3 =	vor.u32 $0x30, v0;
	s7 =	sadd.s32 s29, s31;
	s8 =	smax.u32 s9, $0x1;
	s9 =	simm.s32 $0x1  }
.LBB2_1:
0xe: {  	[tilespmem:s2], [sflag:$0x1] =	stream.linear.gather [hbm4b:s3+s2], $0x1000, $0x38;
	[tilespmem:$0x1500] =	vst v63  }
0xf: {  	_ =	swait.ge [sflag:s9], $0x1000  }
0x10: {  	[sflag:s9] =	ssyncset.done $0x0  }
0x11: {  	s15 =	simm.s32 $0x40;
	[sflag:s9] =	ssyncadd.s32 $0xFFFFF000  }
0x12: {  	v4 =	vld [tilespmem:s15+$0x30]  }
0x13: {  	v5 =	vld [tilespmem:s15+$0x0]  }
0x14: {  	v6 =	vld [tilespmem:s15+$0x20]  }
0x15: {  	v7 =	vld [tilespmem:s15+$0x10];
	_ =	sdelay $0x1  }
0x16: {  	v8 =	vld [tilespmem:s15+$0xFFFFFFC0];
	(xrf1) =	vsort.ascd.msk.f32 $0xffff, v4, v3  }
0x17: {  	v9 =	vld [tilespmem:s15+$0xFFFFFFF0];
	(xrf1) =	vsort.dscd.msk.f32 $0xffff, v5, v0  }
0x18: {  	v4 =	vld [tilespmem:s15+$0xFFFFFFE0];
	(xrf1) =	vsort.dscd.msk.f32 $0xffff, v6, v2  }
0x19: {  	v5 =	vld [tilespmem:s15+$0xFFFFFFD0];
	(xrf1) =	vsort.ascd.msk.f32 $0xffff, v7, v1;
	_ =	sdelay $0x1  }
0x1a: {  	(xrf1) =	vsort.dscd.msk.f32 $0xffff, v8, v0  }
0x1b: {  	(xrf1) =	vsort.ascd.msk.f32 $0xffff, v9, v3  }
0x1c: {  	(xrf1) =	vsort.dscd.msk.f32 $0xffff, v4, v2  }
0x1d: {  	(xrf1) =	vsort.ascd.msk.f32 $0xffff, v5, v1;
	_ =	sdelay $0x5  }
0x1e: {  	v4, v5, _ =	vpop (xrf1)  }
0x1f: {  	v6, v7, _ =	vpop (xrf1)  }
0x20: {  	v56, v57, _ =	vpop (xrf1)  }
0x21: {  	v10, v11, _ =	vpop (xrf1);
	v4 =	vsel vm0, v56, v4;
	v5 =	vsel vm0, v57, v5  }
0x22: {  	v6 =	vsel vm0, v6, v10;
	v7 =	vsel vm0, v7, v11;
	(xrf1) =	vsort.ascd.msk.f32 $0xffff, v4, v5  }
0x23: {  	v12, v13, _ =	vpop (xrf1);
	(xrf1) =	vsort.dscd.msk.f32 $0xffff, v6, v7  }
0x24: {  	v58, v59, _ =	vpop (xrf1)  }
0x25: {  	v4, v5, _ =	vpop (xrf1)  }
0x26: {  	v4 =	vsel vm0, v4, v58;
	v5 =	vsel vm0, v5, v59;
	v6, v7, _ =	vpop (xrf1)  }
0x27: {  	v6 =	vsel vm0, v12, v6;
	v7 =	vsel vm0, v13, v7;
	(xrf1) =	vsort.ascd.msk.f32 $0xffff, v4, v5  }
0x28: {  	(xrf1) =	vsort.dscd.msk.f32 $0xffff, v6, v7;
	_ =	sdelay $0x7  }
0x29: {  	v4, v5, _ =	vpop (xrf1)  }
0x2a: {  	v6, v7, _ =	vpop (xrf1)  }
0x2b: {  	v5 =	vsel vm0, v7, v5  }
0x2c: {  	v4 =	vsel vm0, v6, v4;
	_ =	sdelay $0x1  }
0x2d: {  	v6, v7, _ =	vpop (xrf1)  }
0x2e: {  	(xrf1) =	vsort.dscd.msk.f32 $0xffff, v4, v5;
	v4, v5, _ =	vpop (xrf1)  }
0x2f: {  	v4 =	vsel vm0, v4, v6;
	v5 =	vsel vm0, v5, v7  }
0x30: {  	(xrf1) =	vsort.dscd.msk.f32 $0xffff, v4, v5;
	_ =	sdelay $0xb  }
0x31: {  	v4, v5, _ =	vpop (xrf1)  }
0x32: {  	v4 =	vnsel vm0, $0x0, v4  }
0x33: {  	(xrf2) =	vadd.scan.msk.f32 $0xffff, v4;
	v6, v7, _ =	vpop (xrf1)  }
0x34: {  	v6 =	vnsel vm0, $0x0, v6  }
0x35: {  	(xrf2) =	vadd.scan.msk.f32 $0xffff, v6;
	_ =	sdelay $0x7  }
0x36: {  	v60, _, _ =	vpop (xrf2)  }
0x37: {  	v8 =	vbroadcast v60, $0xF  }
0x38: {  	v61, _, _ =	vpop (xrf2)  }
0x39: {  	(erf) = vrcp.f32 v8;
	v62 =	vbroadcast v61, $0xF;
	_ =	sdelay $0x1  }
0x3a: {  	(erf) = vrcp.f32 v62;
	_ =	sdelay $0x6  }
0x3b: {  	s17 =	simm.s32 $0x0;
	v63 =	vpop (erf)  }
0x3c: {  	[tilespmem:s17+$0x1380] =	vst.msk $0xff, v5;
	v4 =	vmul.f32 v63, v4  }
0x3d: {  	[tilespmem:s17+$0x1280] =	vst.msk $0xff, v7;
	v5 =	vpop (erf)  }
0x3e: {  	s16 =	simm.s32 $0x20;
	[tilespmem:s17+$0x1100] =	vst.msk $0xff, v4;
	v4 =	vmul.f32 v5, v6  }
.LBB2_2:
0x3f: {  	p0 =	sne.s32 s16, $0x3E0  }
0x40: {  	s15 =	sadd.s32 $0x80, s15;
	[tilespmem:s17+$0x1000] =	vst.msk $0xff, v4;
	s17 =	smov.u32 s16;
	s16 =	sadd.s32 $0x20, s16  }
0x41: {  	v4 =	vld [tilespmem:s15+$0x30]  }
0x42: {  	v5 =	vld [tilespmem:s15+$0x0]  }
0x43: {  	v6 =	vld [tilespmem:s15+$0x20]  }
0x44: {  	v7 =	vld [tilespmem:s15+$0x10]  }
0x45: {  	v8 =	vld [tilespmem:s15+$0xFFFFFFC0]  }
0x46: {  	v9 =	vld [tilespmem:s15+$0xFFFFFFF0];
	(xrf1) =	vsort.ascd.msk.f32 $0xffff, v4, v3  }
0x47: {  	v4 =	vld [tilespmem:s15+$0xFFFFFFE0];
	(xrf1) =	vsort.dscd.msk.f32 $0xffff, v5, v0  }
0x48: {  	v5 =	vld [tilespmem:s15+$0xFFFFFFD0];
	(xrf1) =	vsort.dscd.msk.f32 $0xffff, v6, v2  }
0x49: {  	(xrf1) =	vsort.ascd.msk.f32 $0xffff, v7, v1  }
0x4a: {  	(xrf1) =	vsort.dscd.msk.f32 $0xffff, v8, v0  }
0x4b: {  	(xrf1) =	vsort.ascd.msk.f32 $0xffff, v9, v3  }
0x4c: {  	(xrf1) =	vsort.dscd.msk.f32 $0xffff, v4, v2  }
0x4d: {  	(xrf1) =	vsort.ascd.msk.f32 $0xffff, v5, v1;
	_ =	sdelay $0x6  }
0x4e: {  	v4, v5, _ =	vpop (xrf1)  }
0x4f: {  	v6, v7, _ =	vpop (xrf1)  }
0x50: {  	v8, v9, _ =	vpop (xrf1)  }
0x51: {  	v12 =	vsel vm0, v8, v4;
	v10 =	vsel vm0, v9, v5;
	v8, v9, _ =	vpop (xrf1)  }
0x52: {  	v13 =	vsel vm0, v6, v8;
	v11 =	vsel vm0, v7, v9;
	v8, v9, _ =	vpop (xrf1);
	(xrf1) =	vsort.ascd.msk.f32 $0xffff, v12, v10  }
0x53: {  	v4, v5, _ =	vpop (xrf1);
	(xrf1) =	vsort.dscd.msk.f32 $0xffff, v13, v11  }
0x54: {  	v6, v7, _ =	vpop (xrf1)  }
0x55: {  	v4 =	vsel vm0, v6, v4;
	v5 =	vsel vm0, v7, v5;
	v6, v7, _ =	vpop (xrf1)  }
0x56: {  	v6 =	vsel vm0, v8, v6;
	v7 =	vsel vm0, v9, v7;
	(xrf1) =	vsort.ascd.msk.f32 $0xffff, v4, v5  }
0x57: {  	(xrf1) =	vsort.dscd.msk.f32 $0xffff, v6, v7;
	_ =	sdelay $0x8  }
0x58: {  	v4, v5, _ =	vpop (xrf1)  }
0x59: {  	v6, v7, _ =	vpop (xrf1)  }
0x5a: {  	v8 =	vsel vm0, v6, v4;
	v6 =	vsel vm0, v7, v5  }
0x5b: {  	(xrf1) =	vsort.dscd.msk.f32 $0xffff, v8, v6  }
0x5c: {  	v4, v5, _ =	vpop (xrf1)  }
0x5d: {  	v6, v7, _ =	vpop (xrf1)  }
0x5e: {  	v4 =	vsel vm0, v6, v4;
	v5 =	vsel vm0, v7, v5  }
0x5f: {  	(xrf1) =	vsort.dscd.msk.f32 $0xffff, v4, v5;
	_ =	sdelay $0x9  }
0x60: {  	s17 =	sshra.s32 s17, $0x2;
	v4, v5, _ =	vpop (xrf1)  }
0x61: {  	v4 =	vnsel vm0, $0x0, v4;
	[tilespmem:s17+$0x1380] =	vst.msk $0xff, v5  }
0x62: {  	(xrf2) =	vadd.scan.msk.f32 $0xffff, v4;
	_ =	sdelay $0x1  }
0x63: {  	v5, v6, _ =	vpop (xrf1)  }
0x64: {  	v5 =	vnsel vm0, $0x0, v5;
	[tilespmem:s17+$0x1280] =	vst.msk $0xff, v6  }
0x65: {  	(xrf2) =	vadd.scan.msk.f32 $0xffff, v5;
	_ =	sdelay $0x5  }
0x66: {  	v6, _, _ =	vpop (xrf2)  }
0x67: {  	v7 =	vbroadcast v6, $0xF;
	_ =	sdelay $0x1  }
0x68: {  	(erf) = vrcp.f32 v7  }
0x69: {  	v6, _, _ =	vpop (xrf2)  }
0x6a: {  	v6 =	vbroadcast v6, $0xF;
	_ =	sdelay $0x1  }
0x6b: {  	(erf) = vrcp.f32 v6;
	_ =	sdelay $0x4  }
0x6c: {  	v6 =	vpop (erf)  }
.Ltmp0:
0x6d: {  	v6 =	vmul.f32 v6, v4;
	(pc) =	sbr.rel @p0 .LBB2_2-.Ltmp0, $4  }
0x6e: {  	_ = 	snop  }
0x6f: {  	[tilespmem:s17+$0x1100] =	vst.msk $0xff, v6  }
0x70: {  	v4 =	vpop (erf)  }
0x71: {  	v4 =	vmul.f32 v4, v5  }
0x72: {  	_ = 	snop  }
0x73: {  	[tilespmem:s17+$0x1000] =	vst.msk $0xff, v4  }
0x74: {  	[hbm4b:s4+s2] =	stream.linear.scatter [tilespmem:s10], [sflag:$0x1], $0x100, $0x38;
	[tilespmem:$0x1500] =	vst v63  }
0x75: {  	_ =	swait.ge [sflag:s9], $0x100  }
0x76: {  	[sflag:s9] =	ssyncset.done $0x0  }
0x77: {  	[sflag:s9] =	ssyncadd.s32 $0xFFFFFF00  }
0x78: {  	[hbm4b:s5+s2] =	stream.linear.scatter [tilespmem:s11], [sflag:$0x1], $0x100, $0x38;
	[tilespmem:$0x1500] =	vst v63  }
0x79: {  	_ =	swait.ge [sflag:s9], $0x100  }
0x7a: {  	[sflag:s9] =	ssyncset.done $0x0  }
0x7b: {  	[sflag:s9] =	ssyncadd.s32 $0xFFFFFF00  }
0x7c: {  	[hbm4b:s6+s2] =	stream.linear.scatter [tilespmem:s12], [sflag:$0x1], $0x100, $0x38;
	[tilespmem:$0x1500] =	vst v63  }
0x7d: {  	s14 =	sadd.s32 $0x1, s14;
	_ =	swait.ge [sflag:s9], $0x100  }
0x7e: {  	p0 =	sne.s32 s14, s8;
	[sflag:s9] =	ssyncset.done $0x0  }
.Ltmp1:
0x7f: {  	[sflag:s9] =	ssyncadd.s32 $0xFFFFFF00;
	(pc) =	sbr.rel @p0 .LBB2_1-.Ltmp1, $4  }
0x80: {  	[hbm4b:s7+s2] =	stream.linear.scatter [tilespmem:s13], [sflag:$0x1], $0x100, $0x38;
	[tilespmem:$0x1500] =	vst v63  }
0x81: {  	_ =	swait.ge [sflag:s9], $0x100  }
0x82: {  	[sflag:s9] =	ssyncset.done $0x0  }
0x83: {  	[sflag:s9] =	ssyncadd.s32 $0xFFFFFF00  }
0x84: {  	_ =	sfence.sel $0x180000  }
0x85: {  	[bflag:$0x0] =	sbarrier.arrive $0xFFFF  }
0x86: {  	p0 =	sne.s32 s1, $0x0;
	_ =	strace $0x9000004D  }
0x87: {  	s0 =	sadd.s32 @!p0 $0x100000, s0;
	[bflag:$0x2] =	sbarrier.arrive $0xFFFF  }
0x88: {  	[sflag:s0] =	ssyncadd.tile.s32 @!p0 $0x1;
	_ =	shalt  }
.Lfunc_end2:
_tile_overlayer_lowered:
.L_overlay_start_2:
0x89: {  	(tag) =	ssettag $0x2  }
0x8a: {  	s0 =	rddreg [dreg:$0x0];
	s2 =	stileid.u32  }
0x8b: {  	s1 =	rddreg [dreg:$0x1];
	p0 =	sne.s32 s2, $0x0  }
0x8c: {  	s3 =	rddreg [dreg:$0x2];
	[bflag:$0x3] =	sbarrier.arrive $0xFFFF;
	s2 =	simm.s32 @!p0 $0x1C02  }
0x8d: {  	[timem:s3], [sflag:s2] =	dma.local @!p0 [hbm:s0], s1  }
0x8e: {  	s0 =	simm.s32 @!p0 $0x2  }
0x8f: {  	_ =	swait.ge @!p0 [sflag:s0], s1  }
0x90: {  	s1 =	ssub.s32 @!p0 $0x0, s1;
	[sflag:s0] =	ssyncset.done @!p0 $0x0  }
0x91: {  	[sflag:s0] =	ssyncadd.s32 @!p0 s1  }
0x92: {  	[bflag:$0x3] =	sbarrier.arrive $0xFFFF  }
0x93: {  	_ =	shalt  }

// kernel: kernel.19.cloned.1.call-start
scs
__scs_entry_jumppad:
0x0: {  	(pc) =	sbr.rel $0x88, $3  }
0x1: {  	(tag) =	ssettag $0x0;
	lr =	simm.s32 $0x1  }
0x2: {  	[smem:$0x3F9F] =	sst lr;
	_ =	strace $0xD0000000  }
0x3: {  	_ = 	snop  }
0x4: {  	_ = 	snop  }
0x5: {  	_ = 	snop  }
0x6: {  	_ = 	snop  }
0x7: {  	_ = 	snop  }
__scs_overlays_trampoline_lowered:
0x8: {  	[smem:$0x3FAE] =	sst s0  }
0x9: {  	[smem:$0x3FAF] =	sst s1  }
0xa: {  	[smem:$0x3FB0] =	sst s2  }
0xb: {  	[smem:$0x3FB1] =	sst s3  }
0xc: {  	[smem:$0x3FB2] =	sst s4  }
0xd: {  	[smem:$0x3FB3] =	sst s5  }
0xe: {  	[smem:$0x3FB4] =	sst s6  }
0xf: {  	[smem:$0x3FB5] =	sst s7  }
0x10: {  	[smem:$0x3FB6] =	sst s8  }
0x11: {  	[smem:$0x3FB7] =	sst s9;
	s0 =	simm.s32 @!p0 $0x0  }
0x12: {  	s1 =	sld [smem:$0x3F9D];
	s0 =	simm.s32 @p0 $0x1  }
0x13: {  	[smem:$0x3FB8] =	sst s0;
	s0 =	simm.s32 @!p1 $0x0  }
0x14: {  	s2 =	sld [smem:$0x3F9C];
	s0 =	simm.s32 @p1 $0x1  }
0x15: {  	[smem:$0x3FB9] =	sst s0;
	s0 =	simm.s32 @!p2 $0x0  }
0x16: {  	s3 =	sld [smem:$0x3FDB];
	s0 =	simm.s32 @p2 $0x1  }
0x17: {  	s4 =	simm.s32 $0x1BF5;
	[smem:$0x3FBB] =	sst s0  }
0x18: {  	s0 =	sld [smem:$0x3F9E];
	_ =	swait.ge [sflag:s4], $0x0  }
0x19: {  	s7 =	sld [smem:$0x3F9F]  }
0x1a: {  	s8 =	sadd.s32 $0xFFFFE003, lr  }
0x1b: {  	s9 =	sadd.s32 $0xFFFFFEF7, lr;
	s5 =	simm.s32 $0xFFFFFFFF;
	p2 =	slt.u32 s8, $0xFFFFF086  }
0x1c: {  	p1 =	slt.u32 s9, $0xF7A;
	s5 =	simm.s32 @!p2 $0x0  }
0x1d: {  	s5 =	simm.s32 @p1 $0x1;
	p0 =	seq.s32 s7, s2  }
0x1e: {  	s7 =	smul.u32 @!p0 $0xF7A, s2;
	p2 =	seq.s32 @!p0 s5, $0x0  }
0x1f: {  	s9 =	smul.u32 $0xF7A, s1;
	s8 =	simm.s32 @!p0 $0x1BF5;
	p2 =	por !p2, p0  }
0x20: {  	[sflag:s8] =	ssyncset.s32 @!p0 $0xFFFFF086;
	s6 =	sadd.s32 @!p0 s3, s7;
	s7 =	simm.s32 @!p0 $0x108  }
0x21: {  	s3 =	sadd.s32 s3, s9;
	s6 =	sadd.s32 @!p0 $0x88, s6;
	s7 =	simm.s32 @p2 $0x1082  }
0x22: {  	[simem:s7], [sflag:s8] =	dma.local @!p0 [hbm:s6], $0xF7A  }
0x23: {  	s9 =	sor.u32 $0xD0000000, s2;
	s6 =	simm.s32 $0x108;
	_ =	swait.ge @!p0 [sflag:s8], $0x0  }
0x24: {  	s3 =	sadd.s32 $0x88, s3;
	s6 =	simm.s32 @!p1 $0x1082;
	[sflag:s4] =	ssyncset.s32 $0xFFFFF086  }
0x25: {  	[simem:s6], [sflag:s4] =	dma.local [hbm:s3], $0xF7A  }
0x26: {  	[smem:$0x3F9F] =	sst s1;
	(tag) =	ssettag s2;
	_ =	strace s9  }
0x27: {  	s1 =	sld [smem:$0x3FAF]  }
0x28: {  	s2 =	sld [smem:$0x3FB0]  }
0x29: {  	s4 =	sld [smem:$0x3FB2]  }
0x2a: {  	p0 =	seq.s32 s5, $0x0;
	s5 =	sld [smem:$0x3FB3]  }
0x2b: {  	s6 =	sld [smem:$0x3FB4]  }
0x2c: {  	s7 =	sld [smem:$0x3FB5]  }
0x2d: {  	s3 =	simm.s32 $0x108;
	s8 =	sld [smem:$0x3FB6]  }
0x2e: {  	s3 =	simm.s32 @!p0 $0x1082;
	s9 =	sld [smem:$0x3FB7]  }
0x2f: {  	lr =	sadd.s32 s0, s3;
	s0 =	sld [smem:$0x3FAE]  }
0x30: {  	s3 =	sld [smem:$0x3FB1]  }
0x31: {  	[smem:$0x3FBA] =	sst s10  }
0x32: {  	s10 =	sld [smem:$0x3FB8];
	_ =	sdelay $0x3  }
0x33: {  	p0 =	seq.s32 s10, $0x1;
	s10 =	sld [smem:$0x3FBA];
	_ =	sdelay $0x3  }
0x34: {  	[smem:$0x3FBA] =	sst s10  }
0x35: {  	s10 =	sld [smem:$0x3FB9];
	_ =	sdelay $0x3  }
0x36: {  	p1 =	seq.s32 s10, $0x1;
	s10 =	sld [smem:$0x3FBA];
	_ =	sdelay $0x3  }
0x37: {  	[smem:$0x3FBA] =	sst s10  }
0x38: {  	s10 =	sld [smem:$0x3FBB]  }
0x39: {  	_ = 	snop;
	(pc) =	sbr.ind lr, $3  }
0x3a: {  	_ = 	snop  }
0x3b: {  	_ = 	snop  }
0x3c: {  	p2 =	seq.s32 s10, $0x1;
	s10 =	sld [smem:$0x3FBA]  }
0x3d: {  	_ =	shalt  }
0x3e: {  	_ =	shalt  }
0x3f: {  	_ =	shalt  }
0x40: {  	_ =	shalt  }
0x41: {  	_ =	shalt  }
0x42: {  	_ =	shalt  }
0x43: {  	_ =	shalt  }
0x44: {  	_ =	shalt  }
0x45: {  	_ =	shalt  }
0x46: {  	_ =	shalt  }
0x47: {  	_ =	shalt  }
0x48: {  	_ =	shalt  }
0x49: {  	_ =	shalt  }
0x4a: {  	_ =	shalt  }
0x4b: {  	_ =	shalt  }
0x4c: {  	_ =	shalt  }
0x4d: {  	_ =	shalt  }
0x4e: {  	_ =	shalt  }
0x4f: {  	_ =	shalt  }
0x50: {  	_ =	shalt  }
0x51: {  	_ =	shalt  }
0x52: {  	_ =	shalt  }
0x53: {  	_ =	shalt  }
0x54: {  	_ =	shalt  }
0x55: {  	_ =	shalt  }
0x56: {  	_ =	shalt  }
0x57: {  	_ =	shalt  }
0x58: {  	_ =	shalt  }
0x59: {  	_ =	shalt  }
0x5a: {  	_ =	shalt  }
0x5b: {  	_ =	shalt  }
0x5c: {  	_ =	shalt  }
0x5d: {  	_ =	shalt  }
0x5e: {  	_ =	shalt  }
0x5f: {  	_ =	shalt  }
0x60: {  	_ =	shalt  }
0x61: {  	_ =	shalt  }
0x62: {  	_ =	shalt  }
0x63: {  	_ =	shalt  }
0x64: {  	_ =	shalt  }
0x65: {  	_ =	shalt  }
0x66: {  	_ =	shalt  }
0x67: {  	_ =	shalt  }
0x68: {  	_ =	shalt  }
0x69: {  	_ =	shalt  }
0x6a: {  	_ =	shalt  }
0x6b: {  	_ =	shalt  }
0x6c: {  	_ =	shalt  }
0x6d: {  	_ =	shalt  }
0x6e: {  	_ =	shalt  }
0x6f: {  	_ =	shalt  }
0x70: {  	_ =	shalt  }
0x71: {  	_ =	shalt  }
0x72: {  	_ =	shalt  }
0x73: {  	_ =	shalt  }
0x74: {  	_ =	shalt  }
0x75: {  	_ =	shalt  }
0x76: {  	_ =	shalt  }
0x77: {  	_ =	shalt  }
0x78: {  	_ =	shalt  }
0x79: {  	_ =	shalt  }
0x7a: {  	_ =	shalt  }
0x7b: {  	_ =	shalt  }
0x7c: {  	_ =	shalt  }
0x7d: {  	_ =	shalt  }
0x7e: {  	_ =	shalt  }
0x7f: {  	_ =	shalt  }
0x80: {  	_ =	shalt  }
0x81: {  	_ =	shalt  }
0x82: {  	_ =	shalt  }
0x83: {  	_ =	shalt  }
0x84: {  	_ =	shalt  }
0x85: {  	_ =	shalt  }
0x86: {  	_ =	shalt  }
0x87: {  	_ =	shalt  }
.Lfunc_end0:
.L_simem_size_0:
called_computation.3_lowered:
.L_overlay_start_0:
0x88: {  	s2 =	sld [smem:$0x3FD9]  }
0x89: {  	s3 =	sld [smem:$0x3FFE];
	_ =	sdelay $0x1  }
0x8a: {  	s1 =	srdreg.scid  }
0x8b: {  	s0 =	sand.u32 $0x1, s1  }
0x8c: {  	s15 =	sshll.u32 s0, $0xA;
	s2 =	sadd.s32 s3, s2  }
0x8d: {  	s2 =	sadd.s32 s2, s15  }
0x8e: {  	[smem:$0x3FC6] =	sst s2  }
0x8f: {  	_ = 	snop  }
0x90: {  	s2 =	sld [smem:$0x3FD0];
	_ =	sdelay $0x2  }
0x91: {  	s4 =	simm.s32 $0xD;
	s16 =	simm.s32 $0x10  }
0x92: {  	[smem:s16], [sflag:s4] =	dma.local [hbm:s2], $0x1  }
0x93: {  	_ =	swait.eq [sflag:s4], $0x1  }
0x94: {  	[sflag:s4] =	ssyncset.done $0x0  }
0x95: {  	s17 =	sld [smem:$0x10];
	[sflag:s4] =	ssyncadd.s32 $0xFFFFFFFF  }
0x96: {  	s18 =	sld [smem:$0x11];
	(tm) =	ssettm $0x1  }
0x97: {  	s19 =	sld [smem:$0x3FFB];
	_ =	sdelay $0x3  }
0x98: {  	_ =	strace s19  }
0x99: {  	s2 =	sld [smem:$0x3FFC];
	_ =	sdelay $0x3  }
0x9a: {  	_ =	strace s2  }
0x9b: {  	s2 =	sld [smem:$0x3FFD];
	_ =	sdelay $0x3  }
0x9c: {  	_ =	strace s2  }
0x9d: {  	_ =	strace $0x8FFFFFFF  }
0x9e: {  	s20 =	sld [smem:$0x3FDB];
	_ =	sdelay $0x1  }
0x9f: {  	s5 =	simm.s32 $_scs_section_size  }
0xa0: {  	s6 =	simm.s32 $_size__tile_overlayer_lowered;
	s7 =	simm.s32 $_tile_overlayer_lowered  }
0xa1: {  	s8 =	simm.s32 $0x1BFF;
	s21 =	sshll.u32 s7, $0x1;
	s5 =	sadd.s32 s5, s20  }
0xa2: {  	s22 =	simm.s32 $0x0;
	s6 =	sshll.u32 s6, $0x1;
	s7 =	sadd.s32 s21, s5  }
0xa3: {  	[timem:s22], [sflag:s8] =	dma.local [hbm:s7], s6  }
0xa4: {  	_ =	swait.ge [sflag:s8], s6  }
0xa5: {  	s6 =	ssub.s32 $0x0, s6;
	[sflag:s8] =	ssyncset.done $0x0  }
0xa6: {  	[sflag:s8] =	ssyncadd.s32 s6;
	_ =	sdelay $0x1  }
0xa7: {  	s23 =	simm.s32 $0x1B8B  }
0xa8: {  	_ =	swait.ge [sflag:s23], $0x1  }
0xa9: {  	[sflag:s23] =	ssyncset.done $0x0  }
0xaa: {  	[sflag:s23] =	ssyncadd.s32 $0xFFFFFFFF  }
0xab: {  	s6 =	sld [smem:$0x0]  }
0xac: {  	s7 =	sand.u32 $0xFFFFFFFE, s1  }
0xad: {  	p0 =	sne.s32 s1, s7  }
0xae: {  	s7 =	sshll.u32 @p0 s7, $0xE  }
0xaf: {  	s7 =	sadd.s32 @p0 $0x11B8D, s7;
	s8 =	sshll.u32 @p0 s6, $0x11  }
0xb0: {  	s7 =	sor.u32 @p0 s8, s7  }
0xb1: {  	[sflag:s7] =	ssyncadd.remote.s32 @p0 $0x1;
	_ =	sdelay $0x1  }
0xb2: {  	s7 =	simm.s32 @p0 $0x1B8D  }
0xb3: {  	_ =	swait.eq @p0 [sflag:s7], $0x1  }
0xb4: {  	[sflag:s7] =	ssyncadd.s32 @p0 $0xFFFFFFFF  }
0xb5: {  	s8 =	sshll.u32 @!p0 s1, $0xE  }
0xb6: {  	s8 =	sor.u32 @!p0 $0x4000, s8;
	s7 =	simm.s32 @!p0 $0x1B8D  }
0xb7: {  	s6 =	sshll.u32 @!p0 s6, $0x11;
	s8 =	sadd.s32 @!p0 $0x11B8D, s8;
	_ =	swait.eq @!p0 [sflag:s7], $0x1  }
0xb8: {  	s6 =	sor.u32 @!p0 s6, s8;
	[sflag:s7] =	ssyncadd.s32 @!p0 $0xFFFFFFFF  }
0xb9: {  	s25 =	simm.s32 $0x1B8E;
	s24 =	sld [smem:$0x3FFE];
	[sflag:s6] =	ssyncadd.remote.s32 @!p0 $0x1  }
0xba: {  	s26 =	simm.s32 $execute0_lowered;
	[smem:$0x3FD2] =	sst s25  }
0xbb: {  	s7 =	sshll.u32 s26, $0x1;
	_ =	strace $0x8000004F;
	[dreg:$0x1] =	wrdreg $0xFFFFFFFF  }
0xbc: {  	s28 =	simm.s32 $_size_execute0_lowered;
	s5 =	sadd.s32 s5, s7;
	[dreg:$0x0] =	wrdreg $0x0  }
0xbd: {  	s7 =	sshll.u32 s28, $0x1;
	[dreg:$0x2] =	wrdreg s5  }
0xbe: {  	[dreg:$0x3] =	wrdreg s7  }
0xbf: {  	[dreg:$0x4] =	wrdreg $0xC0  }
0xc0: {  	_ =	task [dreg:s22], $0x5FFFF  }
0xc1: {  	[dreg:$0x1] =	wrdreg $0xFFFFFFFF  }
0xc2: {  	[dreg:$0x0] =	wrdreg $0x60  }
0xc3: {  	[dreg:$0x2] =	wrdreg s24  }
0xc4: {  	[dreg:$0x3] =	wrdreg s18  }
0xc5: {  	[dreg:$0x4] =	wrdreg s17  }
0xc6: {  	[dreg:$0x5] =	wrdreg $0xC  }
0xc7: {  	_ =	task.clear_ibuf [dreg:s22], $0x6FFFF;
	_ =	strace $0x9000004F  }
0xc8: {  	s29 =	simm.s32 $0xC;
	_ =	strace $0x80000051  }
0xc9: {  	_ =	swait.ge [sflag:s29], $0x1  }
0xca: {  	[sflag:s29] =	ssyncadd.s32 $0xFFFFFFFF  }
0xcb: {  	_ =	strace $0x90000051  }
0xcc: {  	_ =	sfence  }
0xcd: {  	s30 =	sld [smem:$0x0];
	_ =	sdelay $0x2  }
0xce: {  	s31 =	sshll.u32 s1, $0xD;
	s1 =	sshrl.u32 s1, $0x2  }
0xcf: {  	s4 =	sand.u32 $0x4000, s31;
	s1 =	sadd.s32 s1, s30  }
0xd0: {  	s0 =	sor.u32 s4, s0;
	s1 =	sshll.u32 s1, $0x11  }
0xd1: {  	s0 =	sor.u32 s1, s0  }
0xd2: {  	s0 =	sadd.s32 $0x8F2B, s0  }
0xd3: {  	[sflag:s0] =	ssyncadd.remote.s32 $0x1  }
0xd4: {  	_ =	sfence.sel $0xFFFF  }
0xd5: {  	[dreg:$0x0] =	wrdreg $0xFFFFFFFF;
	(pc) =	sbr.abs _section_cstart, $3  }
0xd6: {  	[dreg:$0x1] =	wrdreg $0xFFFFFFFF  }
0xd7: {  	_ =	task.clear_ibuf [dreg:s22], $0x2FFFF;
	_ =	strace $0x9FFFFFFF  }
0xd8: {  	(tm) =	ssettm $0x7FFFFFFF  }
0xd9: {  	_ =	shalt  }
tec
execute0_lowered:
.L_overlay_start_1:
0x0: {  	(tag) =	ssettag $0x1  }
0x1: {  	s3 =	rddreg [dreg:$0x0]  }
0x2: {  	s6 =	rddreg [dreg:$0x1]  }
0x3: {  	s7 =	rddreg [dreg:$0x2]  }
0x4: {  	s0 =	rddreg [dreg:$0x3]  }
0x5: {  	s2 =	simm.s32 $0x0;
	s1 =	stileid.u32;
	s4 =	srdreg.scid  }
0x6: {  	s11 =	simm.s32 $0x1280;
	s12 =	simm.s32 $0x1100;
	s13 =	simm.s32 $0x1380  }
0x7: {  	s14 =	simm.s32 $0x0;
	[smem:$0x7FF] =	sst s2;
	s5 =	sshll.u32 s1, $0x1  }
0x8: {  	s8 =	sshrl.u32 s1, $0x3;
	s4 =	sand.u32 $0x1, s4;
	_ =	strace $0x80000050  }
0x9: {  	s5 =	sand.u32 $0xE, s5;
	s9 =	sshll.u32 s8, $0xD;
	s10 =	ssub.s32 $0x2, s4  }
0xa: {  	s8 =	sshll.u32 s8, $0xA;
	s4 =	sor.u32 s4, s5;
	s3 =	sadd.s32 s9, s3  }
0xb: {  	s29 =	sshrl.u32 s10, $0x1;
	s9 =	simm.s32 $0x1;
	s30 =	sshll.u32 s4, $0x9  }
0xc: {  	s4 =	sshll.u32 s4, $0x5;
	s31 =	ssub.s32 s10, s29;
	s3 =	sadd.s32 s30, s3  }
0xd: {  	s10 =	simm.s32 $0x1000;
	s8 =	sor.u32 s8, s4;
	s3 =	sadd.s32 $0x11800, s3  }
0xe: {  	v0 =	vlaneseq.u32;
	vm0 =	vmmov $0xff;
	s4 =	sadd.s32 s6, s8;
	s5 =	sadd.s32 s7, s8;
	s8 =	sor.u32 $0x200, s8  }
0xf: {  	v1 =	vor.u32 $0x10, v0;
	v2 =	vor.u32 $0x20, v0;
	v3 =	vor.u32 $0x30, v0;
	s6 =	sadd.s32 s6, s8;
	s7 =	sadd.s32 s7, s8;
	s8 =	smax.u32 s31, $0x1  }
.LBB2_1:
0x10: {  	[tilespmem:s2], [sflag:$0x1] =	stream.linear.gather [hbm4b:s3+s2], $0x1000, $0x38;
	[tilespmem:$0x1500] =	vst v63  }
0x11: {  	_ =	swait.ge [sflag:s9], $0x1000  }
0x12: {  	[sflag:s9] =	ssyncset.done $0x0  }
0x13: {  	s15 =	simm.s32 $0x40;
	[sflag:s9] =	ssyncadd.s32 $0xFFFFF000  }
0x14: {  	v4 =	vld [tilespmem:s15+$0x30]  }
0x15: {  	v5 =	vld [tilespmem:s15+$0x0]  }
0x16: {  	v6 =	vld [tilespmem:s15+$0x20]  }
0x17: {  	v7 =	vld [tilespmem:s15+$0x10];
	_ =	sdelay $0x1  }
0x18: {  	v8 =	vld [tilespmem:s15+$0xFFFFFFC0];
	(xrf1) =	vsort.ascd.msk.f32 $0xffff, v4, v3  }
0x19: {  	v9 =	vld [tilespmem:s15+$0xFFFFFFF0];
	(xrf1) =	vsort.dscd.msk.f32 $0xffff, v5, v0  }
0x1a: {  	v4 =	vld [tilespmem:s15+$0xFFFFFFE0];
	(xrf1) =	vsort.dscd.msk.f32 $0xffff, v6, v2  }
0x1b: {  	v5 =	vld [tilespmem:s15+$0xFFFFFFD0];
	(xrf1) =	vsort.ascd.msk.f32 $0xffff, v7, v1;
	_ =	sdelay $0x1  }
0x1c: {  	(xrf1) =	vsort.dscd.msk.f32 $0xffff, v8, v0  }
0x1d: {  	(xrf1) =	vsort.ascd.msk.f32 $0xffff, v9, v3  }
0x1e: {  	(xrf1) =	vsort.dscd.msk.f32 $0xffff, v4, v2  }
0x1f: {  	(xrf1) =	vsort.ascd.msk.f32 $0xffff, v5, v1;
	_ =	sdelay $0x5  }
0x20: {  	v4, v5, _ =	vpop (xrf1)  }
0x21: {  	v6, v7, _ =	vpop (xrf1)  }
0x22: {  	v56, v57, _ =	vpop (xrf1)  }
0x23: {  	v10, v11, _ =	vpop (xrf1);
	v4 =	vsel vm0, v56, v4;
	v5 =	vsel vm0, v57, v5  }
0x24: {  	v6 =	vsel vm0, v6, v10;
	v7 =	vsel vm0, v7, v11;
	(xrf1) =	vsort.ascd.msk.f32 $0xffff, v4, v5  }
0x25: {  	v12, v13, _ =	vpop (xrf1);
	(xrf1) =	vsort.dscd.msk.f32 $0xffff, v6, v7  }
0x26: {  	v58, v59, _ =	vpop (xrf1)  }
0x27: {  	v4, v5, _ =	vpop (xrf1)  }
0x28: {  	v4 =	vsel vm0, v4, v58;
	v5 =	vsel vm0, v5, v59;
	v6, v7, _ =	vpop (xrf1)  }
0x29: {  	v6 =	vsel vm0, v12, v6;
	v7 =	vsel vm0, v13, v7;
	(xrf1) =	vsort.ascd.msk.f32 $0xffff, v4, v5  }
0x2a: {  	(xrf1) =	vsort.dscd.msk.f32 $0xffff, v6, v7;
	_ =	sdelay $0x7  }
0x2b: {  	v4, v5, _ =	vpop (xrf1)  }
0x2c: {  	v6, v7, _ =	vpop (xrf1)  }
0x2d: {  	v5 =	vsel vm0, v7, v5  }
0x2e: {  	v4 =	vsel vm0, v6, v4;
	_ =	sdelay $0x1  }
0x2f: {  	v6, v7, _ =	vpop (xrf1)  }
0x30: {  	(xrf1) =	vsort.dscd.msk.f32 $0xffff, v4, v5;
	v4, v5, _ =	vpop (xrf1)  }
0x31: {  	v4 =	vsel vm0, v4, v6;
	v5 =	vsel vm0, v5, v7  }
0x32: {  	(xrf1) =	vsort.dscd.msk.f32 $0xffff, v4, v5;
	_ =	sdelay $0xb  }
0x33: {  	v4, v5, _ =	vpop (xrf1)  }
0x34: {  	v4 =	vnsel vm0, $0x0, v4  }
0x35: {  	(xrf2) =	vadd.scan.msk.f32 $0xffff, v4;
	v6, v7, _ =	vpop (xrf1)  }
0x36: {  	v6 =	vnsel vm0, $0x0, v6  }
0x37: {  	(xrf2) =	vadd.scan.msk.f32 $0xffff, v6;
	_ =	sdelay $0x7  }
0x38: {  	v60, _, _ =	vpop (xrf2)  }
0x39: {  	v8 =	vbroadcast v60, $0xF  }
0x3a: {  	v61, _, _ =	vpop (xrf2)  }
0x3b: {  	(erf) = vrcp.f32 v8;
	v62 =	vbroadcast v61, $0xF;
	_ =	sdelay $0x1  }
0x3c: {  	(erf) = vrcp.f32 v62;
	_ =	sdelay $0x6  }
0x3d: {  	s17 =	simm.s32 $0x0;
	v63 =	vpop (erf)  }
0x3e: {  	[tilespmem:s17+$0x1380] =	vst.msk $0xff, v5;
	v4 =	vmul.f32 v63, v4  }
0x3f: {  	[tilespmem:s17+$0x1280] =	vst.msk $0xff, v7;
	v5 =	vpop (erf)  }
0x40: {  	s16 =	simm.s32 $0x20;
	[tilespmem:s17+$0x1100] =	vst.msk $0xff, v4;
	v4 =	vmul.f32 v5, v6  }
.LBB2_2:
0x41: {  	p0 =	sne.s32 s16, $0x3E0  }
0x42: {  	s15 =	sadd.s32 $0x80, s15;
	[tilespmem:s17+$0x1000] =	vst.msk $0xff, v4;
	s17 =	smov.u32 s16;
	s16 =	sadd.s32 $0x20, s16  }
0x43: {  	v4 =	vld [tilespmem:s15+$0x30]  }
0x44: {  	v5 =	vld [tilespmem:s15+$0x0]  }
0x45: {  	v6 =	vld [tilespmem:s15+$0x20]  }
0x46: {  	v7 =	vld [tilespmem:s15+$0x10]  }
0x47: {  	v8 =	vld [tilespmem:s15+$0xFFFFFFC0]  }
0x48: {  	v9 =	vld [tilespmem:s15+$0xFFFFFFF0];
	(xrf1) =	vsort.ascd.msk.f32 $0xffff, v4, v3  }
0x49: {  	v4 =	vld [tilespmem:s15+$0xFFFFFFE0];
	(xrf1) =	vsort.dscd.msk.f32 $0xffff, v5, v0  }
0x4a: {  	v5 =	vld [tilespmem:s15+$0xFFFFFFD0];
	(xrf1) =	vsort.dscd.msk.f32 $0xffff, v6, v2  }
0x4b: {  	(xrf1) =	vsort.ascd.msk.f32 $0xffff, v7, v1  }
0x4c: {  	(xrf1) =	vsort.dscd.msk.f32 $0xffff, v8, v0  }
0x4d: {  	(xrf1) =	vsort.ascd.msk.f32 $0xffff, v9, v3  }
0x4e: {  	(xrf1) =	vsort.dscd.msk.f32 $0xffff, v4, v2  }
0x4f: {  	(xrf1) =	vsort.ascd.msk.f32 $0xffff, v5, v1;
	_ =	sdelay $0x6  }
0x50: {  	v4, v5, _ =	vpop (xrf1)  }
0x51: {  	v6, v7, _ =	vpop (xrf1)  }
0x52: {  	v8, v9, _ =	vpop (xrf1)  }
0x53: {  	v12 =	vsel vm0, v8, v4;
	v10 =	vsel vm0, v9, v5;
	v8, v9, _ =	vpop (xrf1)  }
0x54: {  	v13 =	vsel vm0, v6, v8;
	v11 =	vsel vm0, v7, v9;
	v8, v9, _ =	vpop (xrf1);
	(xrf1) =	vsort.ascd.msk.f32 $0xffff, v12, v10  }
0x55: {  	v4, v5, _ =	vpop (xrf1);
	(xrf1) =	vsort.dscd.msk.f32 $0xffff, v13, v11  }
0x56: {  	v6, v7, _ =	vpop (xrf1)  }
0x57: {  	v4 =	vsel vm0, v6, v4;
	v5 =	vsel vm0, v7, v5;
	v6, v7, _ =	vpop (xrf1)  }
0x58: {  	v6 =	vsel vm0, v8, v6;
	v7 =	vsel vm0, v9, v7;
	(xrf1) =	vsort.ascd.msk.f32 $0xffff, v4, v5  }
0x59: {  	(xrf1) =	vsort.dscd.msk.f32 $0xffff, v6, v7;
	_ =	sdelay $0x8  }
0x5a: {  	v4, v5, _ =	vpop (xrf1)  }
0x5b: {  	v6, v7, _ =	vpop (xrf1)  }
0x5c: {  	v8 =	vsel vm0, v6, v4;
	v6 =	vsel vm0, v7, v5  }
0x5d: {  	(xrf1) =	vsort.dscd.msk.f32 $0xffff, v8, v6  }
0x5e: {  	v4, v5, _ =	vpop (xrf1)  }
0x5f: {  	v6, v7, _ =	vpop (xrf1)  }
0x60: {  	v4 =	vsel vm0, v6, v4;
	v5 =	vsel vm0, v7, v5  }
0x61: {  	(xrf1) =	vsort.dscd.msk.f32 $0xffff, v4, v5;
	_ =	sdelay $0x9  }
0x62: {  	s17 =	sshra.s32 s17, $0x2;
	v4, v5, _ =	vpop (xrf1)  }
0x63: {  	v4 =	vnsel vm0, $0x0, v4;
	[tilespmem:s17+$0x1380] =	vst.msk $0xff, v5  }
0x64: {  	(xrf2) =	vadd.scan.msk.f32 $0xffff, v4;
	_ =	sdelay $0x1  }
0x65: {  	v5, v6, _ =	vpop (xrf1)  }
0x66: {  	v5 =	vnsel vm0, $0x0, v5;
	[tilespmem:s17+$0x1280] =	vst.msk $0xff, v6  }
0x67: {  	(xrf2) =	vadd.scan.msk.f32 $0xffff, v5;
	_ =	sdelay $0x5  }
0x68: {  	v6, _, _ =	vpop (xrf2)  }
0x69: {  	v7 =	vbroadcast v6, $0xF;
	_ =	sdelay $0x1  }
0x6a: {  	(erf) = vrcp.f32 v7  }
0x6b: {  	v6, _, _ =	vpop (xrf2)  }
0x6c: {  	v6 =	vbroadcast v6, $0xF;
	_ =	sdelay $0x1  }
0x6d: {  	(erf) = vrcp.f32 v6;
	_ =	sdelay $0x4  }
0x6e: {  	v6 =	vpop (erf)  }
.Ltmp0:
0x6f: {  	v6 =	vmul.f32 v6, v4;
	(pc) =	sbr.rel @p0 .LBB2_2-.Ltmp0, $4  }
0x70: {  	_ = 	snop  }
0x71: {  	[tilespmem:s17+$0x1100] =	vst.msk $0xff, v6  }
0x72: {  	v4 =	vpop (erf)  }
0x73: {  	v4 =	vmul.f32 v4, v5  }
0x74: {  	_ = 	snop  }
0x75: {  	[tilespmem:s17+$0x1000] =	vst.msk $0xff, v4  }
0x76: {  	[hbm4b:s4+s2] =	stream.linear.scatter [tilespmem:s10], [sflag:$0x1], $0x100, $0x38;
	[tilespmem:$0x1500] =	vst v63  }
0x77: {  	_ =	swait.ge [sflag:s9], $0x100  }
0x78: {  	[sflag:s9] =	ssyncset.done $0x0  }
0x79: {  	[sflag:s9] =	ssyncadd.s32 $0xFFFFFF00  }
0x7a: {  	[hbm4b:s5+s2] =	stream.linear.scatter [tilespmem:s11], [sflag:$0x1], $0x100, $0x38;
	[tilespmem:$0x1500] =	vst v63  }
0x7b: {  	_ =	swait.ge [sflag:s9], $0x100  }
0x7c: {  	[sflag:s9] =	ssyncset.done $0x0  }
0x7d: {  	[sflag:s9] =	ssyncadd.s32 $0xFFFFFF00  }
0x7e: {  	[hbm4b:s6+s2] =	stream.linear.scatter [tilespmem:s12], [sflag:$0x1], $0x100, $0x38;
	[tilespmem:$0x1500] =	vst v63  }
0x7f: {  	s14 =	sadd.s32 $0x1, s14;
	_ =	swait.ge [sflag:s9], $0x100  }
0x80: {  	p0 =	sne.s32 s14, s8;
	[sflag:s9] =	ssyncset.done $0x0  }
.Ltmp1:
0x81: {  	[sflag:s9] =	ssyncadd.s32 $0xFFFFFF00;
	(pc) =	sbr.rel @p0 .LBB2_1-.Ltmp1, $4  }
0x82: {  	[hbm4b:s7+s2] =	stream.linear.scatter [tilespmem:s13], [sflag:$0x1], $0x100, $0x38;
	[tilespmem:$0x1500] =	vst v63  }
0x83: {  	_ =	swait.ge [sflag:s9], $0x100  }
0x84: {  	[sflag:s9] =	ssyncset.done $0x0  }
0x85: {  	[sflag:s9] =	ssyncadd.s32 $0xFFFFFF00  }
0x86: {  	_ =	sfence.sel $0x180000  }
0x87: {  	[bflag:$0x0] =	sbarrier.arrive $0xFFFF  }
0x88: {  	p0 =	sne.s32 s1, $0x0;
	_ =	strace $0x90000050  }
0x89: {  	s0 =	sadd.s32 @!p0 $0x100000, s0;
	[bflag:$0x2] =	sbarrier.arrive $0xFFFF  }
0x8a: {  	[sflag:s0] =	ssyncadd.tile.s32 @!p0 $0x1;
	_ =	shalt  }
.Lfunc_end2:
_tile_overlayer_lowered:
.L_overlay_start_2:
0x8b: {  	(tag) =	ssettag $0x2  }
0x8c: {  	s0 =	rddreg [dreg:$0x0];
	s2 =	stileid.u32  }
0x8d: {  	s1 =	rddreg [dreg:$0x1];
	p0 =	sne.s32 s2, $0x0  }
0x8e: {  	s3 =	rddreg [dreg:$0x2];
	[bflag:$0x3] =	sbarrier.arrive $0xFFFF;
	s2 =	simm.s32 @!p0 $0x1C02  }
0x8f: {  	[timem:s3], [sflag:s2] =	dma.local @!p0 [hbm:s0], s1  }
0x90: {  	s0 =	simm.s32 @!p0 $0x2  }
0x91: {  	_ =	swait.ge @!p0 [sflag:s0], s1  }
0x92: {  	s1 =	ssub.s32 @!p0 $0x0, s1;
	[sflag:s0] =	ssyncset.done @!p0 $0x0  }
0x93: {  	[sflag:s0] =	ssyncadd.s32 @!p0 s1  }
0x94: {  	[bflag:$0x3] =	sbarrier.arrive $0xFFFF  }
0x95: {  	_ =	shalt  }

</sc_bundles>
